<compile_context>
chip_gen: v7x
topology: tpu7x:2x2x1
jax: 0.10.2.dev20260603
libtpu: 0.0.44.dev20260713+nightly
codegen_flags: <defaults>
</compile_context>

<pallas_src>
import functools

import jax
import jax.numpy as jnp
from jax import lax
from jax.experimental import pallas as pl
from jax.experimental.pallas import tpu as pltpu
from jax.experimental.pallas import tpu_sc as plsc

_B = 2
_N = 10000
_PATCH = 256
_LATENT = 256
_IDD = 64
_HID = 512
_SLOTS = 4
_M = _B * _N
_RA = 2000
_RC = 1000
_SC_N0 = 80
_SC_N1 = 80
_SC_CH = 32
_SC_NB = 8


def _bf16_bits(x):
    u = jax.lax.bitcast_convert_type(x, jnp.uint32)
    return (u + jnp.uint32(0x7FFF) + ((u >> 16) & jnp.uint32(1))) >> 16


def _sender_body(z_ref, id_ref, w1z_ref, w1sid_ref, s_ref):
    f32 = jnp.float32
    s = (jnp.dot(z_ref[...], w1z_ref[...], preferred_element_type=f32)
         + jnp.dot(id_ref[...], w1sid_ref[...], preferred_element_type=f32))
    hw = _HID // 2
    lo = _bf16_bits(s[:, :hw])
    hi = _bf16_bits(s[:, hw:])
    s_ref[...] = jax.lax.bitcast_convert_type(lo | (hi << 16), f32)


def _obs_body(obs_ref, omask_ref,
              wo0_ref, bo0_ref, wo1_ref, bo1_ref, wo2_ref, bo2_ref, oe_ref):
    f32 = jnp.float32
    h = jnp.maximum(jnp.dot(obs_ref[...], wo0_ref[...], preferred_element_type=f32)
                    + bo0_ref[...], 0.0)
    h = jnp.maximum(jnp.dot(h, wo1_ref[...], preferred_element_type=f32)
                    + bo1_ref[...], 0.0)
    oe = jnp.dot(h, wo2_ref[...], preferred_element_type=f32) + bo2_ref[...]
    oe_ref[...] = oe * omask_ref[...]


def _phase_c_body(g_ref, oe_ref, z_ref, id_ref, ed_ref, nm_ref,
                  omask_ref, w1id_ref, b1_ref, wrel_ref, w2_ref, b2_ref,
                  wiho_ref, wihm_ref, wihi_ref, wihmk_ref, bih_ref,
                  whh_ref, bhh_ref,
                  ws0_ref, bs0_ref, ws1_ref, bs1_ref, ws2_ref, bs2_ref,
                  wn0_ref, bn0_ref, wn1_ref, bn1_ref, wn2_ref, bn2_ref,
                  zn_ref, sp_ref, npred_ref):
    f32 = jnp.float32
    L = _LATENT
    rv = (jnp.dot(id_ref[...].astype(jnp.bfloat16), w1id_ref[...],
                  preferred_element_type=f32) + b1_ref[...])
    ed = ed_ref[...]
    nm = nm_ref[...]
    hw = _HID // 2
    rows = g_ref.shape[1]
    bf = jnp.bfloat16
    hlo = jnp.zeros((rows, hw), f32)
    hhi = jnp.zeros((rows, hw), f32)
    for s in range(_SLOTS):
        elo = (ed[:, 2 * s:2 * s + 1] * wrel_ref[0:1, :hw]
               + ed[:, 2 * s + 1:2 * s + 2] * wrel_ref[1:2, :hw])
        ehi = (ed[:, 2 * s:2 * s + 1] * wrel_ref[0:1, hw:]
               + ed[:, 2 * s + 1:2 * s + 2] * wrel_ref[1:2, hw:])
        w = jax.lax.bitcast_convert_type(g_ref[s], jnp.uint32)
        glo = jax.lax.bitcast_convert_type(w << 16, f32)
        ghi = jax.lax.bitcast_convert_type(w & jnp.uint32(0xFFFF0000), f32)
        nms = nm[:, s:s + 1]
        hlo = hlo + nms * jnp.maximum(glo + rv[:, :hw] + elo, 0.0)
        hhi = hhi + nms * jnp.maximum(ghi + rv[:, hw:] + ehi, 0.0)
    msum = jnp.sum(nm, axis=1, keepdims=True)
    agg = (jnp.dot(hlo.astype(bf), w2_ref[:hw], preferred_element_type=f32)
           + jnp.dot(hhi.astype(bf), w2_ref[hw:], preferred_element_type=f32)
           + msum * b2_ref[...])
    msg = agg / jnp.maximum(msum, 1.0)
    z_prev = z_ref[...]
    gi = (jnp.dot(oe_ref[...].astype(bf), wiho_ref[...], preferred_element_type=f32)
          + jnp.dot(msg.astype(bf), wihm_ref[...], preferred_element_type=f32)
          + jnp.dot(id_ref[...].astype(bf), wihi_ref[...], preferred_element_type=f32)
          + omask_ref[...] * wihmk_ref[...] + bih_ref[...])
    gh = (jnp.dot(z_prev.astype(bf), whh_ref[...], preferred_element_type=f32)
          + bhh_ref[...])
    r = jax.nn.sigmoid(gi[:, :L] + gh[:, :L])
    zg = jax.nn.sigmoid(gi[:, L:2 * L] + gh[:, L:2 * L])
    n = jnp.tanh(gi[:, 2 * L:] + r * gh[:, 2 * L:])
    zn = (1.0 - zg) * n + zg * z_prev
    zn_ref[...] = zn
    znb = zn.astype(bf)
    t = jnp.maximum(jnp.dot(znb, ws0_ref[...], preferred_element_type=f32) + bs0_ref[...], 0.0)
    t = jnp.maximum(jnp.dot(t.astype(bf), ws1_ref[...], preferred_element_type=f32) + bs1_ref[...], 0.0)
    sp_ref[...] = jnp.dot(t.astype(bf), ws2_ref[...], preferred_element_type=f32) + bs2_ref[...]
    t = jnp.maximum(jnp.dot(znb, wn0_ref[...], preferred_element_type=f32) + bn0_ref[...], 0.0)
    t = jnp.maximum(jnp.dot(t.astype(bf), wn1_ref[...], preferred_element_type=f32) + bn1_ref[...], 0.0)
    tb = t.astype(bf)
    for s in range(_SLOTS):
        npred_ref[:, s, :] = (
            jnp.dot(tb, wn2_ref[:, s * L:(s + 1) * L], preferred_element_type=f32)
            + bn2_ref[:, s * L:(s + 1) * L])


def _gather_sc(table, idx):
    info = plsc.get_sparse_core_info()
    ch = idx.shape[1]
    n0, n1 = _SC_N0, _SC_N1
    t_rows = info.num_subcores * (n0 + n1) * ch
    nb = _SC_NB
    mesh = plsc.VectorSubcoreMesh(core_axis_name="c", subcore_axis_name="s")

    @functools.partial(
        pl.kernel, mesh=mesh,
        out_type=jax.ShapeDtypeStruct((t_rows, _HID // 2), jnp.float32),
        scratch_types=[pltpu.VMEM((n0, ch), jnp.int32),
                       pltpu.VMEM((nb, ch, _HID // 2), jnp.float32)]
                      + [pltpu.SemaphoreType.DMA] * (2 * nb))
    def k(table_hbm, idx_hbm, out_hbm, idx_v, buf_v, *sems):
        gsems, wsems = sems[:nb], sems[nb:]
        s_ax = lax.axis_index("s")
        c_ax = lax.axis_index("c")
        nchunk = n0 if n0 == n1 else jnp.where(c_ax == 0, n0, n1)
        base_row = s_ax * (n0 + n1) + c_ax * n0
        base = base_row * ch
        pltpu.sync_copy(idx_hbm.at[pl.ds(base_row, n0)], idx_v)

        def start_g(c, b):
            pltpu.async_copy(table_hbm.at[idx_v.at[c]], buf_v.at[b], gsems[b])

        def wait_g(b):
            pltpu.make_async_copy(table_hbm.at[pl.ds(0, ch)],
                                  buf_v.at[b], gsems[b]).wait()

        def start_w(c, b):
            pltpu.async_copy(buf_v.at[b],
                             out_hbm.at[pl.ds(base + c * ch, ch)], wsems[b])

        def wait_w(b):
            pltpu.make_async_copy(buf_v.at[b],
                                  out_hbm.at[pl.ds(0, ch)], wsems[b]).wait()

        for b in range(nb):
            start_g(b, b)

        def group(gidx, carry):
            for b in range(nb):
                c = gidx * nb + b
                wait_g(b)
                start_w(c, b)
            for b in range(nb):
                c = gidx * nb + b

                @pl.when(c + nb < nchunk)
                def _():
                    wait_w(b)
                    start_g(c + nb, b)
            return carry

        lax.fori_loop(0, nchunk // nb, group, 0)
        for b in range(nb):
            wait_w(b)

    return k(table, idx)


def kernel(z_prev, obs_patches, obs_mask, id_features, neighbor_idx,
           neighbor_mask, edge_delta, disable_messages, params):
    f32 = jnp.float32
    (wo0, bo0), (wo1, bo1), (wo2, bo2) = params["obs"]
    (wm1, bm1), (wm2, bm2) = params["msg"]
    wih, bih, whh, bhh = params["gru"]
    (ws0, bs0), (ws1, bs1), (ws2, bs2) = params["self"]
    (wn0, bn0), (wn1, bn1), (wn2, bn2) = params["nb"]

    w1z = wm1[:, :_LATENT].T
    w1sid = wm1[:, _LATENT:_LATENT + _IDD].T
    w1id = wm1[:, _LATENT + _IDD:_LATENT + 2 * _IDD].T
    wrel = wm1[:, _LATENT + 2 * _IDD:]
    wrel = wrel.T
    wiho = wih[:, :_LATENT].T
    wihm = wih[:, _LATENT:2 * _LATENT].T
    wihi = wih[:, 2 * _LATENT:2 * _LATENT + _IDD].T
    wihmk = wih[:, 2 * _LATENT + _IDD].reshape(1, 3 * _LATENT)

    zf = z_prev.reshape(_M, _LATENT)
    obsf = obs_patches.reshape(_M, _PATCH)
    idf = id_features.reshape(_M, _IDD)
    omaskf = obs_mask.reshape(_M, 1)

    row2 = lambda v: v.reshape(1, -1)
    grid_a = _M // _RA
    full = lambda shp: pl.BlockSpec(shp, lambda i: (0, 0))
    rowblk = lambda d, r: pl.BlockSpec((r, d), lambda i: (i, 0))
    s_out = pl.pallas_call(
        _sender_body,
        grid=(grid_a,),
        in_specs=[rowblk(_LATENT, _RA), rowblk(_IDD, _RA),
                  full((_LATENT, _HID)), full((_IDD, _HID))],
        out_specs=rowblk(_HID // 2, _RA),
        out_shape=jax.ShapeDtypeStruct((_M, _HID // 2), f32),
    )(zf, idf, w1z, w1sid)

    oe_out = pl.pallas_call(
        _obs_body,
        grid=(grid_a,),
        in_specs=[rowblk(_PATCH, _RA), rowblk(1, _RA),
                  full((_PATCH, _HID)), full((1, _HID)),
                  full((_HID, _HID)), full((1, _HID)),
                  full((_HID, _LATENT)), full((1, _LATENT))],
        out_specs=rowblk(_LATENT, _RA),
        out_shape=jax.ShapeDtypeStruct((_M, _LATENT), f32),
    )(obsf, omaskf, wo0.T, row2(bo0), wo1.T, row2(bo1), wo2.T, row2(bo2))

    mp = 20480
    idx_c = jnp.maximum(neighbor_idx, 0)
    boff = (jnp.arange(_B, dtype=jnp.int32) * _N)[:, None]
    cols = [jnp.pad((boff + idx_c[:, s][None, :]).reshape(_M), (0, mp - _M))
            for s in range(_SLOTS)]
    flat_idx = jnp.concatenate(cols, axis=0).astype(jnp.int32)
    nrow = _SLOTS * mp // _SC_CH
    flat_idx = jnp.pad(flat_idx, (0, (_SC_N0 - _SC_N1) * _SC_CH)).reshape(
        nrow + _SC_N0 - _SC_N1, _SC_CH)

    g = _gather_sc(s_out, flat_idx).reshape(_SLOTS, mp, _HID // 2)

    bfc = lambda w: w.astype(jnp.bfloat16)
    scale = (jnp.asarray(disable_messages) == 0).astype(f32)
    nmf = neighbor_mask * scale
    edf = edge_delta.reshape(_N, 2 * _SLOTS)

    grid_c = _M // _RC
    nblk = _N // _RC
    gblk = pl.BlockSpec((_SLOTS, _RC, _HID // 2), lambda i: (0, i, 0))
    rowblk_c = lambda d: pl.BlockSpec((_RC, d), lambda i: (i, 0))
    nrowblk = lambda d: pl.BlockSpec((_RC, d), lambda i: (i % nblk, 0))
    zn, sp, npred = pl.pallas_call(
        _phase_c_body,
        grid=(grid_c,),
        in_specs=[gblk, rowblk_c(_LATENT), rowblk_c(_LATENT),
                  rowblk_c(_IDD), nrowblk(2 * _SLOTS), nrowblk(_SLOTS),
                  rowblk_c(1),
                  full((_IDD, _HID)), full((1, _HID)),
                  full((2, _HID)), full((_HID, _LATENT)), full((1, _LATENT)),
                  full((_LATENT, 3 * _LATENT)), full((_LATENT, 3 * _LATENT)),
                  full((_IDD, 3 * _LATENT)), full((1, 3 * _LATENT)),
                  full((1, 3 * _LATENT)),
                  full((_LATENT, 3 * _LATENT)), full((1, 3 * _LATENT)),
                  full((_LATENT, _HID)), full((1, _HID)),
                  full((_HID, _HID)), full((1, _HID)),
                  full((_HID, _PATCH)), full((1, _PATCH)),
                  full((_LATENT, _HID)), full((1, _HID)),
                  full((_HID, _HID)), full((1, _HID)),
                  full((_HID, _SLOTS * _LATENT)), full((1, _SLOTS * _LATENT))],
        out_specs=[rowblk_c(_LATENT), rowblk_c(_PATCH),
                   pl.BlockSpec((_RC, _SLOTS, _LATENT), lambda i: (i, 0, 0))],
        out_shape=[jax.ShapeDtypeStruct((_M, _LATENT), f32),
                   jax.ShapeDtypeStruct((_M, _PATCH), f32),
                   jax.ShapeDtypeStruct((_M, _SLOTS, _LATENT), f32)],
    )(g, oe_out, zf, idf, edf, nmf, omaskf,
      bfc(w1id), row2(bm1), wrel, bfc(wm2.T), row2(bm2),
      bfc(wiho), bfc(wihm), bfc(wihi), wihmk, row2(bih),
      bfc(whh.T), row2(bhh),
      bfc(ws0.T), row2(bs0), bfc(ws1.T), row2(bs1), bfc(ws2.T), row2(bs2),
      bfc(wn0.T), row2(bn0), bfc(wn1.T), row2(bn1), bfc(wn2.T), row2(bn2))

    z_next = zn.reshape(_B, _N, _LATENT)
    self_pred = sp.reshape(_B, _N, _PATCH)
    neighbor_pred = npred.reshape(_B, _N, _SLOTS, _LATENT)
    return (z_next, self_pred, neighbor_pred)

# --- scband reference (transcript-rebuilt; emitter-appended) ---
"""Pipeline reference for scband-distributed-world-model-86689619903350 (READ-ONLY COPY).

The authoritative reference and input builder live on the scoring server;
editing this copy changes nothing except your own understanding.
"""

import jax, jax.numpy as jnp
import numpy as np

B = 2
N = 10000
PATCH = 256
LATENT = 256
IDD = 64
HID = 512
SLOTS = 4


def _lin(key, out_dim, in_dim):
    k1, k2 = jax.random.split(key)
    W = jax.random.normal(k1, (out_dim, in_dim), jnp.float32) * (1.0 / np.sqrt(in_dim))
    b = jax.random.normal(k2, (out_dim,), jnp.float32) * 0.01
    return (W, b)


def _mlp(key, in_dim, out_dim, hid, layers):
    ps = []
    last = in_dim
    for i in range(layers):
        ps.append(_lin(jax.random.fold_in(key, i), hid, last))
        last = hid
    ps.append(_lin(jax.random.fold_in(key, layers), out_dim, last))
    return ps


def _mlp_apply(ps, x):
    for (W, b) in ps[:-1]:
        x = jax.nn.relu(x @ W.T + b)
    W, b = ps[-1]
    return x @ W.T + b


def _gru_apply(p, x, h):
    Wih, bih, Whh, bhh = p
    gi = x @ Wih.T + bih
    gh = h @ Whh.T + bhh
    i_r, i_z, i_n = jnp.split(gi, 3, axis=1)
    h_r, h_z, h_n = jnp.split(gh, 3, axis=1)
    r = jax.nn.sigmoid(i_r + h_r)
    z = jax.nn.sigmoid(i_z + h_z)
    n = jnp.tanh(i_n + r * h_n)
    return (1.0 - z) * n + z * h


def setup_inputs(seed: int = 0):
    key = jax.random.key(seed)
    ks = [jax.random.fold_in(key, i) for i in range(16)]
    z_prev = jax.random.normal(ks[0], (B, N, LATENT), jnp.float32)
    obs_patches = jax.random.normal(ks[1], (B, N, PATCH), jnp.float32)
    obs_mask = jax.random.uniform(ks[2], (B, N), jnp.float32)
    id_features = jax.random.normal(ks[3], (B, N, IDD), jnp.float32)
    neighbor_idx = jax.random.randint(ks[4], (N, SLOTS), 0, N, jnp.int32)
    neighbor_mask = jax.random.uniform(ks[5], (N, SLOTS), jnp.float32)
    edge_delta = jax.random.normal(ks[6], (N, SLOTS, 2), jnp.float32)
    update_in_dim = LATENT + LATENT + IDD + 1
    msg_in_dim = LATENT + 2 * IDD + 2
    Wih, bih = _lin(ks[8], 3 * LATENT, update_in_dim)
    Whh, bhh = _lin(ks[9], 3 * LATENT, LATENT)
    params = {
        "obs": _mlp(ks[10], PATCH, LATENT, HID, 2),
        "msg": _mlp(ks[11], msg_in_dim, LATENT, HID, 1),
        "gru": (Wih, bih, Whh, bhh),
        "self": _mlp(ks[12], LATENT, PATCH, HID, 2),
        "nb": _mlp(ks[13], LATENT, 4 * LATENT, HID, 2),
    }
    return {
        "z_prev": z_prev,
        "obs_patches": obs_patches,
        "obs_mask": obs_mask,
        "id_features": id_features,
        "neighbor_idx": neighbor_idx,
        "neighbor_mask": neighbor_mask,
        "edge_delta": edge_delta,
        "disable_messages": 0,
        "params": params,
    }


def _step(z_prev, obs_patches, obs_mask, id_features, neighbor_idx, neighbor_mask, edge_delta, disable_messages, params):
    Bsz, num_agents, patch_dim = obs_patches.shape
    obs_embed = _mlp_apply(params["obs"], obs_patches.reshape(Bsz * num_agents, patch_dim))
    obs_embed = obs_embed.reshape(Bsz, num_agents, LATENT) * obs_mask[..., None]
    idx_safe = jnp.maximum(neighbor_idx, 0)
    agg = jnp.zeros_like(z_prev)
    for slot in range(idx_safe.shape[1]):
        idx = idx_safe[:, slot]
        sender_z = z_prev[:, idx, :]
        sender_ids = id_features[:, idx, :]
        rel = jnp.broadcast_to(edge_delta[:, slot, :].reshape(1, num_agents, 2), (Bsz, num_agents, 2))
        msg_in = jnp.concatenate([sender_z, sender_ids, id_features, rel], axis=-1)
        m = _mlp_apply(params["msg"], msg_in.reshape(Bsz * num_agents, -1)).reshape(Bsz, num_agents, LATENT)
        agg = agg + m * neighbor_mask[:, slot].reshape(1, num_agents, 1)
    denom = jnp.maximum(neighbor_mask.sum(axis=1), 1.0).reshape(1, num_agents, 1)
    msg = jnp.where(jnp.asarray(disable_messages) != 0, jnp.zeros_like(z_prev), agg / denom)
    update_in = jnp.concatenate([obs_embed, msg, id_features, obs_mask[..., None]], axis=-1)
    z_next = _gru_apply(params["gru"], update_in.reshape(Bsz * num_agents, -1), z_prev.reshape(Bsz * num_agents, LATENT))
    z_next = z_next.reshape(Bsz, num_agents, LATENT)
    self_pred = _mlp_apply(params["self"], z_next.reshape(-1, LATENT)).reshape(Bsz, num_agents, patch_dim)
    neighbor_pred = _mlp_apply(params["nb"], z_next.reshape(-1, LATENT)).reshape(Bsz, num_agents, 4, LATENT)
    return (z_next, self_pred, neighbor_pred)


def reference(z_prev, obs_patches, obs_mask, id_features, neighbor_idx, neighbor_mask, edge_delta, disable_messages, params):
    return _step(z_prev, obs_patches, obs_mask, id_features, neighbor_idx, neighbor_mask, edge_delta, disable_messages, params)

if __name__ == "__main__":
    import jax
    _d = setup_inputs()
    print(jax.jit(kernel)(*tuple(_d.values())))

</pallas_src>

<mosaic_0001>
#map = affine_map<(d0, d1) -> (0, 0)>
module attributes {stable_mosaic.version = 14 : i64} {
  func.func @k(%arg0: i32, %arg1: i32, %arg2: memref<20000x256xf32, #tpu.memory_space<hbm>>, %arg3: memref<2560x32xi32, #tpu.memory_space<hbm>>, %arg4: memref<81920x256xf32, #tpu.memory_space<hbm>>, %arg5: memref<80x32xi32, #tpu.memory_space<vmem>>, %arg6: memref<8x32x256xf32, #tpu.memory_space<vmem>>, %arg7: memref<!tpu.dma_semaphore, #tpu.memory_space<semaphore_mem>>, %arg8: memref<!tpu.dma_semaphore, #tpu.memory_space<semaphore_mem>>, %arg9: memref<!tpu.dma_semaphore, #tpu.memory_space<semaphore_mem>>, %arg10: memref<!tpu.dma_semaphore, #tpu.memory_space<semaphore_mem>>, %arg11: memref<!tpu.dma_semaphore, #tpu.memory_space<semaphore_mem>>, %arg12: memref<!tpu.dma_semaphore, #tpu.memory_space<semaphore_mem>>, %arg13: memref<!tpu.dma_semaphore, #tpu.memory_space<semaphore_mem>>, %arg14: memref<!tpu.dma_semaphore, #tpu.memory_space<semaphore_mem>>, %arg15: memref<!tpu.dma_semaphore, #tpu.memory_space<semaphore_mem>>, %arg16: memref<!tpu.dma_semaphore, #tpu.memory_space<semaphore_mem>>, %arg17: memref<!tpu.dma_semaphore, #tpu.memory_space<semaphore_mem>>, %arg18: memref<!tpu.dma_semaphore, #tpu.memory_space<semaphore_mem>>, %arg19: memref<!tpu.dma_semaphore, #tpu.memory_space<semaphore_mem>>, %arg20: memref<!tpu.dma_semaphore, #tpu.memory_space<semaphore_mem>>, %arg21: memref<!tpu.dma_semaphore, #tpu.memory_space<semaphore_mem>>, %arg22: memref<!tpu.dma_semaphore, #tpu.memory_space<semaphore_mem>>) attributes {dimension_semantics = [#tpu.dimension_semantics<core_parallel>, #tpu.dimension_semantics<subcore_parallel>], iteration_bounds = array<i64: 2, 16>, scalar_prefetch = 0 : i64, scratch_operands = 18 : i64, tpu.core_type = #tpu.core_type<sc_vector_subcore>, window_params = [{transform_indices = #map}, {transform_indices = #map}, {transform_indices = #map}]} {
    %mul3A = arith.constant 160 : i32
    %mul3A_0 = arith.muli %arg1, %mul3A : i32
    %mul3A_1 = arith.constant 80 : i32
    %mul3A_2 = arith.muli %arg0, %mul3A_1 : i32
    %add3A = arith.addi %mul3A_0, %mul3A_2 : i32
    %mul3A_3 = arith.constant 32 : i32
    %mul3A_4 = arith.muli %add3A, %mul3A_3 : i32
    "tpu.region"() ({
      %run_scoped3A = tpu.sem_alloc : memref<!tpu.dma_semaphore, #tpu.memory_space<semaphore_mem>>
      %dma_start3A_224 = arith.constant 0 : i32
      %dma_start3A_225 = tpu.memref_slice %arg3[%add3A, %dma_start3A_224] : memref<2560x32xi32, #tpu.memory_space<hbm>> -> memref<80x32xi32, #tpu.memory_space<hbm>>
      %dma_start3A_226 = arith.constant 0 : i32
      %dma_start3A_227 = tpu.memref_slice %arg3[%add3A, %dma_start3A_226] : memref<2560x32xi32, #tpu.memory_space<hbm>> -> memref<80x32xi32, #tpu.memory_space<hbm>>
      tpu.enqueue_dma source(%dma_start3A_227 : memref<80x32xi32, #tpu.memory_space<hbm>>) target(%arg5 : memref<80x32xi32, #tpu.memory_space<vmem>>) target_semaphore(%run_scoped3A : memref<!tpu.dma_semaphore, #tpu.memory_space<semaphore_mem>>)
      %dma_wait3A_228 = arith.constant 0 : i32
      %dma_wait3A_229 = tpu.memref_slice %arg3[%add3A, %dma_wait3A_228] : memref<2560x32xi32, #tpu.memory_space<hbm>> -> memref<80x32xi32, #tpu.memory_space<hbm>>
      %dma_wait3A_230 = arith.constant 0 : i32
      %dma_wait3A_231 = tpu.memref_slice %arg3[%add3A, %dma_wait3A_230] : memref<2560x32xi32, #tpu.memory_space<hbm>> -> memref<80x32xi32, #tpu.memory_space<hbm>>
      tpu.wait_dma2 semaphore(%run_scoped3A : memref<!tpu.dma_semaphore, #tpu.memory_space<semaphore_mem>>) src(%dma_wait3A_231 : memref<80x32xi32, #tpu.memory_space<hbm>>) dst(%arg5 : memref<80x32xi32, #tpu.memory_space<vmem>>)
      tpu.yield
    }) : () -> ()
    %dma_start3A = arith.constant 0 : i32
    %dma_start3A_5 = arith.constant 0 : i32
    %dma_start3A_6 = arith.constant 0 : i32
    %dma_start3A_7 = arith.constant 0 : i32
    %dma_start3A_8 = tpu.memref_slice %arg6[%dma_start3A_5, %dma_start3A_6, %dma_start3A_7] : memref<8x32x256xf32, #tpu.memory_space<vmem>> -> memref<1x32x256xf32, #tpu.memory_space<vmem>>
    %dma_start3A_9 = tpu.memref_squeeze %dma_start3A_8 : memref<1x32x256xf32, #tpu.memory_space<vmem>> -> memref<32x256xf32, #tpu.memory_space<vmem>>
    %dma_start3A_10 = arith.constant 0 : i32
    %dma_start3A_11 = tpu.memref_slice %arg5[%dma_start3A, %dma_start3A_10] : memref<80x32xi32, #tpu.memory_space<vmem>> -> memref<1x32xi32, #tpu.memory_space<vmem>>
    %dma_start3A_12 = tpu.memref_squeeze %dma_start3A_11 : memref<1x32xi32, #tpu.memory_space<vmem>> -> memref<32xi32, #tpu.memory_space<vmem>>
    %dma_start3A_13 = arith.constant 0 : i32
    %dma_start3A_14 = arith.constant 0 : i32
    %dma_start3A_15 = tpu.memref_slice %arg2[%dma_start3A_13, %dma_start3A_14] : memref<20000x256xf32, #tpu.memory_space<hbm>> -> memref<20000x256xf32, #tpu.memory_space<hbm>>
    tpu.enqueue_indirect_dma source(%dma_start3A_15 : memref<20000x256xf32, #tpu.memory_space<hbm>>) target(%dma_start3A_9 : memref<32x256xf32, #tpu.memory_space<vmem>>) offsets(%dma_start3A_12 : memref<32xi32, #tpu.memory_space<vmem>>) semaphore(%arg7 : memref<!tpu.dma_semaphore, #tpu.memory_space<semaphore_mem>>)
    %dma_start3A_16 = arith.constant 1 : i32
    %dma_start3A_17 = arith.constant 1 : i32
    %dma_start3A_18 = arith.constant 0 : i32
    %dma_start3A_19 = arith.constant 0 : i32
    %dma_start3A_20 = tpu.memref_slice %arg6[%dma_start3A_17, %dma_start3A_18, %dma_start3A_19] : memref<8x32x256xf32, #tpu.memory_space<vmem>> -> memref<1x32x256xf32, #tpu.memory_space<vmem>>
    %dma_start3A_21 = tpu.memref_squeeze %dma_start3A_20 : memref<1x32x256xf32, #tpu.memory_space<vmem>> -> memref<32x256xf32, #tpu.memory_space<vmem>>
    %dma_start3A_22 = arith.constant 0 : i32
    %dma_start3A_23 = tpu.memref_slice %arg5[%dma_start3A_16, %dma_start3A_22] : memref<80x32xi32, #tpu.memory_space<vmem>> -> memref<1x32xi32, #tpu.memory_space<vmem>>
    %dma_start3A_24 = tpu.memref_squeeze %dma_start3A_23 : memref<1x32xi32, #tpu.memory_space<vmem>> -> memref<32xi32, #tpu.memory_space<vmem>>
    %dma_start3A_25 = arith.constant 0 : i32
    %dma_start3A_26 = arith.constant 0 : i32
    %dma_start3A_27 = tpu.memref_slice %arg2[%dma_start3A_25, %dma_start3A_26] : memref<20000x256xf32, #tpu.memory_space<hbm>> -> memref<20000x256xf32, #tpu.memory_space<hbm>>
    tpu.enqueue_indirect_dma source(%dma_start3A_27 : memref<20000x256xf32, #tpu.memory_space<hbm>>) target(%dma_start3A_21 : memref<32x256xf32, #tpu.memory_space<vmem>>) offsets(%dma_start3A_24 : memref<32xi32, #tpu.memory_space<vmem>>) semaphore(%arg8 : memref<!tpu.dma_semaphore, #tpu.memory_space<semaphore_mem>>)
    %dma_start3A_28 = arith.constant 2 : i32
    %dma_start3A_29 = arith.constant 2 : i32
    %dma_start3A_30 = arith.constant 0 : i32
    %dma_start3A_31 = arith.constant 0 : i32
    %dma_start3A_32 = tpu.memref_slice %arg6[%dma_start3A_29, %dma_start3A_30, %dma_start3A_31] : memref<8x32x256xf32, #tpu.memory_space<vmem>> -> memref<1x32x256xf32, #tpu.memory_space<vmem>>
    %dma_start3A_33 = tpu.memref_squeeze %dma_start3A_32 : memref<1x32x256xf32, #tpu.memory_space<vmem>> -> memref<32x256xf32, #tpu.memory_space<vmem>>
    %dma_start3A_34 = arith.constant 0 : i32
    %dma_start3A_35 = tpu.memref_slice %arg5[%dma_start3A_28, %dma_start3A_34] : memref<80x32xi32, #tpu.memory_space<vmem>> -> memref<1x32xi32, #tpu.memory_space<vmem>>
    %dma_start3A_36 = tpu.memref_squeeze %dma_start3A_35 : memref<1x32xi32, #tpu.memory_space<vmem>> -> memref<32xi32, #tpu.memory_space<vmem>>
    %dma_start3A_37 = arith.constant 0 : i32
    %dma_start3A_38 = arith.constant 0 : i32
    %dma_start3A_39 = tpu.memref_slice %arg2[%dma_start3A_37, %dma_start3A_38] : memref<20000x256xf32, #tpu.memory_space<hbm>> -> memref<20000x256xf32, #tpu.memory_space<hbm>>
    tpu.enqueue_indirect_dma source(%dma_start3A_39 : memref<20000x256xf32, #tpu.memory_space<hbm>>) target(%dma_start3A_33 : memref<32x256xf32, #tpu.memory_space<vmem>>) offsets(%dma_start3A_36 : memref<32xi32, #tpu.memory_space<vmem>>) semaphore(%arg9 : memref<!tpu.dma_semaphore, #tpu.memory_space<semaphore_mem>>)
    %dma_start3A_40 = arith.constant 3 : i32
    %dma_start3A_41 = arith.constant 3 : i32
    %dma_start3A_42 = arith.constant 0 : i32
    %dma_start3A_43 = arith.constant 0 : i32
    %dma_start3A_44 = tpu.memref_slice %arg6[%dma_start3A_41, %dma_start3A_42, %dma_start3A_43] : memref<8x32x256xf32, #tpu.memory_space<vmem>> -> memref<1x32x256xf32, #tpu.memory_space<vmem>>
    %dma_start3A_45 = tpu.memref_squeeze %dma_start3A_44 : memref<1x32x256xf32, #tpu.memory_space<vmem>> -> memref<32x256xf32, #tpu.memory_space<vmem>>
    %dma_start3A_46 = arith.constant 0 : i32
    %dma_start3A_47 = tpu.memref_slice %arg5[%dma_start3A_40, %dma_start3A_46] : memref<80x32xi32, #tpu.memory_space<vmem>> -> memref<1x32xi32, #tpu.memory_space<vmem>>
    %dma_start3A_48 = tpu.memref_squeeze %dma_start3A_47 : memref<1x32xi32, #tpu.memory_space<vmem>> -> memref<32xi32, #tpu.memory_space<vmem>>
    %dma_start3A_49 = arith.constant 0 : i32
    %dma_start3A_50 = arith.constant 0 : i32
    %dma_start3A_51 = tpu.memref_slice %arg2[%dma_start3A_49, %dma_start3A_50] : memref<20000x256xf32, #tpu.memory_space<hbm>> -> memref<20000x256xf32, #tpu.memory_space<hbm>>
    tpu.enqueue_indirect_dma source(%dma_start3A_51 : memref<20000x256xf32, #tpu.memory_space<hbm>>) target(%dma_start3A_45 : memref<32x256xf32, #tpu.memory_space<vmem>>) offsets(%dma_start3A_48 : memref<32xi32, #tpu.memory_space<vmem>>) semaphore(%arg10 : memref<!tpu.dma_semaphore, #tpu.memory_space<semaphore_mem>>)
    %dma_start3A_52 = arith.constant 4 : i32
    %dma_start3A_53 = arith.constant 4 : i32
    %dma_start3A_54 = arith.constant 0 : i32
    %dma_start3A_55 = arith.constant 0 : i32
    %dma_start3A_56 = tpu.memref_slice %arg6[%dma_start3A_53, %dma_start3A_54, %dma_start3A_55] : memref<8x32x256xf32, #tpu.memory_space<vmem>> -> memref<1x32x256xf32, #tpu.memory_space<vmem>>
    %dma_start3A_57 = tpu.memref_squeeze %dma_start3A_56 : memref<1x32x256xf32, #tpu.memory_space<vmem>> -> memref<32x256xf32, #tpu.memory_space<vmem>>
    %dma_start3A_58 = arith.constant 0 : i32
    %dma_start3A_59 = tpu.memref_slice %arg5[%dma_start3A_52, %dma_start3A_58] : memref<80x32xi32, #tpu.memory_space<vmem>> -> memref<1x32xi32, #tpu.memory_space<vmem>>
    %dma_start3A_60 = tpu.memref_squeeze %dma_start3A_59 : memref<1x32xi32, #tpu.memory_space<vmem>> -> memref<32xi32, #tpu.memory_space<vmem>>
    %dma_start3A_61 = arith.constant 0 : i32
    %dma_start3A_62 = arith.constant 0 : i32
    %dma_start3A_63 = tpu.memref_slice %arg2[%dma_start3A_61, %dma_start3A_62] : memref<20000x256xf32, #tpu.memory_space<hbm>> -> memref<20000x256xf32, #tpu.memory_space<hbm>>
    tpu.enqueue_indirect_dma source(%dma_start3A_63 : memref<20000x256xf32, #tpu.memory_space<hbm>>) target(%dma_start3A_57 : memref<32x256xf32, #tpu.memory_space<vmem>>) offsets(%dma_start3A_60 : memref<32xi32, #tpu.memory_space<vmem>>) semaphore(%arg11 : memref<!tpu.dma_semaphore, #tpu.memory_space<semaphore_mem>>)
    %dma_start3A_64 = arith.constant 5 : i32
    %dma_start3A_65 = arith.constant 5 : i32
    %dma_start3A_66 = arith.constant 0 : i32
    %dma_start3A_67 = arith.constant 0 : i32
    %dma_start3A_68 = tpu.memref_slice %arg6[%dma_start3A_65, %dma_start3A_66, %dma_start3A_67] : memref<8x32x256xf32, #tpu.memory_space<vmem>> -> memref<1x32x256xf32, #tpu.memory_space<vmem>>
    %dma_start3A_69 = tpu.memref_squeeze %dma_start3A_68 : memref<1x32x256xf32, #tpu.memory_space<vmem>> -> memref<32x256xf32, #tpu.memory_space<vmem>>
    %dma_start3A_70 = arith.constant 0 : i32
    %dma_start3A_71 = tpu.memref_slice %arg5[%dma_start3A_64, %dma_start3A_70] : memref<80x32xi32, #tpu.memory_space<vmem>> -> memref<1x32xi32, #tpu.memory_space<vmem>>
    %dma_start3A_72 = tpu.memref_squeeze %dma_start3A_71 : memref<1x32xi32, #tpu.memory_space<vmem>> -> memref<32xi32, #tpu.memory_space<vmem>>
    %dma_start3A_73 = arith.constant 0 : i32
    %dma_start3A_74 = arith.constant 0 : i32
    %dma_start3A_75 = tpu.memref_slice %arg2[%dma_start3A_73, %dma_start3A_74] : memref<20000x256xf32, #tpu.memory_space<hbm>> -> memref<20000x256xf32, #tpu.memory_space<hbm>>
    tpu.enqueue_indirect_dma source(%dma_start3A_75 : memref<20000x256xf32, #tpu.memory_space<hbm>>) target(%dma_start3A_69 : memref<32x256xf32, #tpu.memory_space<vmem>>) offsets(%dma_start3A_72 : memref<32xi32, #tpu.memory_space<vmem>>) semaphore(%arg12 : memref<!tpu.dma_semaphore, #tpu.memory_space<semaphore_mem>>)
    %dma_start3A_76 = arith.constant 6 : i32
    %dma_start3A_77 = arith.constant 6 : i32
    %dma_start3A_78 = arith.constant 0 : i32
    %dma_start3A_79 = arith.constant 0 : i32
    %dma_start3A_80 = tpu.memref_slice %arg6[%dma_start3A_77, %dma_start3A_78, %dma_start3A_79] : memref<8x32x256xf32, #tpu.memory_space<vmem>> -> memref<1x32x256xf32, #tpu.memory_space<vmem>>
    %dma_start3A_81 = tpu.memref_squeeze %dma_start3A_80 : memref<1x32x256xf32, #tpu.memory_space<vmem>> -> memref<32x256xf32, #tpu.memory_space<vmem>>
    %dma_start3A_82 = arith.constant 0 : i32
    %dma_start3A_83 = tpu.memref_slice %arg5[%dma_start3A_76, %dma_start3A_82] : memref<80x32xi32, #tpu.memory_space<vmem>> -> memref<1x32xi32, #tpu.memory_space<vmem>>
    %dma_start3A_84 = tpu.memref_squeeze %dma_start3A_83 : memref<1x32xi32, #tpu.memory_space<vmem>> -> memref<32xi32, #tpu.memory_space<vmem>>
    %dma_start3A_85 = arith.constant 0 : i32
    %dma_start3A_86 = arith.constant 0 : i32
    %dma_start3A_87 = tpu.memref_slice %arg2[%dma_start3A_85, %dma_start3A_86] : memref<20000x256xf32, #tpu.memory_space<hbm>> -> memref<20000x256xf32, #tpu.memory_space<hbm>>
    tpu.enqueue_indirect_dma source(%dma_start3A_87 : memref<20000x256xf32, #tpu.memory_space<hbm>>) target(%dma_start3A_81 : memref<32x256xf32, #tpu.memory_space<vmem>>) offsets(%dma_start3A_84 : memref<32xi32, #tpu.memory_space<vmem>>) semaphore(%arg13 : memref<!tpu.dma_semaphore, #tpu.memory_space<semaphore_mem>>)
    %dma_start3A_88 = arith.constant 7 : i32
    %dma_start3A_89 = arith.constant 7 : i32
    %dma_start3A_90 = arith.constant 0 : i32
    %dma_start3A_91 = arith.constant 0 : i32
    %dma_start3A_92 = tpu.memref_slice %arg6[%dma_start3A_89, %dma_start3A_90, %dma_start3A_91] : memref<8x32x256xf32, #tpu.memory_space<vmem>> -> memref<1x32x256xf32, #tpu.memory_space<vmem>>
    %dma_start3A_93 = tpu.memref_squeeze %dma_start3A_92 : memref<1x32x256xf32, #tpu.memory_space<vmem>> -> memref<32x256xf32, #tpu.memory_space<vmem>>
    %dma_start3A_94 = arith.constant 0 : i32
    %dma_start3A_95 = tpu.memref_slice %arg5[%dma_start3A_88, %dma_start3A_94] : memref<80x32xi32, #tpu.memory_space<vmem>> -> memref<1x32xi32, #tpu.memory_space<vmem>>
    %dma_start3A_96 = tpu.memref_squeeze %dma_start3A_95 : memref<1x32xi32, #tpu.memory_space<vmem>> -> memref<32xi32, #tpu.memory_space<vmem>>
    %dma_start3A_97 = arith.constant 0 : i32
    %dma_start3A_98 = arith.constant 0 : i32
    %dma_start3A_99 = tpu.memref_slice %arg2[%dma_start3A_97, %dma_start3A_98] : memref<20000x256xf32, #tpu.memory_space<hbm>> -> memref<20000x256xf32, #tpu.memory_space<hbm>>
    tpu.enqueue_indirect_dma source(%dma_start3A_99 : memref<20000x256xf32, #tpu.memory_space<hbm>>) target(%dma_start3A_93 : memref<32x256xf32, #tpu.memory_space<vmem>>) offsets(%dma_start3A_96 : memref<32xi32, #tpu.memory_space<vmem>>) semaphore(%arg14 : memref<!tpu.dma_semaphore, #tpu.memory_space<semaphore_mem>>)
    %scan3A = arith.constant 0 : i32
    %scan3A_100 = arith.constant 0 : i32
    %scan3A_101 = arith.constant 10 : i32
    %scan3A_102 = arith.addi %scan3A_100, %scan3A_101 : i32
    %scan3A_103 = arith.constant 1 : i32
    scf.for %scan3A_224 = %scan3A_100 to %scan3A_102 step %scan3A_103  : i32 {
      %mul3A_225 = arith.constant 8 : i32
      %mul3A_226 = arith.muli %scan3A_224, %mul3A_225 : i32
      %add3A_227 = arith.constant 0 : i32
      %add3A_228 = arith.addi %mul3A_226, %add3A_227 : i32
      %dma_wait3A_229 = arith.constant 0 : i32
      %dma_wait3A_230 = arith.constant 0 : i32
      %dma_wait3A_231 = arith.constant 0 : i32
      %dma_wait3A_232 = tpu.memref_slice %arg6[%dma_wait3A_229, %dma_wait3A_230, %dma_wait3A_231] : memref<8x32x256xf32, #tpu.memory_space<vmem>> -> memref<1x32x256xf32, #tpu.memory_space<vmem>>
      %dma_wait3A_233 = tpu.memref_squeeze %dma_wait3A_232 : memref<1x32x256xf32, #tpu.memory_space<vmem>> -> memref<32x256xf32, #tpu.memory_space<vmem>>
      %dma_wait3A_234 = arith.constant 0 : i32
      %dma_wait3A_235 = arith.constant 0 : i32
      %dma_wait3A_236 = tpu.memref_slice %arg2[%dma_wait3A_234, %dma_wait3A_235] : memref<20000x256xf32, #tpu.memory_space<hbm>> -> memref<32x256xf32, #tpu.memory_space<hbm>>
      %dma_wait3A_237 = arith.constant 0 : i32
      %dma_wait3A_238 = arith.constant 0 : i32
      %dma_wait3A_239 = tpu.memref_slice %arg6[%dma_wait3A_229, %dma_wait3A_237, %dma_wait3A_238] : memref<8x32x256xf32, #tpu.memory_space<vmem>> -> memref<1x32x256xf32, #tpu.memory_space<vmem>>
      %dma_wait3A_240 = tpu.memref_squeeze %dma_wait3A_239 : memref<1x32x256xf32, #tpu.memory_space<vmem>> -> memref<32x256xf32, #tpu.memory_space<vmem>>
      %dma_wait3A_241 = arith.constant 0 : i32
      %dma_wait3A_242 = arith.constant 0 : i32
      %dma_wait3A_243 = tpu.memref_slice %arg2[%dma_wait3A_241, %dma_wait3A_242] : memref<20000x256xf32, #tpu.memory_space<hbm>> -> memref<32x256xf32, #tpu.memory_space<hbm>>
      tpu.wait_dma2 semaphore(%arg7 : memref<!tpu.dma_semaphore, #tpu.memory_space<semaphore_mem>>) src(%dma_wait3A_243 : memref<32x256xf32, #tpu.memory_space<hbm>>) dst(%dma_wait3A_240 : memref<32x256xf32, #tpu.memory_space<vmem>>)
      %mul3A_244 = arith.constant 32 : i32
      %mul3A_245 = arith.muli %add3A_228, %mul3A_244 : i32
      %add3A_246 = arith.addi %mul3A_4, %mul3A_245 : i32
      %dma_start3A_247 = arith.constant 0 : i32
      %dma_start3A_248 = arith.constant 0 : i32
      %dma_start3A_249 = arith.constant 0 : i32
      %dma_start3A_250 = tpu.memref_slice %arg6[%dma_start3A_247, %dma_start3A_248, %dma_start3A_249] : memref<8x32x256xf32, #tpu.memory_space<vmem>> -> memref<1x32x256xf32, #tpu.memory_space<vmem>>
      %dma_start3A_251 = tpu.memref_squeeze %dma_start3A_250 : memref<1x32x256xf32, #tpu.memory_space<vmem>> -> memref<32x256xf32, #tpu.memory_space<vmem>>
      %dma_start3A_252 = arith.constant 0 : i32
      %dma_start3A_253 = tpu.memref_slice %arg4[%add3A_246, %dma_start3A_252] : memref<81920x256xf32, #tpu.memory_space<hbm>> -> memref<32x256xf32, #tpu.memory_space<hbm>>
      %dma_start3A_254 = arith.constant 0 : i32
      %dma_start3A_255 = tpu.memref_slice %arg4[%add3A_246, %dma_start3A_254] : memref<81920x256xf32, #tpu.memory_space<hbm>> -> memref<32x256xf32, #tpu.memory_space<hbm>>
      %dma_start3A_256 = arith.constant 0 : i32
      %dma_start3A_257 = arith.constant 0 : i32
      %dma_start3A_258 = tpu.memref_slice %arg6[%dma_start3A_247, %dma_start3A_256, %dma_start3A_257] : memref<8x32x256xf32, #tpu.memory_space<vmem>> -> memref<1x32x256xf32, #tpu.memory_space<vmem>>
      %dma_start3A_259 = tpu.memref_squeeze %dma_start3A_258 : memref<1x32x256xf32, #tpu.memory_space<vmem>> -> memref<32x256xf32, #tpu.memory_space<vmem>>
      tpu.enqueue_dma source(%dma_start3A_259 : memref<32x256xf32, #tpu.memory_space<vmem>>) target(%dma_start3A_255 : memref<32x256xf32, #tpu.memory_space<hbm>>) target_semaphore(%arg15 : memref<!tpu.dma_semaphore, #tpu.memory_space<semaphore_mem>>)
      %mul3A_260 = arith.constant 8 : i32
      %mul3A_261 = arith.muli %scan3A_224, %mul3A_260 : i32
      %add3A_262 = arith.constant 1 : i32
      %add3A_263 = arith.addi %mul3A_261, %add3A_262 : i32
      %dma_wait3A_264 = arith.constant 1 : i32
      %dma_wait3A_265 = arith.constant 0 : i32
      %dma_wait3A_266 = arith.constant 0 : i32
      %dma_wait3A_267 = tpu.memref_slice %arg6[%dma_wait3A_264, %dma_wait3A_265, %dma_wait3A_266] : memref<8x32x256xf32, #tpu.memory_space<vmem>> -> memref<1x32x256xf32, #tpu.memory_space<vmem>>
      %dma_wait3A_268 = tpu.memref_squeeze %dma_wait3A_267 : memref<1x32x256xf32, #tpu.memory_space<vmem>> -> memref<32x256xf32, #tpu.memory_space<vmem>>
      %dma_wait3A_269 = arith.constant 0 : i32
      %dma_wait3A_270 = arith.constant 0 : i32
      %dma_wait3A_271 = tpu.memref_slice %arg2[%dma_wait3A_269, %dma_wait3A_270] : memref<20000x256xf32, #tpu.memory_space<hbm>> -> memref<32x256xf32, #tpu.memory_space<hbm>>
      %dma_wait3A_272 = arith.constant 0 : i32
      %dma_wait3A_273 = arith.constant 0 : i32
      %dma_wait3A_274 = tpu.memref_slice %arg6[%dma_wait3A_264, %dma_wait3A_272, %dma_wait3A_273] : memref<8x32x256xf32, #tpu.memory_space<vmem>> -> memref<1x32x256xf32, #tpu.memory_space<vmem>>
      %dma_wait3A_275 = tpu.memref_squeeze %dma_wait3A_274 : memref<1x32x256xf32, #tpu.memory_space<vmem>> -> memref<32x256xf32, #tpu.memory_space<vmem>>
      %dma_wait3A_276 = arith.constant 0 : i32
      %dma_wait3A_277 = arith.constant 0 : i32
      %dma_wait3A_278 = tpu.memref_slice %arg2[%dma_wait3A_276, %dma_wait3A_277] : memref<20000x256xf32, #tpu.memory_space<hbm>> -> memref<32x256xf32, #tpu.memory_space<hbm>>
      tpu.wait_dma2 semaphore(%arg8 : memref<!tpu.dma_semaphore, #tpu.memory_space<semaphore_mem>>) src(%dma_wait3A_278 : memref<32x256xf32, #tpu.memory_space<hbm>>) dst(%dma_wait3A_275 : memref<32x256xf32, #tpu.memory_space<vmem>>)
      %mul3A_279 = arith.constant 32 : i32
      %mul3A_280 = arith.muli %add3A_263, %mul3A_279 : i32
      %add3A_281 = arith.addi %mul3A_4, %mul3A_280 : i32
      %dma_start3A_282 = arith.constant 1 : i32
      %dma_start3A_283 = arith.constant 0 : i32
      %dma_start3A_284 = arith.constant 0 : i32
      %dma_start3A_285 = tpu.memref_slice %arg6[%dma_start3A_282, %dma_start3A_283, %dma_start3A_284] : memref<8x32x256xf32, #tpu.memory_space<vmem>> -> memref<1x32x256xf32, #tpu.memory_space<vmem>>
      %dma_start3A_286 = tpu.memref_squeeze %dma_start3A_285 : memref<1x32x256xf32, #tpu.memory_space<vmem>> -> memref<32x256xf32, #tpu.memory_space<vmem>>
      %dma_start3A_287 = arith.constant 0 : i32
      %dma_start3A_288 = tpu.memref_slice %arg4[%add3A_281, %dma_start3A_287] : memref<81920x256xf32, #tpu.memory_space<hbm>> -> memref<32x256xf32, #tpu.memory_space<hbm>>
      %dma_start3A_289 = arith.constant 0 : i32
      %dma_start3A_290 = tpu.memref_slice %arg4[%add3A_281, %dma_start3A_289] : memref<81920x256xf32, #tpu.memory_space<hbm>> -> memref<32x256xf32, #tpu.memory_space<hbm>>
      %dma_start3A_291 = arith.constant 0 : i32
      %dma_start3A_292 = arith.constant 0 : i32
      %dma_start3A_293 = tpu.memref_slice %arg6[%dma_start3A_282, %dma_start3A_291, %dma_start3A_292] : memref<8x32x256xf32, #tpu.memory_space<vmem>> -> memref<1x32x256xf32, #tpu.memory_space<vmem>>
      %dma_start3A_294 = tpu.memref_squeeze %dma_start3A_293 : memref<1x32x256xf32, #tpu.memory_space<vmem>> -> memref<32x256xf32, #tpu.memory_space<vmem>>
      tpu.enqueue_dma source(%dma_start3A_294 : memref<32x256xf32, #tpu.memory_space<vmem>>) target(%dma_start3A_290 : memref<32x256xf32, #tpu.memory_space<hbm>>) target_semaphore(%arg16 : memref<!tpu.dma_semaphore, #tpu.memory_space<semaphore_mem>>)
      %mul3A_295 = arith.constant 8 : i32
      %mul3A_296 = arith.muli %scan3A_224, %mul3A_295 : i32
      %add3A_297 = arith.constant 2 : i32
      %add3A_298 = arith.addi %mul3A_296, %add3A_297 : i32
      %dma_wait3A_299 = arith.constant 2 : i32
      %dma_wait3A_300 = arith.constant 0 : i32
      %dma_wait3A_301 = arith.constant 0 : i32
      %dma_wait3A_302 = tpu.memref_slice %arg6[%dma_wait3A_299, %dma_wait3A_300, %dma_wait3A_301] : memref<8x32x256xf32, #tpu.memory_space<vmem>> -> memref<1x32x256xf32, #tpu.memory_space<vmem>>
      %dma_wait3A_303 = tpu.memref_squeeze %dma_wait3A_302 : memref<1x32x256xf32, #tpu.memory_space<vmem>> -> memref<32x256xf32, #tpu.memory_space<vmem>>
      %dma_wait3A_304 = arith.constant 0 : i32
      %dma_wait3A_305 = arith.constant 0 : i32
      %dma_wait3A_306 = tpu.memref_slice %arg2[%dma_wait3A_304, %dma_wait3A_305] : memref<20000x256xf32, #tpu.memory_space<hbm>> -> memref<32x256xf32, #tpu.memory_space<hbm>>
      %dma_wait3A_307 = arith.constant 0 : i32
      %dma_wait3A_308 = arith.constant 0 : i32
      %dma_wait3A_309 = tpu.memref_slice %arg6[%dma_wait3A_299, %dma_wait3A_307, %dma_wait3A_308] : memref<8x32x256xf32, #tpu.memory_space<vmem>> -> memref<1x32x256xf32, #tpu.memory_space<vmem>>
      %dma_wait3A_310 = tpu.memref_squeeze %dma_wait3A_309 : memref<1x32x256xf32, #tpu.memory_space<vmem>> -> memref<32x256xf32, #tpu.memory_space<vmem>>
      %dma_wait3A_311 = arith.constant 0 : i32
      %dma_wait3A_312 = arith.constant 0 : i32
      %dma_wait3A_313 = tpu.memref_slice %arg2[%dma_wait3A_311, %dma_wait3A_312] : memref<20000x256xf32, #tpu.memory_space<hbm>> -> memref<32x256xf32, #tpu.memory_space<hbm>>
      tpu.wait_dma2 semaphore(%arg9 : memref<!tpu.dma_semaphore, #tpu.memory_space<semaphore_mem>>) src(%dma_wait3A_313 : memref<32x256xf32, #tpu.memory_space<hbm>>) dst(%dma_wait3A_310 : memref<32x256xf32, #tpu.memory_space<vmem>>)
      %mul3A_314 = arith.constant 32 : i32
      %mul3A_315 = arith.muli %add3A_298, %mul3A_314 : i32
      %add3A_316 = arith.addi %mul3A_4, %mul3A_315 : i32
      %dma_start3A_317 = arith.constant 2 : i32
      %dma_start3A_318 = arith.constant 0 : i32
      %dma_start3A_319 = arith.constant 0 : i32
      %dma_start3A_320 = tpu.memref_slice %arg6[%dma_start3A_317, %dma_start3A_318, %dma_start3A_319] : memref<8x32x256xf32, #tpu.memory_space<vmem>> -> memref<1x32x256xf32, #tpu.memory_space<vmem>>
      %dma_start3A_321 = tpu.memref_squeeze %dma_start3A_320 : memref<1x32x256xf32, #tpu.memory_space<vmem>> -> memref<32x256xf32, #tpu.memory_space<vmem>>
      %dma_start3A_322 = arith.constant 0 : i32
      %dma_start3A_323 = tpu.memref_slice %arg4[%add3A_316, %dma_start3A_322] : memref<81920x256xf32, #tpu.memory_space<hbm>> -> memref<32x256xf32, #tpu.memory_space<hbm>>
      %dma_start3A_324 = arith.constant 0 : i32
      %dma_start3A_325 = tpu.memref_slice %arg4[%add3A_316, %dma_start3A_324] : memref<81920x256xf32, #tpu.memory_space<hbm>> -> memref<32x256xf32, #tpu.memory_space<hbm>>
      %dma_start3A_326 = arith.constant 0 : i32
      %dma_start3A_327 = arith.constant 0 : i32
      %dma_start3A_328 = tpu.memref_slice %arg6[%dma_start3A_317, %dma_start3A_326, %dma_start3A_327] : memref<8x32x256xf32, #tpu.memory_space<vmem>> -> memref<1x32x256xf32, #tpu.memory_space<vmem>>
      %dma_start3A_329 = tpu.memref_squeeze %dma_start3A_328 : memref<1x32x256xf32, #tpu.memory_space<vmem>> -> memref<32x256xf32, #tpu.memory_space<vmem>>
      tpu.enqueue_dma source(%dma_start3A_329 : memref<32x256xf32, #tpu.memory_space<vmem>>) target(%dma_start3A_325 : memref<32x256xf32, #tpu.memory_space<hbm>>) target_semaphore(%arg17 : memref<!tpu.dma_semaphore, #tpu.memory_space<semaphore_mem>>)
      %mul3A_330 = arith.constant 8 : i32
      %mul3A_331 = arith.muli %scan3A_224, %mul3A_330 : i32
      %add3A_332 = arith.constant 3 : i32
      %add3A_333 = arith.addi %mul3A_331, %add3A_332 : i32
      %dma_wait3A_334 = arith.constant 3 : i32
      %dma_wait3A_335 = arith.constant 0 : i32
      %dma_wait3A_336 = arith.constant 0 : i32
      %dma_wait3A_337 = tpu.memref_slice %arg6[%dma_wait3A_334, %dma_wait3A_335, %dma_wait3A_336] : memref<8x32x256xf32, #tpu.memory_space<vmem>> -> memref<1x32x256xf32, #tpu.memory_space<vmem>>
      %dma_wait3A_338 = tpu.memref_squeeze %dma_wait3A_337 : memref<1x32x256xf32, #tpu.memory_space<vmem>> -> memref<32x256xf32, #tpu.memory_space<vmem>>
      %dma_wait3A_339 = arith.constant 0 : i32
      %dma_wait3A_340 = arith.constant 0 : i32
      %dma_wait3A_341 = tpu.memref_slice %arg2[%dma_wait3A_339, %dma_wait3A_340] : memref<20000x256xf32, #tpu.memory_space<hbm>> -> memref<32x256xf32, #tpu.memory_space<hbm>>
      %dma_wait3A_342 = arith.constant 0 : i32
      %dma_wait3A_343 = arith.constant 0 : i32
      %dma_wait3A_344 = tpu.memref_slice %arg6[%dma_wait3A_334, %dma_wait3A_342, %dma_wait3A_343] : memref<8x32x256xf32, #tpu.memory_space<vmem>> -> memref<1x32x256xf32, #tpu.memory_space<vmem>>
      %dma_wait3A_345 = tpu.memref_squeeze %dma_wait3A_344 : memref<1x32x256xf32, #tpu.memory_space<vmem>> -> memref<32x256xf32, #tpu.memory_space<vmem>>
      %dma_wait3A_346 = arith.constant 0 : i32
      %dma_wait3A_347 = arith.constant 0 : i32
      %dma_wait3A_348 = tpu.memref_slice %arg2[%dma_wait3A_346, %dma_wait3A_347] : memref<20000x256xf32, #tpu.memory_space<hbm>> -> memref<32x256xf32, #tpu.memory_space<hbm>>
      tpu.wait_dma2 semaphore(%arg10 : memref<!tpu.dma_semaphore, #tpu.memory_space<semaphore_mem>>) src(%dma_wait3A_348 : memref<32x256xf32, #tpu.memory_space<hbm>>) dst(%dma_wait3A_345 : memref<32x256xf32, #tpu.memory_space<vmem>>)
      %mul3A_349 = arith.constant 32 : i32
      %mul3A_350 = arith.muli %add3A_333, %mul3A_349 : i32
      %add3A_351 = arith.addi %mul3A_4, %mul3A_350 : i32
      %dma_start3A_352 = arith.constant 3 : i32
      %dma_start3A_353 = arith.constant 0 : i32
      %dma_start3A_354 = arith.constant 0 : i32
      %dma_start3A_355 = tpu.memref_slice %arg6[%dma_start3A_352, %dma_start3A_353, %dma_start3A_354] : memref<8x32x256xf32, #tpu.memory_space<vmem>> -> memref<1x32x256xf32, #tpu.memory_space<vmem>>
      %dma_start3A_356 = tpu.memref_squeeze %dma_start3A_355 : memref<1x32x256xf32, #tpu.memory_space<vmem>> -> memref<32x256xf32, #tpu.memory_space<vmem>>
      %dma_start3A_357 = arith.constant 0 : i32
      %dma_start3A_358 = tpu.memref_slice %arg4[%add3A_351, %dma_start3A_357] : memref<81920x256xf32, #tpu.memory_space<hbm>> -> memref<32x256xf32, #tpu.memory_space<hbm>>
      %dma_start3A_359 = arith.constant 0 : i32
      %dma_start3A_360 = tpu.memref_slice %arg4[%add3A_351, %dma_start3A_359] : memref<81920x256xf32, #tpu.memory_space<hbm>> -> memref<32x256xf32, #tpu.memory_space<hbm>>
      %dma_start3A_361 = arith.constant 0 : i32
      %dma_start3A_362 = arith.constant 0 : i32
      %dma_start3A_363 = tpu.memref_slice %arg6[%dma_start3A_352, %dma_start3A_361, %dma_start3A_362] : memref<8x32x256xf32, #tpu.memory_space<vmem>> -> memref<1x32x256xf32, #tpu.memory_space<vmem>>
      %dma_start3A_364 = tpu.memref_squeeze %dma_start3A_363 : memref<1x32x256xf32, #tpu.memory_space<vmem>> -> memref<32x256xf32, #tpu.memory_space<vmem>>
      tpu.enqueue_dma source(%dma_start3A_364 : memref<32x256xf32, #tpu.memory_space<vmem>>) target(%dma_start3A_360 : memref<32x256xf32, #tpu.memory_space<hbm>>) target_semaphore(%arg18 : memref<!tpu.dma_semaphore, #tpu.memory_space<semaphore_mem>>)
      %mul3A_365 = arith.constant 8 : i32
      %mul3A_366 = arith.muli %scan3A_224, %mul3A_365 : i32
      %add3A_367 = arith.constant 4 : i32
      %add3A_368 = arith.addi %mul3A_366, %add3A_367 : i32
      %dma_wait3A_369 = arith.constant 4 : i32
      %dma_wait3A_370 = arith.constant 0 : i32
      %dma_wait3A_371 = arith.constant 0 : i32
      %dma_wait3A_372 = tpu.memref_slice %arg6[%dma_wait3A_369, %dma_wait3A_370, %dma_wait3A_371] : memref<8x32x256xf32, #tpu.memory_space<vmem>> -> memref<1x32x256xf32, #tpu.memory_space<vmem>>
      %dma_wait3A_373 = tpu.memref_squeeze %dma_wait3A_372 : memref<1x32x256xf32, #tpu.memory_space<vmem>> -> memref<32x256xf32, #tpu.memory_space<vmem>>
      %dma_wait3A_374 = arith.constant 0 : i32
      %dma_wait3A_375 = arith.constant 0 : i32
      %dma_wait3A_376 = tpu.memref_slice %arg2[%dma_wait3A_374, %dma_wait3A_375] : memref<20000x256xf32, #tpu.memory_space<hbm>> -> memref<32x256xf32, #tpu.memory_space<hbm>>
      %dma_wait3A_377 = arith.constant 0 : i32
      %dma_wait3A_378 = arith.constant 0 : i32
      %dma_wait3A_379 = tpu.memref_slice %arg6[%dma_wait3A_369, %dma_wait3A_377, %dma_wait3A_378] : memref<8x32x256xf32, #tpu.memory_space<vmem>> -> memref<1x32x256xf32, #tpu.memory_space<vmem>>
      %dma_wait3A_380 = tpu.memref_squeeze %dma_wait3A_379 : memref<1x32x256xf32, #tpu.memory_space<vmem>> -> memref<32x256xf32, #tpu.memory_space<vmem>>
      %dma_wait3A_381 = arith.constant 0 : i32
      %dma_wait3A_382 = arith.constant 0 : i32
      %dma_wait3A_383 = tpu.memref_slice %arg2[%dma_wait3A_381, %dma_wait3A_382] : memref<20000x256xf32, #tpu.memory_space<hbm>> -> memref<32x256xf32, #tpu.memory_space<hbm>>
      tpu.wait_dma2 semaphore(%arg11 : memref<!tpu.dma_semaphore, #tpu.memory_space<semaphore_mem>>) src(%dma_wait3A_383 : memref<32x256xf32, #tpu.memory_space<hbm>>) dst(%dma_wait3A_380 : memref<32x256xf32, #tpu.memory_space<vmem>>)
      %mul3A_384 = arith.constant 32 : i32
      %mul3A_385 = arith.muli %add3A_368, %mul3A_384 : i32
      %add3A_386 = arith.addi %mul3A_4, %mul3A_385 : i32
      %dma_start3A_387 = arith.constant 4 : i32
      %dma_start3A_388 = arith.constant 0 : i32
      %dma_start3A_389 = arith.constant 0 : i32
      %dma_start3A_390 = tpu.memref_slice %arg6[%dma_start3A_387, %dma_start3A_388, %dma_start3A_389] : memref<8x32x256xf32, #tpu.memory_space<vmem>> -> memref<1x32x256xf32, #tpu.memory_space<vmem>>
      %dma_start3A_391 = tpu.memref_squeeze %dma_start3A_390 : memref<1x32x256xf32, #tpu.memory_space<vmem>> -> memref<32x256xf32, #tpu.memory_space<vmem>>
      %dma_start3A_392 = arith.constant 0 : i32
      %dma_start3A_393 = tpu.memref_slice %arg4[%add3A_386, %dma_start3A_392] : memref<81920x256xf32, #tpu.memory_space<hbm>> -> memref<32x256xf32, #tpu.memory_space<hbm>>
      %dma_start3A_394 = arith.constant 0 : i32
      %dma_start3A_395 = tpu.memref_slice %arg4[%add3A_386, %dma_start3A_394] : memref<81920x256xf32, #tpu.memory_space<hbm>> -> memref<32x256xf32, #tpu.memory_space<hbm>>
      %dma_start3A_396 = arith.constant 0 : i32
      %dma_start3A_397 = arith.constant 0 : i32
      %dma_start3A_398 = tpu.memref_slice %arg6[%dma_start3A_387, %dma_start3A_396, %dma_start3A_397] : memref<8x32x256xf32, #tpu.memory_space<vmem>> -> memref<1x32x256xf32, #tpu.memory_space<vmem>>
      %dma_start3A_399 = tpu.memref_squeeze %dma_start3A_398 : memref<1x32x256xf32, #tpu.memory_space<vmem>> -> memref<32x256xf32, #tpu.memory_space<vmem>>
      tpu.enqueue_dma source(%dma_start3A_399 : memref<32x256xf32, #tpu.memory_space<vmem>>) target(%dma_start3A_395 : memref<32x256xf32, #tpu.memory_space<hbm>>) target_semaphore(%arg19 : memref<!tpu.dma_semaphore, #tpu.memory_space<semaphore_mem>>)
      %mul3A_400 = arith.constant 8 : i32
      %mul3A_401 = arith.muli %scan3A_224, %mul3A_400 : i32
      %add3A_402 = arith.constant 5 : i32
      %add3A_403 = arith.addi %mul3A_401, %add3A_402 : i32
      %dma_wait3A_404 = arith.constant 5 : i32
      %dma_wait3A_405 = arith.constant 0 : i32
      %dma_wait3A_406 = arith.constant 0 : i32
      %dma_wait3A_407 = tpu.memref_slice %arg6[%dma_wait3A_404, %dma_wait3A_405, %dma_wait3A_406] : memref<8x32x256xf32, #tpu.memory_space<vmem>> -> memref<1x32x256xf32, #tpu.memory_space<vmem>>
      %dma_wait3A_408 = tpu.memref_squeeze %dma_wait3A_407 : memref<1x32x256xf32, #tpu.memory_space<vmem>> -> memref<32x256xf32, #tpu.memory_space<vmem>>
      %dma_wait3A_409 = arith.constant 0 : i32
      %dma_wait3A_410 = arith.constant 0 : i32
      %dma_wait3A_411 = tpu.memref_slice %arg2[%dma_wait3A_409, %dma_wait3A_410] : memref<20000x256xf32, #tpu.memory_space<hbm>> -> memref<32x256xf32, #tpu.memory_space<hbm>>
      %dma_wait3A_412 = arith.constant 0 : i32
      %dma_wait3A_413 = arith.constant 0 : i32
      %dma_wait3A_414 = tpu.memref_slice %arg6[%dma_wait3A_404, %dma_wait3A_412, %dma_wait3A_413] : memref<8x32x256xf32, #tpu.memory_space<vmem>> -> memref<1x32x256xf32, #tpu.memory_space<vmem>>
      %dma_wait3A_415 = tpu.memref_squeeze %dma_wait3A_414 : memref<1x32x256xf32, #tpu.memory_space<vmem>> -> memref<32x256xf32, #tpu.memory_space<vmem>>
      %dma_wait3A_416 = arith.constant 0 : i32
      %dma_wait3A_417 = arith.constant 0 : i32
      %dma_wait3A_418 = tpu.memref_slice %arg2[%dma_wait3A_416, %dma_wait3A_417] : memref<20000x256xf32, #tpu.memory_space<hbm>> -> memref<32x256xf32, #tpu.memory_space<hbm>>
      tpu.wait_dma2 semaphore(%arg12 : memref<!tpu.dma_semaphore, #tpu.memory_space<semaphore_mem>>) src(%dma_wait3A_418 : memref<32x256xf32, #tpu.memory_space<hbm>>) dst(%dma_wait3A_415 : memref<32x256xf32, #tpu.memory_space<vmem>>)
      %mul3A_419 = arith.constant 32 : i32
      %mul3A_420 = arith.muli %add3A_403, %mul3A_419 : i32
      %add3A_421 = arith.addi %mul3A_4, %mul3A_420 : i32
      %dma_start3A_422 = arith.constant 5 : i32
      %dma_start3A_423 = arith.constant 0 : i32
      %dma_start3A_424 = arith.constant 0 : i32
      %dma_start3A_425 = tpu.memref_slice %arg6[%dma_start3A_422, %dma_start3A_423, %dma_start3A_424] : memref<8x32x256xf32, #tpu.memory_space<vmem>> -> memref<1x32x256xf32, #tpu.memory_space<vmem>>
      %dma_start3A_426 = tpu.memref_squeeze %dma_start3A_425 : memref<1x32x256xf32, #tpu.memory_space<vmem>> -> memref<32x256xf32, #tpu.memory_space<vmem>>
      %dma_start3A_427 = arith.constant 0 : i32
      %dma_start3A_428 = tpu.memref_slice %arg4[%add3A_421, %dma_start3A_427] : memref<81920x256xf32, #tpu.memory_space<hbm>> -> memref<32x256xf32, #tpu.memory_space<hbm>>
      %dma_start3A_429 = arith.constant 0 : i32
      %dma_start3A_430 = tpu.memref_slice %arg4[%add3A_421, %dma_start3A_429] : memref<81920x256xf32, #tpu.memory_space<hbm>> -> memref<32x256xf32, #tpu.memory_space<hbm>>
      %dma_start3A_431 = arith.constant 0 : i32
      %dma_start3A_432 = arith.constant 0 : i32
      %dma_start3A_433 = tpu.memref_slice %arg6[%dma_start3A_422, %dma_start3A_431, %dma_start3A_432] : memref<8x32x256xf32, #tpu.memory_space<vmem>> -> memref<1x32x256xf32, #tpu.memory_space<vmem>>
      %dma_start3A_434 = tpu.memref_squeeze %dma_start3A_433 : memref<1x32x256xf32, #tpu.memory_space<vmem>> -> memref<32x256xf32, #tpu.memory_space<vmem>>
      tpu.enqueue_dma source(%dma_start3A_434 : memref<32x256xf32, #tpu.memory_space<vmem>>) target(%dma_start3A_430 : memref<32x256xf32, #tpu.memory_space<hbm>>) target_semaphore(%arg20 : memref<!tpu.dma_semaphore, #tpu.memory_space<semaphore_mem>>)
      %mul3A_435 = arith.constant 8 : i32
      %mul3A_436 = arith.muli %scan3A_224, %mul3A_435 : i32
      %add3A_437 = arith.constant 6 : i32
      %add3A_438 = arith.addi %mul3A_436, %add3A_437 : i32
      %dma_wait3A_439 = arith.constant 6 : i32
      %dma_wait3A_440 = arith.constant 0 : i32
      %dma_wait3A_441 = arith.constant 0 : i32
      %dma_wait3A_442 = tpu.memref_slice %arg6[%dma_wait3A_439, %dma_wait3A_440, %dma_wait3A_441] : memref<8x32x256xf32, #tpu.memory_space<vmem>> -> memref<1x32x256xf32, #tpu.memory_space<vmem>>
      %dma_wait3A_443 = tpu.memref_squeeze %dma_wait3A_442 : memref<1x32x256xf32, #tpu.memory_space<vmem>> -> memref<32x256xf32, #tpu.memory_space<vmem>>
      %dma_wait3A_444 = arith.constant 0 : i32
      %dma_wait3A_445 = arith.constant 0 : i32
      %dma_wait3A_446 = tpu.memref_slice %arg2[%dma_wait3A_444, %dma_wait3A_445] : memref<20000x256xf32, #tpu.memory_space<hbm>> -> memref<32x256xf32, #tpu.memory_space<hbm>>
      %dma_wait3A_447 = arith.constant 0 : i32
      %dma_wait3A_448 = arith.constant 0 : i32
      %dma_wait3A_449 = tpu.memref_slice %arg6[%dma_wait3A_439, %dma_wait3A_447, %dma_wait3A_448] : memref<8x32x256xf32, #tpu.memory_space<vmem>> -> memref<1x32x256xf32, #tpu.memory_space<vmem>>
      %dma_wait3A_450 = tpu.memref_squeeze %dma_wait3A_449 : memref<1x32x256xf32, #tpu.memory_space<vmem>> -> memref<32x256xf32, #tpu.memory_space<vmem>>
      %dma_wait3A_451 = arith.constant 0 : i32
      %dma_wait3A_452 = arith.constant 0 : i32
      %dma_wait3A_453 = tpu.memref_slice %arg2[%dma_wait3A_451, %dma_wait3A_452] : memref<20000x256xf32, #tpu.memory_space<hbm>> -> memref<32x256xf32, #tpu.memory_space<hbm>>
      tpu.wait_dma2 semaphore(%arg13 : memref<!tpu.dma_semaphore, #tpu.memory_space<semaphore_mem>>) src(%dma_wait3A_453 : memref<32x256xf32, #tpu.memory_space<hbm>>) dst(%dma_wait3A_450 : memref<32x256xf32, #tpu.memory_space<vmem>>)
      %mul3A_454 = arith.constant 32 : i32
      %mul3A_455 = arith.muli %add3A_438, %mul3A_454 : i32
      %add3A_456 = arith.addi %mul3A_4, %mul3A_455 : i32
      %dma_start3A_457 = arith.constant 6 : i32
      %dma_start3A_458 = arith.constant 0 : i32
      %dma_start3A_459 = arith.constant 0 : i32
      %dma_start3A_460 = tpu.memref_slice %arg6[%dma_start3A_457, %dma_start3A_458, %dma_start3A_459] : memref<8x32x256xf32, #tpu.memory_space<vmem>> -> memref<1x32x256xf32, #tpu.memory_space<vmem>>
      %dma_start3A_461 = tpu.memref_squeeze %dma_start3A_460 : memref<1x32x256xf32, #tpu.memory_space<vmem>> -> memref<32x256xf32, #tpu.memory_space<vmem>>
      %dma_start3A_462 = arith.constant 0 : i32
      %dma_start3A_463 = tpu.memref_slice %arg4[%add3A_456, %dma_start3A_462] : memref<81920x256xf32, #tpu.memory_space<hbm>> -> memref<32x256xf32, #tpu.memory_space<hbm>>
      %dma_start3A_464 = arith.constant 0 : i32
      %dma_start3A_465 = tpu.memref_slice %arg4[%add3A_456, %dma_start3A_464] : memref<81920x256xf32, #tpu.memory_space<hbm>> -> memref<32x256xf32, #tpu.memory_space<hbm>>
      %dma_start3A_466 = arith.constant 0 : i32
      %dma_start3A_467 = arith.constant 0 : i32
      %dma_start3A_468 = tpu.memref_slice %arg6[%dma_start3A_457, %dma_start3A_466, %dma_start3A_467] : memref<8x32x256xf32, #tpu.memory_space<vmem>> -> memref<1x32x256xf32, #tpu.memory_space<vmem>>
      %dma_start3A_469 = tpu.memref_squeeze %dma_start3A_468 : memref<1x32x256xf32, #tpu.memory_space<vmem>> -> memref<32x256xf32, #tpu.memory_space<vmem>>
      tpu.enqueue_dma source(%dma_start3A_469 : memref<32x256xf32, #tpu.memory_space<vmem>>) target(%dma_start3A_465 : memref<32x256xf32, #tpu.memory_space<hbm>>) target_semaphore(%arg21 : memref<!tpu.dma_semaphore, #tpu.memory_space<semaphore_mem>>)
      %mul3A_470 = arith.constant 8 : i32
      %mul3A_471 = arith.muli %scan3A_224, %mul3A_470 : i32
      %add3A_472 = arith.constant 7 : i32
      %add3A_473 = arith.addi %mul3A_471, %add3A_472 : i32
      %dma_wait3A_474 = arith.constant 7 : i32
      %dma_wait3A_475 = arith.constant 0 : i32
      %dma_wait3A_476 = arith.constant 0 : i32
      %dma_wait3A_477 = tpu.memref_slice %arg6[%dma_wait3A_474, %dma_wait3A_475, %dma_wait3A_476] : memref<8x32x256xf32, #tpu.memory_space<vmem>> -> memref<1x32x256xf32, #tpu.memory_space<vmem>>
      %dma_wait3A_478 = tpu.memref_squeeze %dma_wait3A_477 : memref<1x32x256xf32, #tpu.memory_space<vmem>> -> memref<32x256xf32, #tpu.memory_space<vmem>>
      %dma_wait3A_479 = arith.constant 0 : i32
      %dma_wait3A_480 = arith.constant 0 : i32
      %dma_wait3A_481 = tpu.memref_slice %arg2[%dma_wait3A_479, %dma_wait3A_480] : memref<20000x256xf32, #tpu.memory_space<hbm>> -> memref<32x256xf32, #tpu.memory_space<hbm>>
      %dma_wait3A_482 = arith.constant 0 : i32
      %dma_wait3A_483 = arith.constant 0 : i32
      %dma_wait3A_484 = tpu.memref_slice %arg6[%dma_wait3A_474, %dma_wait3A_482, %dma_wait3A_483] : memref<8x32x256xf32, #tpu.memory_space<vmem>> -> memref<1x32x256xf32, #tpu.memory_space<vmem>>
      %dma_wait3A_485 = tpu.memref_squeeze %dma_wait3A_484 : memref<1x32x256xf32, #tpu.memory_space<vmem>> -> memref<32x256xf32, #tpu.memory_space<vmem>>
      %dma_wait3A_486 = arith.constant 0 : i32
      %dma_wait3A_487 = arith.constant 0 : i32
      %dma_wait3A_488 = tpu.memref_slice %arg2[%dma_wait3A_486, %dma_wait3A_487] : memref<20000x256xf32, #tpu.memory_space<hbm>> -> memref<32x256xf32, #tpu.memory_space<hbm>>
      tpu.wait_dma2 semaphore(%arg14 : memref<!tpu.dma_semaphore, #tpu.memory_space<semaphore_mem>>) src(%dma_wait3A_488 : memref<32x256xf32, #tpu.memory_space<hbm>>) dst(%dma_wait3A_485 : memref<32x256xf32, #tpu.memory_space<vmem>>)
      %mul3A_489 = arith.constant 32 : i32
      %mul3A_490 = arith.muli %add3A_473, %mul3A_489 : i32
      %add3A_491 = arith.addi %mul3A_4, %mul3A_490 : i32
      %dma_start3A_492 = arith.constant 7 : i32
      %dma_start3A_493 = arith.constant 0 : i32
      %dma_start3A_494 = arith.constant 0 : i32
      %dma_start3A_495 = tpu.memref_slice %arg6[%dma_start3A_492, %dma_start3A_493, %dma_start3A_494] : memref<8x32x256xf32, #tpu.memory_space<vmem>> -> memref<1x32x256xf32, #tpu.memory_space<vmem>>
      %dma_start3A_496 = tpu.memref_squeeze %dma_start3A_495 : memref<1x32x256xf32, #tpu.memory_space<vmem>> -> memref<32x256xf32, #tpu.memory_space<vmem>>
      %dma_start3A_497 = arith.constant 0 : i32
      %dma_start3A_498 = tpu.memref_slice %arg4[%add3A_491, %dma_start3A_497] : memref<81920x256xf32, #tpu.memory_space<hbm>> -> memref<32x256xf32, #tpu.memory_space<hbm>>
      %dma_start3A_499 = arith.constant 0 : i32
      %dma_start3A_500 = tpu.memref_slice %arg4[%add3A_491, %dma_start3A_499] : memref<81920x256xf32, #tpu.memory_space<hbm>> -> memref<32x256xf32, #tpu.memory_space<hbm>>
      %dma_start3A_501 = arith.constant 0 : i32
      %dma_start3A_502 = arith.constant 0 : i32
      %dma_start3A_503 = tpu.memref_slice %arg6[%dma_start3A_492, %dma_start3A_501, %dma_start3A_502] : memref<8x32x256xf32, #tpu.memory_space<vmem>> -> memref<1x32x256xf32, #tpu.memory_space<vmem>>
      %dma_start3A_504 = tpu.memref_squeeze %dma_start3A_503 : memref<1x32x256xf32, #tpu.memory_space<vmem>> -> memref<32x256xf32, #tpu.memory_space<vmem>>
      tpu.enqueue_dma source(%dma_start3A_504 : memref<32x256xf32, #tpu.memory_space<vmem>>) target(%dma_start3A_500 : memref<32x256xf32, #tpu.memory_space<hbm>>) target_semaphore(%arg22 : memref<!tpu.dma_semaphore, #tpu.memory_space<semaphore_mem>>)
      %mul3A_505 = arith.constant 8 : i32
      %mul3A_506 = arith.muli %scan3A_224, %mul3A_505 : i32
      %add3A_507 = arith.constant 0 : i32
      %add3A_508 = arith.addi %mul3A_506, %add3A_507 : i32
      %add3A_509 = arith.constant 8 : i32
      %add3A_510 = arith.addi %add3A_508, %add3A_509 : i32
      %lt3A = arith.constant 80 : i32
      %lt3A_511 = arith.cmpi slt, %add3A_510, %lt3A : i32
      %convert_element_type3A = arith.extui %lt3A_511 : i1 to i32
      %cond3A = arith.constant 0 : i32
      %cond3A_512 = arith.cmpi ne, %convert_element_type3A, %cond3A : i32
      scf.if %cond3A_512 {
        %dma_wait3A_590 = arith.constant 0 : i32
        %dma_wait3A_591 = arith.constant 0 : i32
        %dma_wait3A_592 = arith.constant 0 : i32
        %dma_wait3A_593 = tpu.memref_slice %arg6[%dma_wait3A_590, %dma_wait3A_591, %dma_wait3A_592] : memref<8x32x256xf32, #tpu.memory_space<vmem>> -> memref<1x32x256xf32, #tpu.memory_space<vmem>>
        %dma_wait3A_594 = tpu.memref_squeeze %dma_wait3A_593 : memref<1x32x256xf32, #tpu.memory_space<vmem>> -> memref<32x256xf32, #tpu.memory_space<vmem>>
        %dma_wait3A_595 = arith.constant 0 : i32
        %dma_wait3A_596 = arith.constant 0 : i32
        %dma_wait3A_597 = tpu.memref_slice %arg4[%dma_wait3A_595, %dma_wait3A_596] : memref<81920x256xf32, #tpu.memory_space<hbm>> -> memref<32x256xf32, #tpu.memory_space<hbm>>
        %dma_wait3A_598 = arith.constant 0 : i32
        %dma_wait3A_599 = arith.constant 0 : i32
        %dma_wait3A_600 = tpu.memref_slice %arg4[%dma_wait3A_598, %dma_wait3A_599] : memref<81920x256xf32, #tpu.memory_space<hbm>> -> memref<32x256xf32, #tpu.memory_space<hbm>>
        %dma_wait3A_601 = arith.constant 0 : i32
        %dma_wait3A_602 = arith.constant 0 : i32
        %dma_wait3A_603 = tpu.memref_slice %arg6[%dma_wait3A_590, %dma_wait3A_601, %dma_wait3A_602] : memref<8x32x256xf32, #tpu.memory_space<vmem>> -> memref<1x32x256xf32, #tpu.memory_space<vmem>>
        %dma_wait3A_604 = tpu.memref_squeeze %dma_wait3A_603 : memref<1x32x256xf32, #tpu.memory_space<vmem>> -> memref<32x256xf32, #tpu.memory_space<vmem>>
        tpu.wait_dma2 semaphore(%arg15 : memref<!tpu.dma_semaphore, #tpu.memory_space<semaphore_mem>>) src(%dma_wait3A_604 : memref<32x256xf32, #tpu.memory_space<vmem>>) dst(%dma_wait3A_600 : memref<32x256xf32, #tpu.memory_space<hbm>>)
        %add3A_605 = arith.constant 8 : i32
        %add3A_606 = arith.addi %add3A_508, %add3A_605 : i32
        %dma_start3A_607 = arith.constant 0 : i32
        %dma_start3A_608 = arith.constant 0 : i32
        %dma_start3A_609 = arith.constant 0 : i32
        %dma_start3A_610 = tpu.memref_slice %arg6[%dma_start3A_607, %dma_start3A_608, %dma_start3A_609] : memref<8x32x256xf32, #tpu.memory_space<vmem>> -> memref<1x32x256xf32, #tpu.memory_space<vmem>>
        %dma_start3A_611 = tpu.memref_squeeze %dma_start3A_610 : memref<1x32x256xf32, #tpu.memory_space<vmem>> -> memref<32x256xf32, #tpu.memory_space<vmem>>
        %dma_start3A_612 = arith.constant 0 : i32
        %dma_start3A_613 = tpu.memref_slice %arg5[%add3A_606, %dma_start3A_612] : memref<80x32xi32, #tpu.memory_space<vmem>> -> memref<1x32xi32, #tpu.memory_space<vmem>>
        %dma_start3A_614 = tpu.memref_squeeze %dma_start3A_613 : memref<1x32xi32, #tpu.memory_space<vmem>> -> memref<32xi32, #tpu.memory_space<vmem>>
        %dma_start3A_615 = arith.constant 0 : i32
        %dma_start3A_616 = arith.constant 0 : i32
        %dma_start3A_617 = tpu.memref_slice %arg2[%dma_start3A_615, %dma_start3A_616] : memref<20000x256xf32, #tpu.memory_space<hbm>> -> memref<20000x256xf32, #tpu.memory_space<hbm>>
        tpu.enqueue_indirect_dma source(%dma_start3A_617 : memref<20000x256xf32, #tpu.memory_space<hbm>>) target(%dma_start3A_611 : memref<32x256xf32, #tpu.memory_space<vmem>>) offsets(%dma_start3A_614 : memref<32xi32, #tpu.memory_space<vmem>>) semaphore(%arg7 : memref<!tpu.dma_semaphore, #tpu.memory_space<semaphore_mem>>)
      } else {
      }
      %mul3A_513 = arith.constant 8 : i32
      %mul3A_514 = arith.muli %scan3A_224, %mul3A_513 : i32
      %add3A_515 = arith.constant 1 : i32
      %add3A_516 = arith.addi %mul3A_514, %add3A_515 : i32
      %add3A_517 = arith.constant 8 : i32
      %add3A_518 = arith.addi %add3A_516, %add3A_517 : i32
      %lt3A_519 = arith.constant 80 : i32
      %lt3A_520 = arith.cmpi slt, %add3A_518, %lt3A_519 : i32
      %convert_element_type3A_521 = arith.extui %lt3A_520 : i1 to i32
      %cond3A_522 = arith.constant 0 : i32
      %cond3A_523 = arith.cmpi ne, %convert_element_type3A_521, %cond3A_522 : i32
      scf.if %cond3A_523 {
        %dma_wait3A_590 = arith.constant 1 : i32
        %dma_wait3A_591 = arith.constant 0 : i32
        %dma_wait3A_592 = arith.constant 0 : i32
        %dma_wait3A_593 = tpu.memref_slice %arg6[%dma_wait3A_590, %dma_wait3A_591, %dma_wait3A_592] : memref<8x32x256xf32, #tpu.memory_space<vmem>> -> memref<1x32x256xf32, #tpu.memory_space<vmem>>
        %dma_wait3A_594 = tpu.memref_squeeze %dma_wait3A_593 : memref<1x32x256xf32, #tpu.memory_space<vmem>> -> memref<32x256xf32, #tpu.memory_space<vmem>>
        %dma_wait3A_595 = arith.constant 0 : i32
        %dma_wait3A_596 = arith.constant 0 : i32
        %dma_wait3A_597 = tpu.memref_slice %arg4[%dma_wait3A_595, %dma_wait3A_596] : memref<81920x256xf32, #tpu.memory_space<hbm>> -> memref<32x256xf32, #tpu.memory_space<hbm>>
        %dma_wait3A_598 = arith.constant 0 : i32
        %dma_wait3A_599 = arith.constant 0 : i32
        %dma_wait3A_600 = tpu.memref_slice %arg4[%dma_wait3A_598, %dma_wait3A_599] : memref<81920x256xf32, #tpu.memory_space<hbm>> -> memref<32x256xf32, #tpu.memory_space<hbm>>
        %dma_wait3A_601 = arith.constant 0 : i32
        %dma_wait3A_602 = arith.constant 0 : i32
        %dma_wait3A_603 = tpu.memref_slice %arg6[%dma_wait3A_590, %dma_wait3A_601, %dma_wait3A_602] : memref<8x32x256xf32, #tpu.memory_space<vmem>> -> memref<1x32x256xf32, #tpu.memory_space<vmem>>
        %dma_wait3A_604 = tpu.memref_squeeze %dma_wait3A_603 : memref<1x32x256xf32, #tpu.memory_space<vmem>> -> memref<32x256xf32, #tpu.memory_space<vmem>>
        tpu.wait_dma2 semaphore(%arg16 : memref<!tpu.dma_semaphore, #tpu.memory_space<semaphore_mem>>) src(%dma_wait3A_604 : memref<32x256xf32, #tpu.memory_space<vmem>>) dst(%dma_wait3A_600 : memref<32x256xf32, #tpu.memory_space<hbm>>)
        %add3A_605 = arith.constant 8 : i32
        %add3A_606 = arith.addi %add3A_516, %add3A_605 : i32
        %dma_start3A_607 = arith.constant 1 : i32
        %dma_start3A_608 = arith.constant 0 : i32
        %dma_start3A_609 = arith.constant 0 : i32
        %dma_start3A_610 = tpu.memref_slice %arg6[%dma_start3A_607, %dma_start3A_608, %dma_start3A_609] : memref<8x32x256xf32, #tpu.memory_space<vmem>> -> memref<1x32x256xf32, #tpu.memory_space<vmem>>
        %dma_start3A_611 = tpu.memref_squeeze %dma_start3A_610 : memref<1x32x256xf32, #tpu.memory_space<vmem>> -> memref<32x256xf32, #tpu.memory_space<vmem>>
        %dma_start3A_612 = arith.constant 0 : i32
        %dma_start3A_613 = tpu.memref_slice %arg5[%add3A_606, %dma_start3A_612] : memref<80x32xi32, #tpu.memory_space<vmem>> -> memref<1x32xi32, #tpu.memory_space<vmem>>
        %dma_start3A_614 = tpu.memref_squeeze %dma_start3A_613 : memref<1x32xi32, #tpu.memory_space<vmem>> -> memref<32xi32, #tpu.memory_space<vmem>>
        %dma_start3A_615 = arith.constant 0 : i32
        %dma_start3A_616 = arith.constant 0 : i32
        %dma_start3A_617 = tpu.memref_slice %arg2[%dma_start3A_615, %dma_start3A_616] : memref<20000x256xf32, #tpu.memory_space<hbm>> -> memref<20000x256xf32, #tpu.memory_space<hbm>>
        tpu.enqueue_indirect_dma source(%dma_start3A_617 : memref<20000x256xf32, #tpu.memory_space<hbm>>) target(%dma_start3A_611 : memref<32x256xf32, #tpu.memory_space<vmem>>) offsets(%dma_start3A_614 : memref<32xi32, #tpu.memory_space<vmem>>) semaphore(%arg8 : memref<!tpu.dma_semaphore, #tpu.memory_space<semaphore_mem>>)
      } else {
      }
      %mul3A_524 = arith.constant 8 : i32
      %mul3A_525 = arith.muli %scan3A_224, %mul3A_524 : i32
      %add3A_526 = arith.constant 2 : i32
      %add3A_527 = arith.addi %mul3A_525, %add3A_526 : i32
      %add3A_528 = arith.constant 8 : i32
      %add3A_529 = arith.addi %add3A_527, %add3A_528 : i32
      %lt3A_530 = arith.constant 80 : i32
      %lt3A_531 = arith.cmpi slt, %add3A_529, %lt3A_530 : i32
      %convert_element_type3A_532 = arith.extui %lt3A_531 : i1 to i32
      %cond3A_533 = arith.constant 0 : i32
      %cond3A_534 = arith.cmpi ne, %convert_element_type3A_532, %cond3A_533 : i32
      scf.if %cond3A_534 {
        %dma_wait3A_590 = arith.constant 2 : i32
        %dma_wait3A_591 = arith.constant 0 : i32
        %dma_wait3A_592 = arith.constant 0 : i32
        %dma_wait3A_593 = tpu.memref_slice %arg6[%dma_wait3A_590, %dma_wait3A_591, %dma_wait3A_592] : memref<8x32x256xf32, #tpu.memory_space<vmem>> -> memref<1x32x256xf32, #tpu.memory_space<vmem>>
        %dma_wait3A_594 = tpu.memref_squeeze %dma_wait3A_593 : memref<1x32x256xf32, #tpu.memory_space<vmem>> -> memref<32x256xf32, #tpu.memory_space<vmem>>
        %dma_wait3A_595 = arith.constant 0 : i32
        %dma_wait3A_596 = arith.constant 0 : i32
        %dma_wait3A_597 = tpu.memref_slice %arg4[%dma_wait3A_595, %dma_wait3A_596] : memref<81920x256xf32, #tpu.memory_space<hbm>> -> memref<32x256xf32, #tpu.memory_space<hbm>>
        %dma_wait3A_598 = arith.constant 0 : i32
        %dma_wait3A_599 = arith.constant 0 : i32
        %dma_wait3A_600 = tpu.memref_slice %arg4[%dma_wait3A_598, %dma_wait3A_599] : memref<81920x256xf32, #tpu.memory_space<hbm>> -> memref<32x256xf32, #tpu.memory_space<hbm>>
        %dma_wait3A_601 = arith.constant 0 : i32
        %dma_wait3A_602 = arith.constant 0 : i32
        %dma_wait3A_603 = tpu.memref_slice %arg6[%dma_wait3A_590, %dma_wait3A_601, %dma_wait3A_602] : memref<8x32x256xf32, #tpu.memory_space<vmem>> -> memref<1x32x256xf32, #tpu.memory_space<vmem>>
        %dma_wait3A_604 = tpu.memref_squeeze %dma_wait3A_603 : memref<1x32x256xf32, #tpu.memory_space<vmem>> -> memref<32x256xf32, #tpu.memory_space<vmem>>
        tpu.wait_dma2 semaphore(%arg17 : memref<!tpu.dma_semaphore, #tpu.memory_space<semaphore_mem>>) src(%dma_wait3A_604 : memref<32x256xf32, #tpu.memory_space<vmem>>) dst(%dma_wait3A_600 : memref<32x256xf32, #tpu.memory_space<hbm>>)
        %add3A_605 = arith.constant 8 : i32
        %add3A_606 = arith.addi %add3A_527, %add3A_605 : i32
        %dma_start3A_607 = arith.constant 2 : i32
        %dma_start3A_608 = arith.constant 0 : i32
        %dma_start3A_609 = arith.constant 0 : i32
        %dma_start3A_610 = tpu.memref_slice %arg6[%dma_start3A_607, %dma_start3A_608, %dma_start3A_609] : memref<8x32x256xf32, #tpu.memory_space<vmem>> -> memref<1x32x256xf32, #tpu.memory_space<vmem>>
        %dma_start3A_611 = tpu.memref_squeeze %dma_start3A_610 : memref<1x32x256xf32, #tpu.memory_space<vmem>> -> memref<32x256xf32, #tpu.memory_space<vmem>>
        %dma_start3A_612 = arith.constant 0 : i32
        %dma_start3A_613 = tpu.memref_slice %arg5[%add3A_606, %dma_start3A_612] : memref<80x32xi32, #tpu.memory_space<vmem>> -> memref<1x32xi32, #tpu.memory_space<vmem>>
        %dma_start3A_614 = tpu.memref_squeeze %dma_start3A_613 : memref<1x32xi32, #tpu.memory_space<vmem>> -> memref<32xi32, #tpu.memory_space<vmem>>
        %dma_start3A_615 = arith.constant 0 : i32
        %dma_start3A_616 = arith.constant 0 : i32
        %dma_start3A_617 = tpu.memref_slice %arg2[%dma_start3A_615, %dma_start3A_616] : memref<20000x256xf32, #tpu.memory_space<hbm>> -> memref<20000x256xf32, #tpu.memory_space<hbm>>
        tpu.enqueue_indirect_dma source(%dma_start3A_617 : memref<20000x256xf32, #tpu.memory_space<hbm>>) target(%dma_start3A_611 : memref<32x256xf32, #tpu.memory_space<vmem>>) offsets(%dma_start3A_614 : memref<32xi32, #tpu.memory_space<vmem>>) semaphore(%arg9 : memref<!tpu.dma_semaphore, #tpu.memory_space<semaphore_mem>>)
      } else {
      }
      %mul3A_535 = arith.constant 8 : i32
      %mul3A_536 = arith.muli %scan3A_224, %mul3A_535 : i32
      %add3A_537 = arith.constant 3 : i32
      %add3A_538 = arith.addi %mul3A_536, %add3A_537 : i32
      %add3A_539 = arith.constant 8 : i32
      %add3A_540 = arith.addi %add3A_538, %add3A_539 : i32
      %lt3A_541 = arith.constant 80 : i32
      %lt3A_542 = arith.cmpi slt, %add3A_540, %lt3A_541 : i32
      %convert_element_type3A_543 = arith.extui %lt3A_542 : i1 to i32
      %cond3A_544 = arith.constant 0 : i32
      %cond3A_545 = arith.cmpi ne, %convert_element_type3A_543, %cond3A_544 : i32
      scf.if %cond3A_545 {
        %dma_wait3A_590 = arith.constant 3 : i32
        %dma_wait3A_591 = arith.constant 0 : i32
        %dma_wait3A_592 = arith.constant 0 : i32
        %dma_wait3A_593 = tpu.memref_slice %arg6[%dma_wait3A_590, %dma_wait3A_591, %dma_wait3A_592] : memref<8x32x256xf32, #tpu.memory_space<vmem>> -> memref<1x32x256xf32, #tpu.memory_space<vmem>>
        %dma_wait3A_594 = tpu.memref_squeeze %dma_wait3A_593 : memref<1x32x256xf32, #tpu.memory_space<vmem>> -> memref<32x256xf32, #tpu.memory_space<vmem>>
        %dma_wait3A_595 = arith.constant 0 : i32
        %dma_wait3A_596 = arith.constant 0 : i32
        %dma_wait3A_597 = tpu.memref_slice %arg4[%dma_wait3A_595, %dma_wait3A_596] : memref<81920x256xf32, #tpu.memory_space<hbm>> -> memref<32x256xf32, #tpu.memory_space<hbm>>
        %dma_wait3A_598 = arith.constant 0 : i32
        %dma_wait3A_599 = arith.constant 0 : i32
        %dma_wait3A_600 = tpu.memref_slice %arg4[%dma_wait3A_598, %dma_wait3A_599] : memref<81920x256xf32, #tpu.memory_space<hbm>> -> memref<32x256xf32, #tpu.memory_space<hbm>>
        %dma_wait3A_601 = arith.constant 0 : i32
        %dma_wait3A_602 = arith.constant 0 : i32
        %dma_wait3A_603 = tpu.memref_slice %arg6[%dma_wait3A_590, %dma_wait3A_601, %dma_wait3A_602] : memref<8x32x256xf32, #tpu.memory_space<vmem>> -> memref<1x32x256xf32, #tpu.memory_space<vmem>>
        %dma_wait3A_604 = tpu.memref_squeeze %dma_wait3A_603 : memref<1x32x256xf32, #tpu.memory_space<vmem>> -> memref<32x256xf32, #tpu.memory_space<vmem>>
        tpu.wait_dma2 semaphore(%arg18 : memref<!tpu.dma_semaphore, #tpu.memory_space<semaphore_mem>>) src(%dma_wait3A_604 : memref<32x256xf32, #tpu.memory_space<vmem>>) dst(%dma_wait3A_600 : memref<32x256xf32, #tpu.memory_space<hbm>>)
        %add3A_605 = arith.constant 8 : i32
        %add3A_606 = arith.addi %add3A_538, %add3A_605 : i32
        %dma_start3A_607 = arith.constant 3 : i32
        %dma_start3A_608 = arith.constant 0 : i32
        %dma_start3A_609 = arith.constant 0 : i32
        %dma_start3A_610 = tpu.memref_slice %arg6[%dma_start3A_607, %dma_start3A_608, %dma_start3A_609] : memref<8x32x256xf32, #tpu.memory_space<vmem>> -> memref<1x32x256xf32, #tpu.memory_space<vmem>>
        %dma_start3A_611 = tpu.memref_squeeze %dma_start3A_610 : memref<1x32x256xf32, #tpu.memory_space<vmem>> -> memref<32x256xf32, #tpu.memory_space<vmem>>
        %dma_start3A_612 = arith.constant 0 : i32
        %dma_start3A_613 = tpu.memref_slice %arg5[%add3A_606, %dma_start3A_612] : memref<80x32xi32, #tpu.memory_space<vmem>> -> memref<1x32xi32, #tpu.memory_space<vmem>>
        %dma_start3A_614 = tpu.memref_squeeze %dma_start3A_613 : memref<1x32xi32, #tpu.memory_space<vmem>> -> memref<32xi32, #tpu.memory_space<vmem>>
        %dma_start3A_615 = arith.constant 0 : i32
        %dma_start3A_616 = arith.constant 0 : i32
        %dma_start3A_617 = tpu.memref_slice %arg2[%dma_start3A_615, %dma_start3A_616] : memref<20000x256xf32, #tpu.memory_space<hbm>> -> memref<20000x256xf32, #tpu.memory_space<hbm>>
        tpu.enqueue_indirect_dma source(%dma_start3A_617 : memref<20000x256xf32, #tpu.memory_space<hbm>>) target(%dma_start3A_611 : memref<32x256xf32, #tpu.memory_space<vmem>>) offsets(%dma_start3A_614 : memref<32xi32, #tpu.memory_space<vmem>>) semaphore(%arg10 : memref<!tpu.dma_semaphore, #tpu.memory_space<semaphore_mem>>)
      } else {
      }
      %mul3A_546 = arith.constant 8 : i32
      %mul3A_547 = arith.muli %scan3A_224, %mul3A_546 : i32
      %add3A_548 = arith.constant 4 : i32
      %add3A_549 = arith.addi %mul3A_547, %add3A_548 : i32
      %add3A_550 = arith.constant 8 : i32
      %add3A_551 = arith.addi %add3A_549, %add3A_550 : i32
      %lt3A_552 = arith.constant 80 : i32
      %lt3A_553 = arith.cmpi slt, %add3A_551, %lt3A_552 : i32
      %convert_element_type3A_554 = arith.extui %lt3A_553 : i1 to i32
      %cond3A_555 = arith.constant 0 : i32
      %cond3A_556 = arith.cmpi ne, %convert_element_type3A_554, %cond3A_555 : i32
      scf.if %cond3A_556 {
        %dma_wait3A_590 = arith.constant 4 : i32
        %dma_wait3A_591 = arith.constant 0 : i32
        %dma_wait3A_592 = arith.constant 0 : i32
        %dma_wait3A_593 = tpu.memref_slice %arg6[%dma_wait3A_590, %dma_wait3A_591, %dma_wait3A_592] : memref<8x32x256xf32, #tpu.memory_space<vmem>> -> memref<1x32x256xf32, #tpu.memory_space<vmem>>
        %dma_wait3A_594 = tpu.memref_squeeze %dma_wait3A_593 : memref<1x32x256xf32, #tpu.memory_space<vmem>> -> memref<32x256xf32, #tpu.memory_space<vmem>>
        %dma_wait3A_595 = arith.constant 0 : i32
        %dma_wait3A_596 = arith.constant 0 : i32
        %dma_wait3A_597 = tpu.memref_slice %arg4[%dma_wait3A_595, %dma_wait3A_596] : memref<81920x256xf32, #tpu.memory_space<hbm>> -> memref<32x256xf32, #tpu.memory_space<hbm>>
        %dma_wait3A_598 = arith.constant 0 : i32
        %dma_wait3A_599 = arith.constant 0 : i32
        %dma_wait3A_600 = tpu.memref_slice %arg4[%dma_wait3A_598, %dma_wait3A_599] : memref<81920x256xf32, #tpu.memory_space<hbm>> -> memref<32x256xf32, #tpu.memory_space<hbm>>
        %dma_wait3A_601 = arith.constant 0 : i32
        %dma_wait3A_602 = arith.constant 0 : i32
        %dma_wait3A_603 = tpu.memref_slice %arg6[%dma_wait3A_590, %dma_wait3A_601, %dma_wait3A_602] : memref<8x32x256xf32, #tpu.memory_space<vmem>> -> memref<1x32x256xf32, #tpu.memory_space<vmem>>
        %dma_wait3A_604 = tpu.memref_squeeze %dma_wait3A_603 : memref<1x32x256xf32, #tpu.memory_space<vmem>> -> memref<32x256xf32, #tpu.memory_space<vmem>>
        tpu.wait_dma2 semaphore(%arg19 : memref<!tpu.dma_semaphore, #tpu.memory_space<semaphore_mem>>) src(%dma_wait3A_604 : memref<32x256xf32, #tpu.memory_space<vmem>>) dst(%dma_wait3A_600 : memref<32x256xf32, #tpu.memory_space<hbm>>)
        %add3A_605 = arith.constant 8 : i32
        %add3A_606 = arith.addi %add3A_549, %add3A_605 : i32
        %dma_start3A_607 = arith.constant 4 : i32
        %dma_start3A_608 = arith.constant 0 : i32
        %dma_start3A_609 = arith.constant 0 : i32
        %dma_start3A_610 = tpu.memref_slice %arg6[%dma_start3A_607, %dma_start3A_608, %dma_start3A_609] : memref<8x32x256xf32, #tpu.memory_space<vmem>> -> memref<1x32x256xf32, #tpu.memory_space<vmem>>
        %dma_start3A_611 = tpu.memref_squeeze %dma_start3A_610 : memref<1x32x256xf32, #tpu.memory_space<vmem>> -> memref<32x256xf32, #tpu.memory_space<vmem>>
        %dma_start3A_612 = arith.constant 0 : i32
        %dma_start3A_613 = tpu.memref_slice %arg5[%add3A_606, %dma_start3A_612] : memref<80x32xi32, #tpu.memory_space<vmem>> -> memref<1x32xi32, #tpu.memory_space<vmem>>
        %dma_start3A_614 = tpu.memref_squeeze %dma_start3A_613 : memref<1x32xi32, #tpu.memory_space<vmem>> -> memref<32xi32, #tpu.memory_space<vmem>>
        %dma_start3A_615 = arith.constant 0 : i32
        %dma_start3A_616 = arith.constant 0 : i32
        %dma_start3A_617 = tpu.memref_slice %arg2[%dma_start3A_615, %dma_start3A_616] : memref<20000x256xf32, #tpu.memory_space<hbm>> -> memref<20000x256xf32, #tpu.memory_space<hbm>>
        tpu.enqueue_indirect_dma source(%dma_start3A_617 : memref<20000x256xf32, #tpu.memory_space<hbm>>) target(%dma_start3A_611 : memref<32x256xf32, #tpu.memory_space<vmem>>) offsets(%dma_start3A_614 : memref<32xi32, #tpu.memory_space<vmem>>) semaphore(%arg11 : memref<!tpu.dma_semaphore, #tpu.memory_space<semaphore_mem>>)
      } else {
      }
      %mul3A_557 = arith.constant 8 : i32
      %mul3A_558 = arith.muli %scan3A_224, %mul3A_557 : i32
      %add3A_559 = arith.constant 5 : i32
      %add3A_560 = arith.addi %mul3A_558, %add3A_559 : i32
      %add3A_561 = arith.constant 8 : i32
      %add3A_562 = arith.addi %add3A_560, %add3A_561 : i32
      %lt3A_563 = arith.constant 80 : i32
      %lt3A_564 = arith.cmpi slt, %add3A_562, %lt3A_563 : i32
      %convert_element_type3A_565 = arith.extui %lt3A_564 : i1 to i32
      %cond3A_566 = arith.constant 0 : i32
      %cond3A_567 = arith.cmpi ne, %convert_element_type3A_565, %cond3A_566 : i32
      scf.if %cond3A_567 {
        %dma_wait3A_590 = arith.constant 5 : i32
        %dma_wait3A_591 = arith.constant 0 : i32
        %dma_wait3A_592 = arith.constant 0 : i32
        %dma_wait3A_593 = tpu.memref_slice %arg6[%dma_wait3A_590, %dma_wait3A_591, %dma_wait3A_592] : memref<8x32x256xf32, #tpu.memory_space<vmem>> -> memref<1x32x256xf32, #tpu.memory_space<vmem>>
        %dma_wait3A_594 = tpu.memref_squeeze %dma_wait3A_593 : memref<1x32x256xf32, #tpu.memory_space<vmem>> -> memref<32x256xf32, #tpu.memory_space<vmem>>
        %dma_wait3A_595 = arith.constant 0 : i32
        %dma_wait3A_596 = arith.constant 0 : i32
        %dma_wait3A_597 = tpu.memref_slice %arg4[%dma_wait3A_595, %dma_wait3A_596] : memref<81920x256xf32, #tpu.memory_space<hbm>> -> memref<32x256xf32, #tpu.memory_space<hbm>>
        %dma_wait3A_598 = arith.constant 0 : i32
        %dma_wait3A_599 = arith.constant 0 : i32
        %dma_wait3A_600 = tpu.memref_slice %arg4[%dma_wait3A_598, %dma_wait3A_599] : memref<81920x256xf32, #tpu.memory_space<hbm>> -> memref<32x256xf32, #tpu.memory_space<hbm>>
        %dma_wait3A_601 = arith.constant 0 : i32
        %dma_wait3A_602 = arith.constant 0 : i32
        %dma_wait3A_603 = tpu.memref_slice %arg6[%dma_wait3A_590, %dma_wait3A_601, %dma_wait3A_602] : memref<8x32x256xf32, #tpu.memory_space<vmem>> -> memref<1x32x256xf32, #tpu.memory_space<vmem>>
        %dma_wait3A_604 = tpu.memref_squeeze %dma_wait3A_603 : memref<1x32x256xf32, #tpu.memory_space<vmem>> -> memref<32x256xf32, #tpu.memory_space<vmem>>
        tpu.wait_dma2 semaphore(%arg20 : memref<!tpu.dma_semaphore, #tpu.memory_space<semaphore_mem>>) src(%dma_wait3A_604 : memref<32x256xf32, #tpu.memory_space<vmem>>) dst(%dma_wait3A_600 : memref<32x256xf32, #tpu.memory_space<hbm>>)
        %add3A_605 = arith.constant 8 : i32
        %add3A_606 = arith.addi %add3A_560, %add3A_605 : i32
        %dma_start3A_607 = arith.constant 5 : i32
        %dma_start3A_608 = arith.constant 0 : i32
        %dma_start3A_609 = arith.constant 0 : i32
        %dma_start3A_610 = tpu.memref_slice %arg6[%dma_start3A_607, %dma_start3A_608, %dma_start3A_609] : memref<8x32x256xf32, #tpu.memory_space<vmem>> -> memref<1x32x256xf32, #tpu.memory_space<vmem>>
        %dma_start3A_611 = tpu.memref_squeeze %dma_start3A_610 : memref<1x32x256xf32, #tpu.memory_space<vmem>> -> memref<32x256xf32, #tpu.memory_space<vmem>>
        %dma_start3A_612 = arith.constant 0 : i32
        %dma_start3A_613 = tpu.memref_slice %arg5[%add3A_606, %dma_start3A_612] : memref<80x32xi32, #tpu.memory_space<vmem>> -> memref<1x32xi32, #tpu.memory_space<vmem>>
        %dma_start3A_614 = tpu.memref_squeeze %dma_start3A_613 : memref<1x32xi32, #tpu.memory_space<vmem>> -> memref<32xi32, #tpu.memory_space<vmem>>
        %dma_start3A_615 = arith.constant 0 : i32
        %dma_start3A_616 = arith.constant 0 : i32
        %dma_start3A_617 = tpu.memref_slice %arg2[%dma_start3A_615, %dma_start3A_616] : memref<20000x256xf32, #tpu.memory_space<hbm>> -> memref<20000x256xf32, #tpu.memory_space<hbm>>
        tpu.enqueue_indirect_dma source(%dma_start3A_617 : memref<20000x256xf32, #tpu.memory_space<hbm>>) target(%dma_start3A_611 : memref<32x256xf32, #tpu.memory_space<vmem>>) offsets(%dma_start3A_614 : memref<32xi32, #tpu.memory_space<vmem>>) semaphore(%arg12 : memref<!tpu.dma_semaphore, #tpu.memory_space<semaphore_mem>>)
      } else {
      }
      %mul3A_568 = arith.constant 8 : i32
      %mul3A_569 = arith.muli %scan3A_224, %mul3A_568 : i32
      %add3A_570 = arith.constant 6 : i32
      %add3A_571 = arith.addi %mul3A_569, %add3A_570 : i32
      %add3A_572 = arith.constant 8 : i32
      %add3A_573 = arith.addi %add3A_571, %add3A_572 : i32
      %lt3A_574 = arith.constant 80 : i32
      %lt3A_575 = arith.cmpi slt, %add3A_573, %lt3A_574 : i32
      %convert_element_type3A_576 = arith.extui %lt3A_575 : i1 to i32
      %cond3A_577 = arith.constant 0 : i32
      %cond3A_578 = arith.cmpi ne, %convert_element_type3A_576, %cond3A_577 : i32
      scf.if %cond3A_578 {
        %dma_wait3A_590 = arith.constant 6 : i32
        %dma_wait3A_591 = arith.constant 0 : i32
        %dma_wait3A_592 = arith.constant 0 : i32
        %dma_wait3A_593 = tpu.memref_slice %arg6[%dma_wait3A_590, %dma_wait3A_591, %dma_wait3A_592] : memref<8x32x256xf32, #tpu.memory_space<vmem>> -> memref<1x32x256xf32, #tpu.memory_space<vmem>>
        %dma_wait3A_594 = tpu.memref_squeeze %dma_wait3A_593 : memref<1x32x256xf32, #tpu.memory_space<vmem>> -> memref<32x256xf32, #tpu.memory_space<vmem>>
        %dma_wait3A_595 = arith.constant 0 : i32
        %dma_wait3A_596 = arith.constant 0 : i32
        %dma_wait3A_597 = tpu.memref_slice %arg4[%dma_wait3A_595, %dma_wait3A_596] : memref<81920x256xf32, #tpu.memory_space<hbm>> -> memref<32x256xf32, #tpu.memory_space<hbm>>
        %dma_wait3A_598 = arith.constant 0 : i32
        %dma_wait3A_599 = arith.constant 0 : i32
        %dma_wait3A_600 = tpu.memref_slice %arg4[%dma_wait3A_598, %dma_wait3A_599] : memref<81920x256xf32, #tpu.memory_space<hbm>> -> memref<32x256xf32, #tpu.memory_space<hbm>>
        %dma_wait3A_601 = arith.constant 0 : i32
        %dma_wait3A_602 = arith.constant 0 : i32
        %dma_wait3A_603 = tpu.memref_slice %arg6[%dma_wait3A_590, %dma_wait3A_601, %dma_wait3A_602] : memref<8x32x256xf32, #tpu.memory_space<vmem>> -> memref<1x32x256xf32, #tpu.memory_space<vmem>>
        %dma_wait3A_604 = tpu.memref_squeeze %dma_wait3A_603 : memref<1x32x256xf32, #tpu.memory_space<vmem>> -> memref<32x256xf32, #tpu.memory_space<vmem>>
        tpu.wait_dma2 semaphore(%arg21 : memref<!tpu.dma_semaphore, #tpu.memory_space<semaphore_mem>>) src(%dma_wait3A_604 : memref<32x256xf32, #tpu.memory_space<vmem>>) dst(%dma_wait3A_600 : memref<32x256xf32, #tpu.memory_space<hbm>>)
        %add3A_605 = arith.constant 8 : i32
        %add3A_606 = arith.addi %add3A_571, %add3A_605 : i32
        %dma_start3A_607 = arith.constant 6 : i32
        %dma_start3A_608 = arith.constant 0 : i32
        %dma_start3A_609 = arith.constant 0 : i32
        %dma_start3A_610 = tpu.memref_slice %arg6[%dma_start3A_607, %dma_start3A_608, %dma_start3A_609] : memref<8x32x256xf32, #tpu.memory_space<vmem>> -> memref<1x32x256xf32, #tpu.memory_space<vmem>>
        %dma_start3A_611 = tpu.memref_squeeze %dma_start3A_610 : memref<1x32x256xf32, #tpu.memory_space<vmem>> -> memref<32x256xf32, #tpu.memory_space<vmem>>
        %dma_start3A_612 = arith.constant 0 : i32
        %dma_start3A_613 = tpu.memref_slice %arg5[%add3A_606, %dma_start3A_612] : memref<80x32xi32, #tpu.memory_space<vmem>> -> memref<1x32xi32, #tpu.memory_space<vmem>>
        %dma_start3A_614 = tpu.memref_squeeze %dma_start3A_613 : memref<1x32xi32, #tpu.memory_space<vmem>> -> memref<32xi32, #tpu.memory_space<vmem>>
        %dma_start3A_615 = arith.constant 0 : i32
        %dma_start3A_616 = arith.constant 0 : i32
        %dma_start3A_617 = tpu.memref_slice %arg2[%dma_start3A_615, %dma_start3A_616] : memref<20000x256xf32, #tpu.memory_space<hbm>> -> memref<20000x256xf32, #tpu.memory_space<hbm>>
        tpu.enqueue_indirect_dma source(%dma_start3A_617 : memref<20000x256xf32, #tpu.memory_space<hbm>>) target(%dma_start3A_611 : memref<32x256xf32, #tpu.memory_space<vmem>>) offsets(%dma_start3A_614 : memref<32xi32, #tpu.memory_space<vmem>>) semaphore(%arg13 : memref<!tpu.dma_semaphore, #tpu.memory_space<semaphore_mem>>)
      } else {
      }
      %mul3A_579 = arith.constant 8 : i32
      %mul3A_580 = arith.muli %scan3A_224, %mul3A_579 : i32
      %add3A_581 = arith.constant 7 : i32
      %add3A_582 = arith.addi %mul3A_580, %add3A_581 : i32
      %add3A_583 = arith.constant 8 : i32
      %add3A_584 = arith.addi %add3A_582, %add3A_583 : i32
      %lt3A_585 = arith.constant 80 : i32
      %lt3A_586 = arith.cmpi slt, %add3A_584, %lt3A_585 : i32
      %convert_element_type3A_587 = arith.extui %lt3A_586 : i1 to i32
      %cond3A_588 = arith.constant 0 : i32
      %cond3A_589 = arith.cmpi ne, %convert_element_type3A_587, %cond3A_588 : i32
      scf.if %cond3A_589 {
        %dma_wait3A_590 = arith.constant 7 : i32
        %dma_wait3A_591 = arith.constant 0 : i32
        %dma_wait3A_592 = arith.constant 0 : i32
        %dma_wait3A_593 = tpu.memref_slice %arg6[%dma_wait3A_590, %dma_wait3A_591, %dma_wait3A_592] : memref<8x32x256xf32, #tpu.memory_space<vmem>> -> memref<1x32x256xf32, #tpu.memory_space<vmem>>
        %dma_wait3A_594 = tpu.memref_squeeze %dma_wait3A_593 : memref<1x32x256xf32, #tpu.memory_space<vmem>> -> memref<32x256xf32, #tpu.memory_space<vmem>>
        %dma_wait3A_595 = arith.constant 0 : i32
        %dma_wait3A_596 = arith.constant 0 : i32
        %dma_wait3A_597 = tpu.memref_slice %arg4[%dma_wait3A_595, %dma_wait3A_596] : memref<81920x256xf32, #tpu.memory_space<hbm>> -> memref<32x256xf32, #tpu.memory_space<hbm>>
        %dma_wait3A_598 = arith.constant 0 : i32
        %dma_wait3A_599 = arith.constant 0 : i32
        %dma_wait3A_600 = tpu.memref_slice %arg4[%dma_wait3A_598, %dma_wait3A_599] : memref<81920x256xf32, #tpu.memory_space<hbm>> -> memref<32x256xf32, #tpu.memory_space<hbm>>
        %dma_wait3A_601 = arith.constant 0 : i32
        %dma_wait3A_602 = arith.constant 0 : i32
        %dma_wait3A_603 = tpu.memref_slice %arg6[%dma_wait3A_590, %dma_wait3A_601, %dma_wait3A_602] : memref<8x32x256xf32, #tpu.memory_space<vmem>> -> memref<1x32x256xf32, #tpu.memory_space<vmem>>
        %dma_wait3A_604 = tpu.memref_squeeze %dma_wait3A_603 : memref<1x32x256xf32, #tpu.memory_space<vmem>> -> memref<32x256xf32, #tpu.memory_space<vmem>>
        tpu.wait_dma2 semaphore(%arg22 : memref<!tpu.dma_semaphore, #tpu.memory_space<semaphore_mem>>) src(%dma_wait3A_604 : memref<32x256xf32, #tpu.memory_space<vmem>>) dst(%dma_wait3A_600 : memref<32x256xf32, #tpu.memory_space<hbm>>)
        %add3A_605 = arith.constant 8 : i32
        %add3A_606 = arith.addi %add3A_582, %add3A_605 : i32
        %dma_start3A_607 = arith.constant 7 : i32
        %dma_start3A_608 = arith.constant 0 : i32
        %dma_start3A_609 = arith.constant 0 : i32
        %dma_start3A_610 = tpu.memref_slice %arg6[%dma_start3A_607, %dma_start3A_608, %dma_start3A_609] : memref<8x32x256xf32, #tpu.memory_space<vmem>> -> memref<1x32x256xf32, #tpu.memory_space<vmem>>
        %dma_start3A_611 = tpu.memref_squeeze %dma_start3A_610 : memref<1x32x256xf32, #tpu.memory_space<vmem>> -> memref<32x256xf32, #tpu.memory_space<vmem>>
        %dma_start3A_612 = arith.constant 0 : i32
        %dma_start3A_613 = tpu.memref_slice %arg5[%add3A_606, %dma_start3A_612] : memref<80x32xi32, #tpu.memory_space<vmem>> -> memref<1x32xi32, #tpu.memory_space<vmem>>
        %dma_start3A_614 = tpu.memref_squeeze %dma_start3A_613 : memref<1x32xi32, #tpu.memory_space<vmem>> -> memref<32xi32, #tpu.memory_space<vmem>>
        %dma_start3A_615 = arith.constant 0 : i32
        %dma_start3A_616 = arith.constant 0 : i32
        %dma_start3A_617 = tpu.memref_slice %arg2[%dma_start3A_615, %dma_start3A_616] : memref<20000x256xf32, #tpu.memory_space<hbm>> -> memref<20000x256xf32, #tpu.memory_space<hbm>>
        tpu.enqueue_indirect_dma source(%dma_start3A_617 : memref<20000x256xf32, #tpu.memory_space<hbm>>) target(%dma_start3A_611 : memref<32x256xf32, #tpu.memory_space<vmem>>) offsets(%dma_start3A_614 : memref<32xi32, #tpu.memory_space<vmem>>) semaphore(%arg14 : memref<!tpu.dma_semaphore, #tpu.memory_space<semaphore_mem>>)
      } else {
      }
    }
    %scan3A_104 = arith.constant 10 : i32
    %dma_wait3A = arith.constant 0 : i32
    %dma_wait3A_105 = arith.constant 0 : i32
    %dma_wait3A_106 = arith.constant 0 : i32
    %dma_wait3A_107 = tpu.memref_slice %arg6[%dma_wait3A, %dma_wait3A_105, %dma_wait3A_106] : memref<8x32x256xf32, #tpu.memory_space<vmem>> -> memref<1x32x256xf32, #tpu.memory_space<vmem>>
    %dma_wait3A_108 = tpu.memref_squeeze %dma_wait3A_107 : memref<1x32x256xf32, #tpu.memory_space<vmem>> -> memref<32x256xf32, #tpu.memory_space<vmem>>
    %dma_wait3A_109 = arith.constant 0 : i32
    %dma_wait3A_110 = arith.constant 0 : i32
    %dma_wait3A_111 = tpu.memref_slice %arg4[%dma_wait3A_109, %dma_wait3A_110] : memref<81920x256xf32, #tpu.memory_space<hbm>> -> memref<32x256xf32, #tpu.memory_space<hbm>>
    %dma_wait3A_112 = arith.constant 0 : i32
    %dma_wait3A_113 = arith.constant 0 : i32
    %dma_wait3A_114 = tpu.memref_slice %arg4[%dma_wait3A_112, %dma_wait3A_113] : memref<81920x256xf32, #tpu.memory_space<hbm>> -> memref<32x256xf32, #tpu.memory_space<hbm>>
    %dma_wait3A_115 = arith.constant 0 : i32
    %dma_wait3A_116 = arith.constant 0 : i32
    %dma_wait3A_117 = tpu.memref_slice %arg6[%dma_wait3A, %dma_wait3A_115, %dma_wait3A_116] : memref<8x32x256xf32, #tpu.memory_space<vmem>> -> memref<1x32x256xf32, #tpu.memory_space<vmem>>
    %dma_wait3A_118 = tpu.memref_squeeze %dma_wait3A_117 : memref<1x32x256xf32, #tpu.memory_space<vmem>> -> memref<32x256xf32, #tpu.memory_space<vmem>>
    tpu.wait_dma2 semaphore(%arg15 : memref<!tpu.dma_semaphore, #tpu.memory_space<semaphore_mem>>) src(%dma_wait3A_118 : memref<32x256xf32, #tpu.memory_space<vmem>>) dst(%dma_wait3A_114 : memref<32x256xf32, #tpu.memory_space<hbm>>)
    %dma_wait3A_119 = arith.constant 1 : i32
    %dma_wait3A_120 = arith.constant 0 : i32
    %dma_wait3A_121 = arith.constant 0 : i32
    %dma_wait3A_122 = tpu.memref_slice %arg6[%dma_wait3A_119, %dma_wait3A_120, %dma_wait3A_121] : memref<8x32x256xf32, #tpu.memory_space<vmem>> -> memref<1x32x256xf32, #tpu.memory_space<vmem>>
    %dma_wait3A_123 = tpu.memref_squeeze %dma_wait3A_122 : memref<1x32x256xf32, #tpu.memory_space<vmem>> -> memref<32x256xf32, #tpu.memory_space<vmem>>
    %dma_wait3A_124 = arith.constant 0 : i32
    %dma_wait3A_125 = arith.constant 0 : i32
    %dma_wait3A_126 = tpu.memref_slice %arg4[%dma_wait3A_124, %dma_wait3A_125] : memref<81920x256xf32, #tpu.memory_space<hbm>> -> memref<32x256xf32, #tpu.memory_space<hbm>>
    %dma_wait3A_127 = arith.constant 0 : i32
    %dma_wait3A_128 = arith.constant 0 : i32
    %dma_wait3A_129 = tpu.memref_slice %arg4[%dma_wait3A_127, %dma_wait3A_128] : memref<81920x256xf32, #tpu.memory_space<hbm>> -> memref<32x256xf32, #tpu.memory_space<hbm>>
    %dma_wait3A_130 = arith.constant 0 : i32
    %dma_wait3A_131 = arith.constant 0 : i32
    %dma_wait3A_132 = tpu.memref_slice %arg6[%dma_wait3A_119, %dma_wait3A_130, %dma_wait3A_131] : memref<8x32x256xf32, #tpu.memory_space<vmem>> -> memref<1x32x256xf32, #tpu.memory_space<vmem>>
    %dma_wait3A_133 = tpu.memref_squeeze %dma_wait3A_132 : memref<1x32x256xf32, #tpu.memory_space<vmem>> -> memref<32x256xf32, #tpu.memory_space<vmem>>
    tpu.wait_dma2 semaphore(%arg16 : memref<!tpu.dma_semaphore, #tpu.memory_space<semaphore_mem>>) src(%dma_wait3A_133 : memref<32x256xf32, #tpu.memory_space<vmem>>) dst(%dma_wait3A_129 : memref<32x256xf32, #tpu.memory_space<hbm>>)
    %dma_wait3A_134 = arith.constant 2 : i32
    %dma_wait3A_135 = arith.constant 0 : i32
    %dma_wait3A_136 = arith.constant 0 : i32
    %dma_wait3A_137 = tpu.memref_slice %arg6[%dma_wait3A_134, %dma_wait3A_135, %dma_wait3A_136] : memref<8x32x256xf32, #tpu.memory_space<vmem>> -> memref<1x32x256xf32, #tpu.memory_space<vmem>>
    %dma_wait3A_138 = tpu.memref_squeeze %dma_wait3A_137 : memref<1x32x256xf32, #tpu.memory_space<vmem>> -> memref<32x256xf32, #tpu.memory_space<vmem>>
    %dma_wait3A_139 = arith.constant 0 : i32
    %dma_wait3A_140 = arith.constant 0 : i32
    %dma_wait3A_141 = tpu.memref_slice %arg4[%dma_wait3A_139, %dma_wait3A_140] : memref<81920x256xf32, #tpu.memory_space<hbm>> -> memref<32x256xf32, #tpu.memory_space<hbm>>
    %dma_wait3A_142 = arith.constant 0 : i32
    %dma_wait3A_143 = arith.constant 0 : i32
    %dma_wait3A_144 = tpu.memref_slice %arg4[%dma_wait3A_142, %dma_wait3A_143] : memref<81920x256xf32, #tpu.memory_space<hbm>> -> memref<32x256xf32, #tpu.memory_space<hbm>>
    %dma_wait3A_145 = arith.constant 0 : i32
    %dma_wait3A_146 = arith.constant 0 : i32
    %dma_wait3A_147 = tpu.memref_slice %arg6[%dma_wait3A_134, %dma_wait3A_145, %dma_wait3A_146] : memref<8x32x256xf32, #tpu.memory_space<vmem>> -> memref<1x32x256xf32, #tpu.memory_space<vmem>>
    %dma_wait3A_148 = tpu.memref_squeeze %dma_wait3A_147 : memref<1x32x256xf32, #tpu.memory_space<vmem>> -> memref<32x256xf32, #tpu.memory_space<vmem>>
    tpu.wait_dma2 semaphore(%arg17 : memref<!tpu.dma_semaphore, #tpu.memory_space<semaphore_mem>>) src(%dma_wait3A_148 : memref<32x256xf32, #tpu.memory_space<vmem>>) dst(%dma_wait3A_144 : memref<32x256xf32, #tpu.memory_space<hbm>>)
    %dma_wait3A_149 = arith.constant 3 : i32
    %dma_wait3A_150 = arith.constant 0 : i32
    %dma_wait3A_151 = arith.constant 0 : i32
    %dma_wait3A_152 = tpu.memref_slice %arg6[%dma_wait3A_149, %dma_wait3A_150, %dma_wait3A_151] : memref<8x32x256xf32, #tpu.memory_space<vmem>> -> memref<1x32x256xf32, #tpu.memory_space<vmem>>
    %dma_wait3A_153 = tpu.memref_squeeze %dma_wait3A_152 : memref<1x32x256xf32, #tpu.memory_space<vmem>> -> memref<32x256xf32, #tpu.memory_space<vmem>>
    %dma_wait3A_154 = arith.constant 0 : i32
    %dma_wait3A_155 = arith.constant 0 : i32
    %dma_wait3A_156 = tpu.memref_slice %arg4[%dma_wait3A_154, %dma_wait3A_155] : memref<81920x256xf32, #tpu.memory_space<hbm>> -> memref<32x256xf32, #tpu.memory_space<hbm>>
    %dma_wait3A_157 = arith.constant 0 : i32
    %dma_wait3A_158 = arith.constant 0 : i32
    %dma_wait3A_159 = tpu.memref_slice %arg4[%dma_wait3A_157, %dma_wait3A_158] : memref<81920x256xf32, #tpu.memory_space<hbm>> -> memref<32x256xf32, #tpu.memory_space<hbm>>
    %dma_wait3A_160 = arith.constant 0 : i32
    %dma_wait3A_161 = arith.constant 0 : i32
    %dma_wait3A_162 = tpu.memref_slice %arg6[%dma_wait3A_149, %dma_wait3A_160, %dma_wait3A_161] : memref<8x32x256xf32, #tpu.memory_space<vmem>> -> memref<1x32x256xf32, #tpu.memory_space<vmem>>
    %dma_wait3A_163 = tpu.memref_squeeze %dma_wait3A_162 : memref<1x32x256xf32, #tpu.memory_space<vmem>> -> memref<32x256xf32, #tpu.memory_space<vmem>>
    tpu.wait_dma2 semaphore(%arg18 : memref<!tpu.dma_semaphore, #tpu.memory_space<semaphore_mem>>) src(%dma_wait3A_163 : memref<32x256xf32, #tpu.memory_space<vmem>>) dst(%dma_wait3A_159 : memref<32x256xf32, #tpu.memory_space<hbm>>)
    %dma_wait3A_164 = arith.constant 4 : i32
    %dma_wait3A_165 = arith.constant 0 : i32
    %dma_wait3A_166 = arith.constant 0 : i32
    %dma_wait3A_167 = tpu.memref_slice %arg6[%dma_wait3A_164, %dma_wait3A_165, %dma_wait3A_166] : memref<8x32x256xf32, #tpu.memory_space<vmem>> -> memref<1x32x256xf32, #tpu.memory_space<vmem>>
    %dma_wait3A_168 = tpu.memref_squeeze %dma_wait3A_167 : memref<1x32x256xf32, #tpu.memory_space<vmem>> -> memref<32x256xf32, #tpu.memory_space<vmem>>
    %dma_wait3A_169 = arith.constant 0 : i32
    %dma_wait3A_170 = arith.constant 0 : i32
    %dma_wait3A_171 = tpu.memref_slice %arg4[%dma_wait3A_169, %dma_wait3A_170] : memref<81920x256xf32, #tpu.memory_space<hbm>> -> memref<32x256xf32, #tpu.memory_space<hbm>>
    %dma_wait3A_172 = arith.constant 0 : i32
    %dma_wait3A_173 = arith.constant 0 : i32
    %dma_wait3A_174 = tpu.memref_slice %arg4[%dma_wait3A_172, %dma_wait3A_173] : memref<81920x256xf32, #tpu.memory_space<hbm>> -> memref<32x256xf32, #tpu.memory_space<hbm>>
    %dma_wait3A_175 = arith.constant 0 : i32
    %dma_wait3A_176 = arith.constant 0 : i32
    %dma_wait3A_177 = tpu.memref_slice %arg6[%dma_wait3A_164, %dma_wait3A_175, %dma_wait3A_176] : memref<8x32x256xf32, #tpu.memory_space<vmem>> -> memref<1x32x256xf32, #tpu.memory_space<vmem>>
    %dma_wait3A_178 = tpu.memref_squeeze %dma_wait3A_177 : memref<1x32x256xf32, #tpu.memory_space<vmem>> -> memref<32x256xf32, #tpu.memory_space<vmem>>
    tpu.wait_dma2 semaphore(%arg19 : memref<!tpu.dma_semaphore, #tpu.memory_space<semaphore_mem>>) src(%dma_wait3A_178 : memref<32x256xf32, #tpu.memory_space<vmem>>) dst(%dma_wait3A_174 : memref<32x256xf32, #tpu.memory_space<hbm>>)
    %dma_wait3A_179 = arith.constant 5 : i32
    %dma_wait3A_180 = arith.constant 0 : i32
    %dma_wait3A_181 = arith.constant 0 : i32
    %dma_wait3A_182 = tpu.memref_slice %arg6[%dma_wait3A_179, %dma_wait3A_180, %dma_wait3A_181] : memref<8x32x256xf32, #tpu.memory_space<vmem>> -> memref<1x32x256xf32, #tpu.memory_space<vmem>>
    %dma_wait3A_183 = tpu.memref_squeeze %dma_wait3A_182 : memref<1x32x256xf32, #tpu.memory_space<vmem>> -> memref<32x256xf32, #tpu.memory_space<vmem>>
    %dma_wait3A_184 = arith.constant 0 : i32
    %dma_wait3A_185 = arith.constant 0 : i32
    %dma_wait3A_186 = tpu.memref_slice %arg4[%dma_wait3A_184, %dma_wait3A_185] : memref<81920x256xf32, #tpu.memory_space<hbm>> -> memref<32x256xf32, #tpu.memory_space<hbm>>
    %dma_wait3A_187 = arith.constant 0 : i32
    %dma_wait3A_188 = arith.constant 0 : i32
    %dma_wait3A_189 = tpu.memref_slice %arg4[%dma_wait3A_187, %dma_wait3A_188] : memref<81920x256xf32, #tpu.memory_space<hbm>> -> memref<32x256xf32, #tpu.memory_space<hbm>>
    %dma_wait3A_190 = arith.constant 0 : i32
    %dma_wait3A_191 = arith.constant 0 : i32
    %dma_wait3A_192 = tpu.memref_slice %arg6[%dma_wait3A_179, %dma_wait3A_190, %dma_wait3A_191] : memref<8x32x256xf32, #tpu.memory_space<vmem>> -> memref<1x32x256xf32, #tpu.memory_space<vmem>>
    %dma_wait3A_193 = tpu.memref_squeeze %dma_wait3A_192 : memref<1x32x256xf32, #tpu.memory_space<vmem>> -> memref<32x256xf32, #tpu.memory_space<vmem>>
    tpu.wait_dma2 semaphore(%arg20 : memref<!tpu.dma_semaphore, #tpu.memory_space<semaphore_mem>>) src(%dma_wait3A_193 : memref<32x256xf32, #tpu.memory_space<vmem>>) dst(%dma_wait3A_189 : memref<32x256xf32, #tpu.memory_space<hbm>>)
    %dma_wait3A_194 = arith.constant 6 : i32
    %dma_wait3A_195 = arith.constant 0 : i32
    %dma_wait3A_196 = arith.constant 0 : i32
    %dma_wait3A_197 = tpu.memref_slice %arg6[%dma_wait3A_194, %dma_wait3A_195, %dma_wait3A_196] : memref<8x32x256xf32, #tpu.memory_space<vmem>> -> memref<1x32x256xf32, #tpu.memory_space<vmem>>
    %dma_wait3A_198 = tpu.memref_squeeze %dma_wait3A_197 : memref<1x32x256xf32, #tpu.memory_space<vmem>> -> memref<32x256xf32, #tpu.memory_space<vmem>>
    %dma_wait3A_199 = arith.constant 0 : i32
    %dma_wait3A_200 = arith.constant 0 : i32
    %dma_wait3A_201 = tpu.memref_slice %arg4[%dma_wait3A_199, %dma_wait3A_200] : memref<81920x256xf32, #tpu.memory_space<hbm>> -> memref<32x256xf32, #tpu.memory_space<hbm>>
    %dma_wait3A_202 = arith.constant 0 : i32
    %dma_wait3A_203 = arith.constant 0 : i32
    %dma_wait3A_204 = tpu.memref_slice %arg4[%dma_wait3A_202, %dma_wait3A_203] : memref<81920x256xf32, #tpu.memory_space<hbm>> -> memref<32x256xf32, #tpu.memory_space<hbm>>
    %dma_wait3A_205 = arith.constant 0 : i32
    %dma_wait3A_206 = arith.constant 0 : i32
    %dma_wait3A_207 = tpu.memref_slice %arg6[%dma_wait3A_194, %dma_wait3A_205, %dma_wait3A_206] : memref<8x32x256xf32, #tpu.memory_space<vmem>> -> memref<1x32x256xf32, #tpu.memory_space<vmem>>
    %dma_wait3A_208 = tpu.memref_squeeze %dma_wait3A_207 : memref<1x32x256xf32, #tpu.memory_space<vmem>> -> memref<32x256xf32, #tpu.memory_space<vmem>>
    tpu.wait_dma2 semaphore(%arg21 : memref<!tpu.dma_semaphore, #tpu.memory_space<semaphore_mem>>) src(%dma_wait3A_208 : memref<32x256xf32, #tpu.memory_space<vmem>>) dst(%dma_wait3A_204 : memref<32x256xf32, #tpu.memory_space<hbm>>)
    %dma_wait3A_209 = arith.constant 7 : i32
    %dma_wait3A_210 = arith.constant 0 : i32
    %dma_wait3A_211 = arith.constant 0 : i32
    %dma_wait3A_212 = tpu.memref_slice %arg6[%dma_wait3A_209, %dma_wait3A_210, %dma_wait3A_211] : memref<8x32x256xf32, #tpu.memory_space<vmem>> -> memref<1x32x256xf32, #tpu.memory_space<vmem>>
    %dma_wait3A_213 = tpu.memref_squeeze %dma_wait3A_212 : memref<1x32x256xf32, #tpu.memory_space<vmem>> -> memref<32x256xf32, #tpu.memory_space<vmem>>
    %dma_wait3A_214 = arith.constant 0 : i32
    %dma_wait3A_215 = arith.constant 0 : i32
    %dma_wait3A_216 = tpu.memref_slice %arg4[%dma_wait3A_214, %dma_wait3A_215] : memref<81920x256xf32, #tpu.memory_space<hbm>> -> memref<32x256xf32, #tpu.memory_space<hbm>>
    %dma_wait3A_217 = arith.constant 0 : i32
    %dma_wait3A_218 = arith.constant 0 : i32
    %dma_wait3A_219 = tpu.memref_slice %arg4[%dma_wait3A_217, %dma_wait3A_218] : memref<81920x256xf32, #tpu.memory_space<hbm>> -> memref<32x256xf32, #tpu.memory_space<hbm>>
    %dma_wait3A_220 = arith.constant 0 : i32
    %dma_wait3A_221 = arith.constant 0 : i32
    %dma_wait3A_222 = tpu.memref_slice %arg6[%dma_wait3A_209, %dma_wait3A_220, %dma_wait3A_221] : memref<8x32x256xf32, #tpu.memory_space<vmem>> -> memref<1x32x256xf32, #tpu.memory_space<vmem>>
    %dma_wait3A_223 = tpu.memref_squeeze %dma_wait3A_222 : memref<1x32x256xf32, #tpu.memory_space<vmem>> -> memref<32x256xf32, #tpu.memory_space<vmem>>
    tpu.wait_dma2 semaphore(%arg22 : memref<!tpu.dma_semaphore, #tpu.memory_space<semaphore_mem>>) src(%dma_wait3A_223 : memref<32x256xf32, #tpu.memory_space<vmem>>) dst(%dma_wait3A_219 : memref<32x256xf32, #tpu.memory_space<hbm>>)
    return
  }
}

module attributes {stable_mosaic.version = 14 : i64} {
  func.func @_sender_body(%arg0: i32, %arg1: memref<2000x256xf32, #tpu.memory_space<vmem>>, %arg2: memref<2000x64xf32, #tpu.memory_space<vmem>>, %arg3: memref<256x512xf32, #tpu.memory_space<vmem>>, %arg4: memref<64x512xf32, #tpu.memory_space<vmem>>, %arg5: memref<2000x256xf32, #tpu.memory_space<vmem>>) attributes {dimension_semantics = [#tpu.dimension_semantics<arbitrary>], iteration_bounds = array<i64: 10>, scalar_prefetch = 0 : i64, scratch_operands = 0 : i64, tpu.core_type = #tpu.core_type<tc>, window_params = [{transform_indices = @transform_0, window_bounds = array<i64: 2000, 256>}, {transform_indices = @transform_1, window_bounds = array<i64: 2000, 64>}, {pipeline_mode = #tpu.pipeline_mode<synchronous>, transform_indices = @transform_2, window_bounds = array<i64: 256, 512>}, {pipeline_mode = #tpu.pipeline_mode<synchronous>, transform_indices = @transform_3, window_bounds = array<i64: 64, 512>}, {transform_indices = @transform_4, window_bounds = array<i64: 2000, 256>}]} {
    %get3A = arith.constant 0 : index
    %get3A_0 = arith.constant 0 : index
    %get3A_1 = vector.load %arg1[%get3A, %get3A_0] : memref<2000x256xf32, #tpu.memory_space<vmem>>, vector<2000x256xf32>
    %get3A_2 = arith.constant 0 : index
    %get3A_3 = arith.constant 0 : index
    %get3A_4 = vector.load %arg3[%get3A_2, %get3A_3] : memref<256x512xf32, #tpu.memory_space<vmem>>, vector<256x512xf32>
    %dot_general3A = arith.constant dense<0.000000e+00> : vector<2000x512xf32>
    %dot_general3A_5 = tpu.matmul %get3A_1, %get3A_4, %dot_general3A {dimension_numbers = #tpu.dot_dimension_numbers<[1], [0], [0], [1], [0, 0, 1, 1], [], []>, transpose_lhs_hint = false} : vector<2000x256xf32>, vector<256x512xf32>, vector<2000x512xf32> -> vector<2000x512xf32>
    %get3A_6 = arith.constant 0 : index
    %get3A_7 = arith.constant 0 : index
    %get3A_8 = vector.load %arg2[%get3A_6, %get3A_7] : memref<2000x64xf32, #tpu.memory_space<vmem>>, vector<2000x64xf32>
    %get3A_9 = arith.constant 0 : index
    %get3A_10 = arith.constant 0 : index
    %get3A_11 = vector.load %arg4[%get3A_9, %get3A_10] : memref<64x512xf32, #tpu.memory_space<vmem>>, vector<64x512xf32>
    %dot_general3A_12 = arith.constant dense<0.000000e+00> : vector<2000x512xf32>
    %dot_general3A_13 = tpu.matmul %get3A_8, %get3A_11, %dot_general3A_12 {dimension_numbers = #tpu.dot_dimension_numbers<[1], [0], [0], [1], [0, 0, 1, 1], [], []>, transpose_lhs_hint = false} : vector<2000x64xf32>, vector<64x512xf32>, vector<2000x512xf32> -> vector<2000x512xf32>
    %add3A = arith.addf %dot_general3A_5, %dot_general3A_13 : vector<2000x512xf32>
    %slice3A = vector.extract_strided_slice %add3A {offsets = [0, 0], sizes = [2000, 256], strides = [1, 1]} : vector<2000x512xf32> to vector<2000x256xf32>
    %bitcast_convert_type3A = tpu.bitcast %slice3A : vector<2000x256xf32> -> vector<2000x256xi32>
    %add3A_14 = arith.constant 32767 : i32
    %add3A_15 = vector.broadcast %add3A_14 : i32 to vector<2000x256xi32>
    %add3A_16 = arith.addi %bitcast_convert_type3A, %add3A_15 : vector<2000x256xi32>
    %shift_right_logical3A = arith.constant 16 : i32
    %shift_right_logical3A_17 = vector.broadcast %shift_right_logical3A : i32 to vector<2000x256xi32>
    %shift_right_logical3A_18 = arith.shrui %bitcast_convert_type3A, %shift_right_logical3A_17 : vector<2000x256xi32>
    %and3A = arith.constant 1 : i32
    %and3A_19 = vector.broadcast %and3A : i32 to vector<2000x256xi32>
    %and3A_20 = arith.andi %shift_right_logical3A_18, %and3A_19 : vector<2000x256xi32>
    %add3A_21 = arith.addi %add3A_16, %and3A_20 : vector<2000x256xi32>
    %shift_right_logical3A_22 = arith.constant 16 : i32
    %shift_right_logical3A_23 = vector.broadcast %shift_right_logical3A_22 : i32 to vector<2000x256xi32>
    %shift_right_logical3A_24 = arith.shrui %add3A_21, %shift_right_logical3A_23 : vector<2000x256xi32>
    %slice3A_25 = vector.extract_strided_slice %add3A {offsets = [0, 256], sizes = [2000, 256], strides = [1, 1]} : vector<2000x512xf32> to vector<2000x256xf32>
    %bitcast_convert_type3A_26 = tpu.bitcast %slice3A_25 : vector<2000x256xf32> -> vector<2000x256xi32>
    %add3A_27 = arith.constant 32767 : i32
    %add3A_28 = vector.broadcast %add3A_27 : i32 to vector<2000x256xi32>
    %add3A_29 = arith.addi %bitcast_convert_type3A_26, %add3A_28 : vector<2000x256xi32>
    %shift_right_logical3A_30 = arith.constant 16 : i32
    %shift_right_logical3A_31 = vector.broadcast %shift_right_logical3A_30 : i32 to vector<2000x256xi32>
    %shift_right_logical3A_32 = arith.shrui %bitcast_convert_type3A_26, %shift_right_logical3A_31 : vector<2000x256xi32>
    %and3A_33 = arith.constant 1 : i32
    %and3A_34 = vector.broadcast %and3A_33 : i32 to vector<2000x256xi32>
    %and3A_35 = arith.andi %shift_right_logical3A_32, %and3A_34 : vector<2000x256xi32>
    %add3A_36 = arith.addi %add3A_29, %and3A_35 : vector<2000x256xi32>
    %shift_right_logical3A_37 = arith.constant 16 : i32
    %shift_right_logical3A_38 = vector.broadcast %shift_right_logical3A_37 : i32 to vector<2000x256xi32>
    %shift_right_logical3A_39 = arith.shrui %add3A_36, %shift_right_logical3A_38 : vector<2000x256xi32>
    %shift_left3A = arith.constant 16 : i32
    %shift_left3A_40 = vector.broadcast %shift_left3A : i32 to vector<2000x256xi32>
    %shift_left3A_41 = arith.shli %shift_right_logical3A_39, %shift_left3A_40 : vector<2000x256xi32>
    %or3A = arith.ori %shift_right_logical3A_24, %shift_left3A_41 : vector<2000x256xi32>
    %bitcast_convert_type3A_42 = tpu.bitcast %or3A : vector<2000x256xi32> -> vector<2000x256xf32>
    %swap3A = arith.constant 0 : index
    %swap3A_43 = arith.constant 0 : index
    %swap3A_44 = vector.load %arg5[%swap3A, %swap3A_43] : memref<2000x256xf32, #tpu.memory_space<vmem>>, vector<2000x256xf32>
    tpu.vector_store %arg5[%swap3A, %swap3A_43], %bitcast_convert_type3A_42 {strides = array<i32>} : memref<2000x256xf32, #tpu.memory_space<vmem>>, vector<2000x256xf32>,
    return
  }
  func.func @transform_0(%arg0: i32) -> (i32, i32) {
    %c0_i32 = arith.constant 0 : i32
    %c0_i32_0 = arith.constant 0 : i32
    return %arg0, %c0_i32 : i32, i32
  }
  func.func @transform_1(%arg0: i32) -> (i32, i32) {
    %c0_i32 = arith.constant 0 : i32
    %c0_i32_0 = arith.constant 0 : i32
    return %arg0, %c0_i32 : i32, i32
  }
  func.func @transform_2(%arg0: i32) -> (i32, i32) {
    %c0_i32 = arith.constant 0 : i32
    %c0_i32_0 = arith.constant 0 : i32
    %c0_i32_1 = arith.constant 0 : i32
    return %c0_i32, %c0_i32_0 : i32, i32
  }
  func.func @transform_3(%arg0: i32) -> (i32, i32) {
    %c0_i32 = arith.constant 0 : i32
    %c0_i32_0 = arith.constant 0 : i32
    %c0_i32_1 = arith.constant 0 : i32
    return %c0_i32, %c0_i32_0 : i32, i32
  }
  func.func @transform_4(%arg0: i32) -> (i32, i32) {
    %c0_i32 = arith.constant 0 : i32
    %c0_i32_0 = arith.constant 0 : i32
    return %arg0, %c0_i32 : i32, i32
  }
}

module attributes {stable_mosaic.version = 14 : i64} {
  func.func @_obs_body(%arg0: i32, %arg1: memref<2000x256xf32, #tpu.memory_space<vmem>>, %arg2: memref<2000x1xf32, #tpu.memory_space<vmem>>, %arg3: memref<256x512xf32, #tpu.memory_space<vmem>>, %arg4: memref<1x512xf32, #tpu.memory_space<vmem>>, %arg5: memref<512x512xf32, #tpu.memory_space<vmem>>, %arg6: memref<1x512xf32, #tpu.memory_space<vmem>>, %arg7: memref<512x256xf32, #tpu.memory_space<vmem>>, %arg8: memref<1x256xf32, #tpu.memory_space<vmem>>, %arg9: memref<2000x256xf32, #tpu.memory_space<vmem>>) attributes {dimension_semantics = [#tpu.dimension_semantics<arbitrary>], iteration_bounds = array<i64: 10>, scalar_prefetch = 0 : i64, scratch_operands = 0 : i64, tpu.core_type = #tpu.core_type<tc>, window_params = [{transform_indices = @transform_0, window_bounds = array<i64: 2000, 256>}, {transform_indices = @transform_1, window_bounds = array<i64: 2000, 1>}, {pipeline_mode = #tpu.pipeline_mode<synchronous>, transform_indices = @transform_2, window_bounds = array<i64: 256, 512>}, {pipeline_mode = #tpu.pipeline_mode<synchronous>, transform_indices = @transform_3, window_bounds = array<i64: 1, 512>}, {pipeline_mode = #tpu.pipeline_mode<synchronous>, transform_indices = @transform_4, window_bounds = array<i64: 512, 512>}, {pipeline_mode = #tpu.pipeline_mode<synchronous>, transform_indices = @transform_5, window_bounds = array<i64: 1, 512>}, {pipeline_mode = #tpu.pipeline_mode<synchronous>, transform_indices = @transform_6, window_bounds = array<i64: 512, 256>}, {pipeline_mode = #tpu.pipeline_mode<synchronous>, transform_indices = @transform_7, window_bounds = array<i64: 1, 256>}, {transform_indices = @transform_8, window_bounds = array<i64: 2000, 256>}]} {
    %get3A = arith.constant 0 : index
    %get3A_0 = arith.constant 0 : index
    %get3A_1 = vector.load %arg1[%get3A, %get3A_0] : memref<2000x256xf32, #tpu.memory_space<vmem>>, vector<2000x256xf32>
    %get3A_2 = arith.constant 0 : index
    %get3A_3 = arith.constant 0 : index
    %get3A_4 = vector.load %arg3[%get3A_2, %get3A_3] : memref<256x512xf32, #tpu.memory_space<vmem>>, vector<256x512xf32>
    %dot_general3A = arith.constant dense<0.000000e+00> : vector<2000x512xf32>
    %dot_general3A_5 = tpu.matmul %get3A_1, %get3A_4, %dot_general3A {dimension_numbers = #tpu.dot_dimension_numbers<[1], [0], [0], [1], [0, 0, 1, 1], [], []>, transpose_lhs_hint = false} : vector<2000x256xf32>, vector<256x512xf32>, vector<2000x512xf32> -> vector<2000x512xf32>
    %get3A_6 = arith.constant 0 : index
    %get3A_7 = arith.constant 0 : index
    %get3A_8 = vector.load %arg4[%get3A_6, %get3A_7] : memref<1x512xf32, #tpu.memory_space<vmem>>, vector<1x512xf32>
    %add3A = vector.broadcast %get3A_8 : vector<1x512xf32> to vector<2000x512xf32>
    %add3A_9 = arith.addf %dot_general3A_5, %add3A : vector<2000x512xf32>
    %max3A = arith.constant 0.000000e+00 : f32
    %max3A_10 = vector.broadcast %max3A : f32 to vector<2000x512xf32>
    %max3A_11 = arith.maximumf %add3A_9, %max3A_10 : vector<2000x512xf32>
    %get3A_12 = arith.constant 0 : index
    %get3A_13 = arith.constant 0 : index
    %get3A_14 = vector.load %arg5[%get3A_12, %get3A_13] : memref<512x512xf32, #tpu.memory_space<vmem>>, vector<512x512xf32>
    %dot_general3A_15 = arith.constant dense<0.000000e+00> : vector<2000x512xf32>
    %dot_general3A_16 = tpu.matmul %max3A_11, %get3A_14, %dot_general3A_15 {dimension_numbers = #tpu.dot_dimension_numbers<[1], [0], [0], [1], [0, 0, 1, 1], [], []>, transpose_lhs_hint = false} : vector<2000x512xf32>, vector<512x512xf32>, vector<2000x512xf32> -> vector<2000x512xf32>
    %get3A_17 = arith.constant 0 : index
    %get3A_18 = arith.constant 0 : index
    %get3A_19 = vector.load %arg6[%get3A_17, %get3A_18] : memref<1x512xf32, #tpu.memory_space<vmem>>, vector<1x512xf32>
    %add3A_20 = vector.broadcast %get3A_19 : vector<1x512xf32> to vector<2000x512xf32>
    %add3A_21 = arith.addf %dot_general3A_16, %add3A_20 : vector<2000x512xf32>
    %max3A_22 = arith.constant 0.000000e+00 : f32
    %max3A_23 = vector.broadcast %max3A_22 : f32 to vector<2000x512xf32>
    %max3A_24 = arith.maximumf %add3A_21, %max3A_23 : vector<2000x512xf32>
    %get3A_25 = arith.constant 0 : index
    %get3A_26 = arith.constant 0 : index
    %get3A_27 = vector.load %arg7[%get3A_25, %get3A_26] : memref<512x256xf32, #tpu.memory_space<vmem>>, vector<512x256xf32>
    %dot_general3A_28 = arith.constant dense<0.000000e+00> : vector<2000x256xf32>
    %dot_general3A_29 = tpu.matmul %max3A_24, %get3A_27, %dot_general3A_28 {dimension_numbers = #tpu.dot_dimension_numbers<[1], [0], [0], [1], [0, 0, 1, 1], [], []>, transpose_lhs_hint = false} : vector<2000x512xf32>, vector<512x256xf32>, vector<2000x256xf32> -> vector<2000x256xf32>
    %get3A_30 = arith.constant 0 : index
    %get3A_31 = arith.constant 0 : index
    %get3A_32 = vector.load %arg8[%get3A_30, %get3A_31] : memref<1x256xf32, #tpu.memory_space<vmem>>, vector<1x256xf32>
    %add3A_33 = vector.broadcast %get3A_32 : vector<1x256xf32> to vector<2000x256xf32>
    %add3A_34 = arith.addf %dot_general3A_29, %add3A_33 : vector<2000x256xf32>
    %get3A_35 = arith.constant 0 : index
    %get3A_36 = arith.constant 0 : index
    %get3A_37 = vector.load %arg2[%get3A_35, %get3A_36] : memref<2000x1xf32, #tpu.memory_space<vmem>>, vector<2000x1xf32>
    %mul3A = vector.broadcast %get3A_37 : vector<2000x1xf32> to vector<2000x256xf32>
    %mul3A_38 = arith.mulf %add3A_34, %mul3A : vector<2000x256xf32>
    %swap3A = arith.constant 0 : index
    %swap3A_39 = arith.constant 0 : index
    %swap3A_40 = vector.load %arg9[%swap3A, %swap3A_39] : memref<2000x256xf32, #tpu.memory_space<vmem>>, vector<2000x256xf32>
    tpu.vector_store %arg9[%swap3A, %swap3A_39], %mul3A_38 {strides = array<i32>} : memref<2000x256xf32, #tpu.memory_space<vmem>>, vector<2000x256xf32>,
    return
  }
  func.func @transform_0(%arg0: i32) -> (i32, i32) {
    %c0_i32 = arith.constant 0 : i32
    %c0_i32_0 = arith.constant 0 : i32
    return %arg0, %c0_i32 : i32, i32
  }
  func.func @transform_1(%arg0: i32) -> (i32, i32) {
    %c0_i32 = arith.constant 0 : i32
    %c0_i32_0 = arith.constant 0 : i32
    return %arg0, %c0_i32 : i32, i32
  }
  func.func @transform_2(%arg0: i32) -> (i32, i32) {
    %c0_i32 = arith.constant 0 : i32
    %c0_i32_0 = arith.constant 0 : i32
    %c0_i32_1 = arith.constant 0 : i32
    return %c0_i32, %c0_i32_0 : i32, i32
  }
  func.func @transform_3(%arg0: i32) -> (i32, i32) {
    %c0_i32 = arith.constant 0 : i32
    %c0_i32_0 = arith.constant 0 : i32
    %c0_i32_1 = arith.constant 0 : i32
    return %c0_i32, %c0_i32_0 : i32, i32
  }
  func.func @transform_4(%arg0: i32) -> (i32, i32) {
    %c0_i32 = arith.constant 0 : i32
    %c0_i32_0 = arith.constant 0 : i32
    %c0_i32_1 = arith.constant 0 : i32
    return %c0_i32, %c0_i32_0 : i32, i32
  }
  func.func @transform_5(%arg0: i32) -> (i32, i32) {
    %c0_i32 = arith.constant 0 : i32
    %c0_i32_0 = arith.constant 0 : i32
    %c0_i32_1 = arith.constant 0 : i32
    return %c0_i32, %c0_i32_0 : i32, i32
  }
  func.func @transform_6(%arg0: i32) -> (i32, i32) {
    %c0_i32 = arith.constant 0 : i32
    %c0_i32_0 = arith.constant 0 : i32
    %c0_i32_1 = arith.constant 0 : i32
    return %c0_i32, %c0_i32_0 : i32, i32
  }
  func.func @transform_7(%arg0: i32) -> (i32, i32) {
    %c0_i32 = arith.constant 0 : i32
    %c0_i32_0 = arith.constant 0 : i32
    %c0_i32_1 = arith.constant 0 : i32
    return %c0_i32, %c0_i32_0 : i32, i32
  }
  func.func @transform_8(%arg0: i32) -> (i32, i32) {
    %c0_i32 = arith.constant 0 : i32
    %c0_i32_0 = arith.constant 0 : i32
    return %arg0, %c0_i32 : i32, i32
  }
}

module attributes {stable_mosaic.version = 14 : i64} {
  func.func @_phase_c_body(%arg0: i32, %arg1: memref<4x1000x256xf32, #tpu.memory_space<vmem>>, %arg2: memref<1000x256xf32, #tpu.memory_space<vmem>>, %arg3: memref<1000x256xf32, #tpu.memory_space<vmem>>, %arg4: memref<1000x64xf32, #tpu.memory_space<vmem>>, %arg5: memref<1000x8xf32, #tpu.memory_space<vmem>>, %arg6: memref<1000x4xf32, #tpu.memory_space<vmem>>, %arg7: memref<1000x1xf32, #tpu.memory_space<vmem>>, %arg8: memref<64x512xbf16, #tpu.memory_space<vmem>>, %arg9: memref<1x512xf32, #tpu.memory_space<vmem>>, %arg10: memref<2x512xf32, #tpu.memory_space<vmem>>, %arg11: memref<512x256xbf16, #tpu.memory_space<vmem>>, %arg12: memref<1x256xf32, #tpu.memory_space<vmem>>, %arg13: memref<256x768xbf16, #tpu.memory_space<vmem>>, %arg14: memref<256x768xbf16, #tpu.memory_space<vmem>>, %arg15: memref<64x768xbf16, #tpu.memory_space<vmem>>, %arg16: memref<1x768xf32, #tpu.memory_space<vmem>>, %arg17: memref<1x768xf32, #tpu.memory_space<vmem>>, %arg18: memref<256x768xbf16, #tpu.memory_space<vmem>>, %arg19: memref<1x768xf32, #tpu.memory_space<vmem>>, %arg20: memref<256x512xbf16, #tpu.memory_space<vmem>>, %arg21: memref<1x512xf32, #tpu.memory_space<vmem>>, %arg22: memref<512x512xbf16, #tpu.memory_space<vmem>>, %arg23: memref<1x512xf32, #tpu.memory_space<vmem>>, %arg24: memref<512x256xbf16, #tpu.memory_space<vmem>>, %arg25: memref<1x256xf32, #tpu.memory_space<vmem>>, %arg26: memref<256x512xbf16, #tpu.memory_space<vmem>>, %arg27: memref<1x512xf32, #tpu.memory_space<vmem>>, %arg28: memref<512x512xbf16, #tpu.memory_space<vmem>>, %arg29: memref<1x512xf32, #tpu.memory_space<vmem>>, %arg30: memref<512x1024xbf16, #tpu.memory_space<vmem>>, %arg31: memref<1x1024xf32, #tpu.memory_space<vmem>>, %arg32: memref<1000x256xf32, #tpu.memory_space<vmem>>, %arg33: memref<1000x256xf32, #tpu.memory_space<vmem>>, %arg34: memref<1000x4x256xf32, #tpu.memory_space<vmem>>) attributes {dimension_semantics = [#tpu.dimension_semantics<arbitrary>], iteration_bounds = array<i64: 20>, scalar_prefetch = 0 : i64, scratch_operands = 0 : i64, tpu.core_type = #tpu.core_type<tc>, window_params = [{transform_indices = @transform_0, window_bounds = array<i64: 4, 1000, 256>}, {transform_indices = @transform_1, window_bounds = array<i64: 1000, 256>}, {transform_indices = @transform_2, window_bounds = array<i64: 1000, 256>}, {transform_indices = @transform_3, window_bounds = array<i64: 1000, 64>}, {transform_indices = @transform_4, window_bounds = array<i64: 1000, 8>}, {transform_indices = @transform_5, window_bounds = array<i64: 1000, 4>}, {transform_indices = @transform_6, window_bounds = array<i64: 1000, 1>}, {pipeline_mode = #tpu.pipeline_mode<synchronous>, transform_indices = @transform_7, window_bounds = array<i64: 64, 512>}, {pipeline_mode = #tpu.pipeline_mode<synchronous>, transform_indices = @transform_8, window_bounds = array<i64: 1, 512>}, {pipeline_mode = #tpu.pipeline_mode<synchronous>, transform_indices = @transform_9, window_bounds = array<i64: 2, 512>}, {pipeline_mode = #tpu.pipeline_mode<synchronous>, transform_indices = @transform_10, window_bounds = array<i64: 512, 256>}, {pipeline_mode = #tpu.pipeline_mode<synchronous>, transform_indices = @transform_11, window_bounds = array<i64: 1, 256>}, {pipeline_mode = #tpu.pipeline_mode<synchronous>, transform_indices = @transform_12, window_bounds = array<i64: 256, 768>}, {pipeline_mode = #tpu.pipeline_mode<synchronous>, transform_indices = @transform_13, window_bounds = array<i64: 256, 768>}, {pipeline_mode = #tpu.pipeline_mode<synchronous>, transform_indices = @transform_14, window_bounds = array<i64: 64, 768>}, {pipeline_mode = #tpu.pipeline_mode<synchronous>, transform_indices = @transform_15, window_bounds = array<i64: 1, 768>}, {pipeline_mode = #tpu.pipeline_mode<synchronous>, transform_indices = @transform_16, window_bounds = array<i64: 1, 768>}, {pipeline_mode = #tpu.pipeline_mode<synchronous>, transform_indices = @transform_17, window_bounds = array<i64: 256, 768>}, {pipeline_mode = #tpu.pipeline_mode<synchronous>, transform_indices = @transform_18, window_bounds = array<i64: 1, 768>}, {pipeline_mode = #tpu.pipeline_mode<synchronous>, transform_indices = @transform_19, window_bounds = array<i64: 256, 512>}, {pipeline_mode = #tpu.pipeline_mode<synchronous>, transform_indices = @transform_20, window_bounds = array<i64: 1, 512>}, {pipeline_mode = #tpu.pipeline_mode<synchronous>, transform_indices = @transform_21, window_bounds = array<i64: 512, 512>}, {pipeline_mode = #tpu.pipeline_mode<synchronous>, transform_indices = @transform_22, window_bounds = array<i64: 1, 512>}, {pipeline_mode = #tpu.pipeline_mode<synchronous>, transform_indices = @transform_23, window_bounds = array<i64: 512, 256>}, {pipeline_mode = #tpu.pipeline_mode<synchronous>, transform_indices = @transform_24, window_bounds = array<i64: 1, 256>}, {pipeline_mode = #tpu.pipeline_mode<synchronous>, transform_indices = @transform_25, window_bounds = array<i64: 256, 512>}, {pipeline_mode = #tpu.pipeline_mode<synchronous>, transform_indices = @transform_26, window_bounds = array<i64: 1, 512>}, {pipeline_mode = #tpu.pipeline_mode<synchronous>, transform_indices = @transform_27, window_bounds = array<i64: 512, 512>}, {pipeline_mode = #tpu.pipeline_mode<synchronous>, transform_indices = @transform_28, window_bounds = array<i64: 1, 512>}, {pipeline_mode = #tpu.pipeline_mode<synchronous>, transform_indices = @transform_29, window_bounds = array<i64: 512, 1024>}, {pipeline_mode = #tpu.pipeline_mode<synchronous>, transform_indices = @transform_30, window_bounds = array<i64: 1, 1024>}, {transform_indices = @transform_31, window_bounds = array<i64: 1000, 256>}, {transform_indices = @transform_32, window_bounds = array<i64: 1000, 256>}, {transform_indices = @transform_33, window_bounds = array<i64: 1000, 4, 256>}]} {
    %get3A = arith.constant 0 : index
    %get3A_0 = arith.constant 0 : index
    %get3A_1 = vector.load %arg4[%get3A, %get3A_0] : memref<1000x64xf32, #tpu.memory_space<vmem>>, vector<1000x64xf32>
    %convert_element_type3A = arith.truncf %get3A_1 : vector<1000x64xf32> to vector<1000x64xbf16>
    %get3A_2 = arith.constant 0 : index
    %get3A_3 = arith.constant 0 : index
    %get3A_4 = vector.load %arg8[%get3A_2, %get3A_3] : memref<64x512xbf16, #tpu.memory_space<vmem>>, vector<64x512xbf16>
    %dot_general3A = arith.constant dense<0.000000e+00> : vector<1000x512xf32>
    %dot_general3A_5 = tpu.matmul %convert_element_type3A, %get3A_4, %dot_general3A {dimension_numbers = #tpu.dot_dimension_numbers<[1], [0], [0], [1], [0, 0, 1, 1], [], []>, transpose_lhs_hint = false} : vector<1000x64xbf16>, vector<64x512xbf16>, vector<1000x512xf32> -> vector<1000x512xf32>
    %get3A_6 = arith.constant 0 : index
    %get3A_7 = arith.constant 0 : index
    %get3A_8 = vector.load %arg9[%get3A_6, %get3A_7] : memref<1x512xf32, #tpu.memory_space<vmem>>, vector<1x512xf32>
    %add3A = vector.broadcast %get3A_8 : vector<1x512xf32> to vector<1000x512xf32>
    %add3A_9 = arith.addf %dot_general3A_5, %add3A : vector<1000x512xf32>
    %get3A_10 = arith.constant 0 : index
    %get3A_11 = arith.constant 0 : index
    %get3A_12 = vector.load %arg5[%get3A_10, %get3A_11] : memref<1000x8xf32, #tpu.memory_space<vmem>>, vector<1000x8xf32>
    %get3A_13 = arith.constant 0 : index
    %get3A_14 = arith.constant 0 : index
    %get3A_15 = vector.load %arg6[%get3A_13, %get3A_14] : memref<1000x4xf32, #tpu.memory_space<vmem>>, vector<1000x4xf32>
    %broadcast_in_dim3A = arith.constant 0.000000e+00 : f32
    %broadcast_in_dim3A_16 = vector.broadcast %broadcast_in_dim3A : f32 to vector<1000x256xf32>
    %broadcast_in_dim3A_17 = arith.constant 0.000000e+00 : f32
    %broadcast_in_dim3A_18 = vector.broadcast %broadcast_in_dim3A_17 : f32 to vector<1000x256xf32>
    %slice3A = vector.extract_strided_slice %get3A_12 {offsets = [0, 0], sizes = [1000, 1], strides = [1, 1]} : vector<1000x8xf32> to vector<1000x1xf32>
    %get3A_19 = arith.constant 0 : index
    %get3A_20 = arith.constant 0 : index
    %get3A_21 = vector.load %arg10[%get3A_19, %get3A_20] : memref<2x512xf32, #tpu.memory_space<vmem>>, vector<1x256xf32>
    %mul3A = vector.broadcast %slice3A : vector<1000x1xf32> to vector<1000x256xf32>
    %mul3A_22 = vector.broadcast %get3A_21 : vector<1x256xf32> to vector<1000x256xf32>
    %mul3A_23 = arith.mulf %mul3A, %mul3A_22 : vector<1000x256xf32>
    %slice3A_24 = vector.extract_strided_slice %get3A_12 {offsets = [0, 1], sizes = [1000, 1], strides = [1, 1]} : vector<1000x8xf32> to vector<1000x1xf32>
    %get3A_25 = arith.constant 1 : index
    %get3A_26 = arith.constant 0 : index
    %get3A_27 = vector.load %arg10[%get3A_25, %get3A_26] : memref<2x512xf32, #tpu.memory_space<vmem>>, vector<1x256xf32>
    %mul3A_28 = vector.broadcast %slice3A_24 : vector<1000x1xf32> to vector<1000x256xf32>
    %mul3A_29 = vector.broadcast %get3A_27 : vector<1x256xf32> to vector<1000x256xf32>
    %mul3A_30 = arith.mulf %mul3A_28, %mul3A_29 : vector<1000x256xf32>
    %add3A_31 = arith.addf %mul3A_23, %mul3A_30 : vector<1000x256xf32>
    %slice3A_32 = vector.extract_strided_slice %get3A_12 {offsets = [0, 0], sizes = [1000, 1], strides = [1, 1]} : vector<1000x8xf32> to vector<1000x1xf32>
    %get3A_33 = arith.constant 0 : index
    %get3A_34 = arith.constant 256 : index
    %get3A_35 = vector.load %arg10[%get3A_33, %get3A_34] : memref<2x512xf32, #tpu.memory_space<vmem>>, vector<1x256xf32>
    %mul3A_36 = vector.broadcast %slice3A_32 : vector<1000x1xf32> to vector<1000x256xf32>
    %mul3A_37 = vector.broadcast %get3A_35 : vector<1x256xf32> to vector<1000x256xf32>
    %mul3A_38 = arith.mulf %mul3A_36, %mul3A_37 : vector<1000x256xf32>
    %slice3A_39 = vector.extract_strided_slice %get3A_12 {offsets = [0, 1], sizes = [1000, 1], strides = [1, 1]} : vector<1000x8xf32> to vector<1000x1xf32>
    %get3A_40 = arith.constant 1 : index
    %get3A_41 = arith.constant 256 : index
    %get3A_42 = vector.load %arg10[%get3A_40, %get3A_41] : memref<2x512xf32, #tpu.memory_space<vmem>>, vector<1x256xf32>
    %mul3A_43 = vector.broadcast %slice3A_39 : vector<1000x1xf32> to vector<1000x256xf32>
    %mul3A_44 = vector.broadcast %get3A_42 : vector<1x256xf32> to vector<1000x256xf32>
    %mul3A_45 = arith.mulf %mul3A_43, %mul3A_44 : vector<1000x256xf32>
    %add3A_46 = arith.addf %mul3A_38, %mul3A_45 : vector<1000x256xf32>
    %get3A_47 = arith.constant 0 : index
    %get3A_48 = arith.constant 0 : index
    %get3A_49 = arith.constant 0 : index
    %get3A_50 = vector.load %arg1[%get3A_47, %get3A_48, %get3A_49] : memref<4x1000x256xf32, #tpu.memory_space<vmem>>, vector<1x1000x256xf32>
    %get3A_51 = vector.shape_cast %get3A_50 : vector<1x1000x256xf32> to vector<1000x256xf32>
    %bitcast_convert_type3A = tpu.bitcast %get3A_51 : vector<1000x256xf32> -> vector<1000x256xi32>
    %shift_left3A = arith.constant 16 : i32
    %shift_left3A_52 = vector.broadcast %shift_left3A : i32 to vector<1000x256xi32>
    %shift_left3A_53 = arith.shli %bitcast_convert_type3A, %shift_left3A_52 : vector<1000x256xi32>
    %bitcast_convert_type3A_54 = tpu.bitcast %shift_left3A_53 : vector<1000x256xi32> -> vector<1000x256xf32>
    %and3A = arith.constant -65536 : i32
    %and3A_55 = vector.broadcast %and3A : i32 to vector<1000x256xi32>
    %and3A_56 = arith.andi %bitcast_convert_type3A, %and3A_55 : vector<1000x256xi32>
    %bitcast_convert_type3A_57 = tpu.bitcast %and3A_56 : vector<1000x256xi32> -> vector<1000x256xf32>
    %slice3A_58 = vector.extract_strided_slice %get3A_15 {offsets = [0, 0], sizes = [1000, 1], strides = [1, 1]} : vector<1000x4xf32> to vector<1000x1xf32>
    %slice3A_59 = vector.extract_strided_slice %add3A_9 {offsets = [0, 0], sizes = [1000, 256], strides = [1, 1]} : vector<1000x512xf32> to vector<1000x256xf32>
    %add3A_60 = arith.addf %bitcast_convert_type3A_54, %slice3A_59 : vector<1000x256xf32>
    %add3A_61 = arith.addf %add3A_60, %add3A_31 : vector<1000x256xf32>
    %max3A = arith.constant 0.000000e+00 : f32
    %max3A_62 = vector.broadcast %max3A : f32 to vector<1000x256xf32>
    %max3A_63 = arith.maximumf %add3A_61, %max3A_62 : vector<1000x256xf32>
    %mul3A_64 = vector.broadcast %slice3A_58 : vector<1000x1xf32> to vector<1000x256xf32>
    %mul3A_65 = arith.mulf %mul3A_64, %max3A_63 : vector<1000x256xf32>
    %add3A_66 = arith.addf %broadcast_in_dim3A_16, %mul3A_65 : vector<1000x256xf32>
    %slice3A_67 = vector.extract_strided_slice %add3A_9 {offsets = [0, 256], sizes = [1000, 256], strides = [1, 1]} : vector<1000x512xf32> to vector<1000x256xf32>
    %add3A_68 = arith.addf %bitcast_convert_type3A_57, %slice3A_67 : vector<1000x256xf32>
    %add3A_69 = arith.addf %add3A_68, %add3A_46 : vector<1000x256xf32>
    %max3A_70 = arith.constant 0.000000e+00 : f32
    %max3A_71 = vector.broadcast %max3A_70 : f32 to vector<1000x256xf32>
    %max3A_72 = arith.maximumf %add3A_69, %max3A_71 : vector<1000x256xf32>
    %mul3A_73 = vector.broadcast %slice3A_58 : vector<1000x1xf32> to vector<1000x256xf32>
    %mul3A_74 = arith.mulf %mul3A_73, %max3A_72 : vector<1000x256xf32>
    %add3A_75 = arith.addf %broadcast_in_dim3A_18, %mul3A_74 : vector<1000x256xf32>
    %slice3A_76 = vector.extract_strided_slice %get3A_12 {offsets = [0, 2], sizes = [1000, 1], strides = [1, 1]} : vector<1000x8xf32> to vector<1000x1xf32>
    %get3A_77 = arith.constant 0 : index
    %get3A_78 = arith.constant 0 : index
    %get3A_79 = vector.load %arg10[%get3A_77, %get3A_78] : memref<2x512xf32, #tpu.memory_space<vmem>>, vector<1x256xf32>
    %mul3A_80 = vector.broadcast %slice3A_76 : vector<1000x1xf32> to vector<1000x256xf32>
    %mul3A_81 = vector.broadcast %get3A_79 : vector<1x256xf32> to vector<1000x256xf32>
    %mul3A_82 = arith.mulf %mul3A_80, %mul3A_81 : vector<1000x256xf32>
    %slice3A_83 = vector.extract_strided_slice %get3A_12 {offsets = [0, 3], sizes = [1000, 1], strides = [1, 1]} : vector<1000x8xf32> to vector<1000x1xf32>
    %get3A_84 = arith.constant 1 : index
    %get3A_85 = arith.constant 0 : index
    %get3A_86 = vector.load %arg10[%get3A_84, %get3A_85] : memref<2x512xf32, #tpu.memory_space<vmem>>, vector<1x256xf32>
    %mul3A_87 = vector.broadcast %slice3A_83 : vector<1000x1xf32> to vector<1000x256xf32>
    %mul3A_88 = vector.broadcast %get3A_86 : vector<1x256xf32> to vector<1000x256xf32>
    %mul3A_89 = arith.mulf %mul3A_87, %mul3A_88 : vector<1000x256xf32>
    %add3A_90 = arith.addf %mul3A_82, %mul3A_89 : vector<1000x256xf32>
    %slice3A_91 = vector.extract_strided_slice %get3A_12 {offsets = [0, 2], sizes = [1000, 1], strides = [1, 1]} : vector<1000x8xf32> to vector<1000x1xf32>
    %get3A_92 = arith.constant 0 : index
    %get3A_93 = arith.constant 256 : index
    %get3A_94 = vector.load %arg10[%get3A_92, %get3A_93] : memref<2x512xf32, #tpu.memory_space<vmem>>, vector<1x256xf32>
    %mul3A_95 = vector.broadcast %slice3A_91 : vector<1000x1xf32> to vector<1000x256xf32>
    %mul3A_96 = vector.broadcast %get3A_94 : vector<1x256xf32> to vector<1000x256xf32>
    %mul3A_97 = arith.mulf %mul3A_95, %mul3A_96 : vector<1000x256xf32>
    %slice3A_98 = vector.extract_strided_slice %get3A_12 {offsets = [0, 3], sizes = [1000, 1], strides = [1, 1]} : vector<1000x8xf32> to vector<1000x1xf32>
    %get3A_99 = arith.constant 1 : index
    %get3A_100 = arith.constant 256 : index
    %get3A_101 = vector.load %arg10[%get3A_99, %get3A_100] : memref<2x512xf32, #tpu.memory_space<vmem>>, vector<1x256xf32>
    %mul3A_102 = vector.broadcast %slice3A_98 : vector<1000x1xf32> to vector<1000x256xf32>
    %mul3A_103 = vector.broadcast %get3A_101 : vector<1x256xf32> to vector<1000x256xf32>
    %mul3A_104 = arith.mulf %mul3A_102, %mul3A_103 : vector<1000x256xf32>
    %add3A_105 = arith.addf %mul3A_97, %mul3A_104 : vector<1000x256xf32>
    %get3A_106 = arith.constant 1 : index
    %get3A_107 = arith.constant 0 : index
    %get3A_108 = arith.constant 0 : index
    %get3A_109 = vector.load %arg1[%get3A_106, %get3A_107, %get3A_108] : memref<4x1000x256xf32, #tpu.memory_space<vmem>>, vector<1x1000x256xf32>
    %get3A_110 = vector.shape_cast %get3A_109 : vector<1x1000x256xf32> to vector<1000x256xf32>
    %bitcast_convert_type3A_111 = tpu.bitcast %get3A_110 : vector<1000x256xf32> -> vector<1000x256xi32>
    %shift_left3A_112 = arith.constant 16 : i32
    %shift_left3A_113 = vector.broadcast %shift_left3A_112 : i32 to vector<1000x256xi32>
    %shift_left3A_114 = arith.shli %bitcast_convert_type3A_111, %shift_left3A_113 : vector<1000x256xi32>
    %bitcast_convert_type3A_115 = tpu.bitcast %shift_left3A_114 : vector<1000x256xi32> -> vector<1000x256xf32>
    %and3A_116 = arith.constant -65536 : i32
    %and3A_117 = vector.broadcast %and3A_116 : i32 to vector<1000x256xi32>
    %and3A_118 = arith.andi %bitcast_convert_type3A_111, %and3A_117 : vector<1000x256xi32>
    %bitcast_convert_type3A_119 = tpu.bitcast %and3A_118 : vector<1000x256xi32> -> vector<1000x256xf32>
    %slice3A_120 = vector.extract_strided_slice %get3A_15 {offsets = [0, 1], sizes = [1000, 1], strides = [1, 1]} : vector<1000x4xf32> to vector<1000x1xf32>
    %slice3A_121 = vector.extract_strided_slice %add3A_9 {offsets = [0, 0], sizes = [1000, 256], strides = [1, 1]} : vector<1000x512xf32> to vector<1000x256xf32>
    %add3A_122 = arith.addf %bitcast_convert_type3A_115, %slice3A_121 : vector<1000x256xf32>
    %add3A_123 = arith.addf %add3A_122, %add3A_90 : vector<1000x256xf32>
    %max3A_124 = arith.constant 0.000000e+00 : f32
    %max3A_125 = vector.broadcast %max3A_124 : f32 to vector<1000x256xf32>
    %max3A_126 = arith.maximumf %add3A_123, %max3A_125 : vector<1000x256xf32>
    %mul3A_127 = vector.broadcast %slice3A_120 : vector<1000x1xf32> to vector<1000x256xf32>
    %mul3A_128 = arith.mulf %mul3A_127, %max3A_126 : vector<1000x256xf32>
    %add3A_129 = arith.addf %add3A_66, %mul3A_128 : vector<1000x256xf32>
    %slice3A_130 = vector.extract_strided_slice %add3A_9 {offsets = [0, 256], sizes = [1000, 256], strides = [1, 1]} : vector<1000x512xf32> to vector<1000x256xf32>
    %add3A_131 = arith.addf %bitcast_convert_type3A_119, %slice3A_130 : vector<1000x256xf32>
    %add3A_132 = arith.addf %add3A_131, %add3A_105 : vector<1000x256xf32>
    %max3A_133 = arith.constant 0.000000e+00 : f32
    %max3A_134 = vector.broadcast %max3A_133 : f32 to vector<1000x256xf32>
    %max3A_135 = arith.maximumf %add3A_132, %max3A_134 : vector<1000x256xf32>
    %mul3A_136 = vector.broadcast %slice3A_120 : vector<1000x1xf32> to vector<1000x256xf32>
    %mul3A_137 = arith.mulf %mul3A_136, %max3A_135 : vector<1000x256xf32>
    %add3A_138 = arith.addf %add3A_75, %mul3A_137 : vector<1000x256xf32>
    %slice3A_139 = vector.extract_strided_slice %get3A_12 {offsets = [0, 4], sizes = [1000, 1], strides = [1, 1]} : vector<1000x8xf32> to vector<1000x1xf32>
    %get3A_140 = arith.constant 0 : index
    %get3A_141 = arith.constant 0 : index
    %get3A_142 = vector.load %arg10[%get3A_140, %get3A_141] : memref<2x512xf32, #tpu.memory_space<vmem>>, vector<1x256xf32>
    %mul3A_143 = vector.broadcast %slice3A_139 : vector<1000x1xf32> to vector<1000x256xf32>
    %mul3A_144 = vector.broadcast %get3A_142 : vector<1x256xf32> to vector<1000x256xf32>
    %mul3A_145 = arith.mulf %mul3A_143, %mul3A_144 : vector<1000x256xf32>
    %slice3A_146 = vector.extract_strided_slice %get3A_12 {offsets = [0, 5], sizes = [1000, 1], strides = [1, 1]} : vector<1000x8xf32> to vector<1000x1xf32>
    %get3A_147 = arith.constant 1 : index
    %get3A_148 = arith.constant 0 : index
    %get3A_149 = vector.load %arg10[%get3A_147, %get3A_148] : memref<2x512xf32, #tpu.memory_space<vmem>>, vector<1x256xf32>
    %mul3A_150 = vector.broadcast %slice3A_146 : vector<1000x1xf32> to vector<1000x256xf32>
    %mul3A_151 = vector.broadcast %get3A_149 : vector<1x256xf32> to vector<1000x256xf32>
    %mul3A_152 = arith.mulf %mul3A_150, %mul3A_151 : vector<1000x256xf32>
    %add3A_153 = arith.addf %mul3A_145, %mul3A_152 : vector<1000x256xf32>
    %slice3A_154 = vector.extract_strided_slice %get3A_12 {offsets = [0, 4], sizes = [1000, 1], strides = [1, 1]} : vector<1000x8xf32> to vector<1000x1xf32>
    %get3A_155 = arith.constant 0 : index
    %get3A_156 = arith.constant 256 : index
    %get3A_157 = vector.load %arg10[%get3A_155, %get3A_156] : memref<2x512xf32, #tpu.memory_space<vmem>>, vector<1x256xf32>
    %mul3A_158 = vector.broadcast %slice3A_154 : vector<1000x1xf32> to vector<1000x256xf32>
    %mul3A_159 = vector.broadcast %get3A_157 : vector<1x256xf32> to vector<1000x256xf32>
    %mul3A_160 = arith.mulf %mul3A_158, %mul3A_159 : vector<1000x256xf32>
    %slice3A_161 = vector.extract_strided_slice %get3A_12 {offsets = [0, 5], sizes = [1000, 1], strides = [1, 1]} : vector<1000x8xf32> to vector<1000x1xf32>
    %get3A_162 = arith.constant 1 : index
    %get3A_163 = arith.constant 256 : index
    %get3A_164 = vector.load %arg10[%get3A_162, %get3A_163] : memref<2x512xf32, #tpu.memory_space<vmem>>, vector<1x256xf32>
    %mul3A_165 = vector.broadcast %slice3A_161 : vector<1000x1xf32> to vector<1000x256xf32>
    %mul3A_166 = vector.broadcast %get3A_164 : vector<1x256xf32> to vector<1000x256xf32>
    %mul3A_167 = arith.mulf %mul3A_165, %mul3A_166 : vector<1000x256xf32>
    %add3A_168 = arith.addf %mul3A_160, %mul3A_167 : vector<1000x256xf32>
    %get3A_169 = arith.constant 2 : index
    %get3A_170 = arith.constant 0 : index
    %get3A_171 = arith.constant 0 : index
    %get3A_172 = vector.load %arg1[%get3A_169, %get3A_170, %get3A_171] : memref<4x1000x256xf32, #tpu.memory_space<vmem>>, vector<1x1000x256xf32>
    %get3A_173 = vector.shape_cast %get3A_172 : vector<1x1000x256xf32> to vector<1000x256xf32>
    %bitcast_convert_type3A_174 = tpu.bitcast %get3A_173 : vector<1000x256xf32> -> vector<1000x256xi32>
    %shift_left3A_175 = arith.constant 16 : i32
    %shift_left3A_176 = vector.broadcast %shift_left3A_175 : i32 to vector<1000x256xi32>
    %shift_left3A_177 = arith.shli %bitcast_convert_type3A_174, %shift_left3A_176 : vector<1000x256xi32>
    %bitcast_convert_type3A_178 = tpu.bitcast %shift_left3A_177 : vector<1000x256xi32> -> vector<1000x256xf32>
    %and3A_179 = arith.constant -65536 : i32
    %and3A_180 = vector.broadcast %and3A_179 : i32 to vector<1000x256xi32>
    %and3A_181 = arith.andi %bitcast_convert_type3A_174, %and3A_180 : vector<1000x256xi32>
    %bitcast_convert_type3A_182 = tpu.bitcast %and3A_181 : vector<1000x256xi32> -> vector<1000x256xf32>
    %slice3A_183 = vector.extract_strided_slice %get3A_15 {offsets = [0, 2], sizes = [1000, 1], strides = [1, 1]} : vector<1000x4xf32> to vector<1000x1xf32>
    %slice3A_184 = vector.extract_strided_slice %add3A_9 {offsets = [0, 0], sizes = [1000, 256], strides = [1, 1]} : vector<1000x512xf32> to vector<1000x256xf32>
    %add3A_185 = arith.addf %bitcast_convert_type3A_178, %slice3A_184 : vector<1000x256xf32>
    %add3A_186 = arith.addf %add3A_185, %add3A_153 : vector<1000x256xf32>
    %max3A_187 = arith.constant 0.000000e+00 : f32
    %max3A_188 = vector.broadcast %max3A_187 : f32 to vector<1000x256xf32>
    %max3A_189 = arith.maximumf %add3A_186, %max3A_188 : vector<1000x256xf32>
    %mul3A_190 = vector.broadcast %slice3A_183 : vector<1000x1xf32> to vector<1000x256xf32>
    %mul3A_191 = arith.mulf %mul3A_190, %max3A_189 : vector<1000x256xf32>
    %add3A_192 = arith.addf %add3A_129, %mul3A_191 : vector<1000x256xf32>
    %slice3A_193 = vector.extract_strided_slice %add3A_9 {offsets = [0, 256], sizes = [1000, 256], strides = [1, 1]} : vector<1000x512xf32> to vector<1000x256xf32>
    %add3A_194 = arith.addf %bitcast_convert_type3A_182, %slice3A_193 : vector<1000x256xf32>
    %add3A_195 = arith.addf %add3A_194, %add3A_168 : vector<1000x256xf32>
    %max3A_196 = arith.constant 0.000000e+00 : f32
    %max3A_197 = vector.broadcast %max3A_196 : f32 to vector<1000x256xf32>
    %max3A_198 = arith.maximumf %add3A_195, %max3A_197 : vector<1000x256xf32>
    %mul3A_199 = vector.broadcast %slice3A_183 : vector<1000x1xf32> to vector<1000x256xf32>
    %mul3A_200 = arith.mulf %mul3A_199, %max3A_198 : vector<1000x256xf32>
    %add3A_201 = arith.addf %add3A_138, %mul3A_200 : vector<1000x256xf32>
    %slice3A_202 = vector.extract_strided_slice %get3A_12 {offsets = [0, 6], sizes = [1000, 1], strides = [1, 1]} : vector<1000x8xf32> to vector<1000x1xf32>
    %get3A_203 = arith.constant 0 : index
    %get3A_204 = arith.constant 0 : index
    %get3A_205 = vector.load %arg10[%get3A_203, %get3A_204] : memref<2x512xf32, #tpu.memory_space<vmem>>, vector<1x256xf32>
    %mul3A_206 = vector.broadcast %slice3A_202 : vector<1000x1xf32> to vector<1000x256xf32>
    %mul3A_207 = vector.broadcast %get3A_205 : vector<1x256xf32> to vector<1000x256xf32>
    %mul3A_208 = arith.mulf %mul3A_206, %mul3A_207 : vector<1000x256xf32>
    %slice3A_209 = vector.extract_strided_slice %get3A_12 {offsets = [0, 7], sizes = [1000, 1], strides = [1, 1]} : vector<1000x8xf32> to vector<1000x1xf32>
    %get3A_210 = arith.constant 1 : index
    %get3A_211 = arith.constant 0 : index
    %get3A_212 = vector.load %arg10[%get3A_210, %get3A_211] : memref<2x512xf32, #tpu.memory_space<vmem>>, vector<1x256xf32>
    %mul3A_213 = vector.broadcast %slice3A_209 : vector<1000x1xf32> to vector<1000x256xf32>
    %mul3A_214 = vector.broadcast %get3A_212 : vector<1x256xf32> to vector<1000x256xf32>
    %mul3A_215 = arith.mulf %mul3A_213, %mul3A_214 : vector<1000x256xf32>
    %add3A_216 = arith.addf %mul3A_208, %mul3A_215 : vector<1000x256xf32>
    %slice3A_217 = vector.extract_strided_slice %get3A_12 {offsets = [0, 6], sizes = [1000, 1], strides = [1, 1]} : vector<1000x8xf32> to vector<1000x1xf32>
    %get3A_218 = arith.constant 0 : index
    %get3A_219 = arith.constant 256 : index
    %get3A_220 = vector.load %arg10[%get3A_218, %get3A_219] : memref<2x512xf32, #tpu.memory_space<vmem>>, vector<1x256xf32>
    %mul3A_221 = vector.broadcast %slice3A_217 : vector<1000x1xf32> to vector<1000x256xf32>
    %mul3A_222 = vector.broadcast %get3A_220 : vector<1x256xf32> to vector<1000x256xf32>
    %mul3A_223 = arith.mulf %mul3A_221, %mul3A_222 : vector<1000x256xf32>
    %slice3A_224 = vector.extract_strided_slice %get3A_12 {offsets = [0, 7], sizes = [1000, 1], strides = [1, 1]} : vector<1000x8xf32> to vector<1000x1xf32>
    %get3A_225 = arith.constant 1 : index
    %get3A_226 = arith.constant 256 : index
    %get3A_227 = vector.load %arg10[%get3A_225, %get3A_226] : memref<2x512xf32, #tpu.memory_space<vmem>>, vector<1x256xf32>
    %mul3A_228 = vector.broadcast %slice3A_224 : vector<1000x1xf32> to vector<1000x256xf32>
    %mul3A_229 = vector.broadcast %get3A_227 : vector<1x256xf32> to vector<1000x256xf32>
    %mul3A_230 = arith.mulf %mul3A_228, %mul3A_229 : vector<1000x256xf32>
    %add3A_231 = arith.addf %mul3A_223, %mul3A_230 : vector<1000x256xf32>
    %get3A_232 = arith.constant 3 : index
    %get3A_233 = arith.constant 0 : index
    %get3A_234 = arith.constant 0 : index
    %get3A_235 = vector.load %arg1[%get3A_232, %get3A_233, %get3A_234] : memref<4x1000x256xf32, #tpu.memory_space<vmem>>, vector<1x1000x256xf32>
    %get3A_236 = vector.shape_cast %get3A_235 : vector<1x1000x256xf32> to vector<1000x256xf32>
    %bitcast_convert_type3A_237 = tpu.bitcast %get3A_236 : vector<1000x256xf32> -> vector<1000x256xi32>
    %shift_left3A_238 = arith.constant 16 : i32
    %shift_left3A_239 = vector.broadcast %shift_left3A_238 : i32 to vector<1000x256xi32>
    %shift_left3A_240 = arith.shli %bitcast_convert_type3A_237, %shift_left3A_239 : vector<1000x256xi32>
    %bitcast_convert_type3A_241 = tpu.bitcast %shift_left3A_240 : vector<1000x256xi32> -> vector<1000x256xf32>
    %and3A_242 = arith.constant -65536 : i32
    %and3A_243 = vector.broadcast %and3A_242 : i32 to vector<1000x256xi32>
    %and3A_244 = arith.andi %bitcast_convert_type3A_237, %and3A_243 : vector<1000x256xi32>
    %bitcast_convert_type3A_245 = tpu.bitcast %and3A_244 : vector<1000x256xi32> -> vector<1000x256xf32>
    %slice3A_246 = vector.extract_strided_slice %get3A_15 {offsets = [0, 3], sizes = [1000, 1], strides = [1, 1]} : vector<1000x4xf32> to vector<1000x1xf32>
    %slice3A_247 = vector.extract_strided_slice %add3A_9 {offsets = [0, 0], sizes = [1000, 256], strides = [1, 1]} : vector<1000x512xf32> to vector<1000x256xf32>
    %add3A_248 = arith.addf %bitcast_convert_type3A_241, %slice3A_247 : vector<1000x256xf32>
    %add3A_249 = arith.addf %add3A_248, %add3A_216 : vector<1000x256xf32>
    %max3A_250 = arith.constant 0.000000e+00 : f32
    %max3A_251 = vector.broadcast %max3A_250 : f32 to vector<1000x256xf32>
    %max3A_252 = arith.maximumf %add3A_249, %max3A_251 : vector<1000x256xf32>
    %mul3A_253 = vector.broadcast %slice3A_246 : vector<1000x1xf32> to vector<1000x256xf32>
    %mul3A_254 = arith.mulf %mul3A_253, %max3A_252 : vector<1000x256xf32>
    %add3A_255 = arith.addf %add3A_192, %mul3A_254 : vector<1000x256xf32>
    %slice3A_256 = vector.extract_strided_slice %add3A_9 {offsets = [0, 256], sizes = [1000, 256], strides = [1, 1]} : vector<1000x512xf32> to vector<1000x256xf32>
    %add3A_257 = arith.addf %bitcast_convert_type3A_245, %slice3A_256 : vector<1000x256xf32>
    %add3A_258 = arith.addf %add3A_257, %add3A_231 : vector<1000x256xf32>
    %max3A_259 = arith.constant 0.000000e+00 : f32
    %max3A_260 = vector.broadcast %max3A_259 : f32 to vector<1000x256xf32>
    %max3A_261 = arith.maximumf %add3A_258, %max3A_260 : vector<1000x256xf32>
    %mul3A_262 = vector.broadcast %slice3A_246 : vector<1000x1xf32> to vector<1000x256xf32>
    %mul3A_263 = arith.mulf %mul3A_262, %max3A_261 : vector<1000x256xf32>
    %add3A_264 = arith.addf %add3A_201, %mul3A_263 : vector<1000x256xf32>
    %reduce_sum3A = arith.constant dense<0.000000e+00> : vector<1000xf32>
    %reduce_sum3A_265 = vector.multi_reduction <add>, %get3A_15, %reduce_sum3A [1] : vector<1000x4xf32> to vector<1000xf32>
    %broadcast_in_dim3A_266 = vector.shape_cast %reduce_sum3A_265 : vector<1000xf32> to vector<1000x1xf32>
    %convert_element_type3A_267 = arith.truncf %add3A_255 : vector<1000x256xf32> to vector<1000x256xbf16>
    %get3A_268 = arith.constant 0 : index
    %get3A_269 = arith.constant 0 : index
    %get3A_270 = vector.load %arg11[%get3A_268, %get3A_269] : memref<512x256xbf16, #tpu.memory_space<vmem>>, vector<256x256xbf16>
    %dot_general3A_271 = arith.constant dense<0.000000e+00> : vector<1000x256xf32>
    %dot_general3A_272 = tpu.matmul %convert_element_type3A_267, %get3A_270, %dot_general3A_271 {dimension_numbers = #tpu.dot_dimension_numbers<[1], [0], [0], [1], [0, 0, 1, 1], [], []>, transpose_lhs_hint = false} : vector<1000x256xbf16>, vector<256x256xbf16>, vector<1000x256xf32> -> vector<1000x256xf32>
    %convert_element_type3A_273 = arith.truncf %add3A_264 : vector<1000x256xf32> to vector<1000x256xbf16>
    %get3A_274 = arith.constant 256 : index
    %get3A_275 = arith.constant 0 : index
    %get3A_276 = vector.load %arg11[%get3A_274, %get3A_275] : memref<512x256xbf16, #tpu.memory_space<vmem>>, vector<256x256xbf16>
    %dot_general3A_277 = arith.constant dense<0.000000e+00> : vector<1000x256xf32>
    %dot_general3A_278 = tpu.matmul %convert_element_type3A_273, %get3A_276, %dot_general3A_277 {dimension_numbers = #tpu.dot_dimension_numbers<[1], [0], [0], [1], [0, 0, 1, 1], [], []>, transpose_lhs_hint = false} : vector<1000x256xbf16>, vector<256x256xbf16>, vector<1000x256xf32> -> vector<1000x256xf32>
    %add3A_279 = arith.addf %dot_general3A_272, %dot_general3A_278 : vector<1000x256xf32>
    %get3A_280 = arith.constant 0 : index
    %get3A_281 = arith.constant 0 : index
    %get3A_282 = vector.load %arg12[%get3A_280, %get3A_281] : memref<1x256xf32, #tpu.memory_space<vmem>>, vector<1x256xf32>
    %mul3A_283 = vector.broadcast %broadcast_in_dim3A_266 : vector<1000x1xf32> to vector<1000x256xf32>
    %mul3A_284 = vector.broadcast %get3A_282 : vector<1x256xf32> to vector<1000x256xf32>
    %mul3A_285 = arith.mulf %mul3A_283, %mul3A_284 : vector<1000x256xf32>
    %add3A_286 = arith.addf %add3A_279, %mul3A_285 : vector<1000x256xf32>
    %max3A_287 = arith.constant 1.000000e+00 : f32
    %max3A_288 = vector.broadcast %max3A_287 : f32 to vector<1000x1xf32>
    %max3A_289 = arith.maximumf %broadcast_in_dim3A_266, %max3A_288 : vector<1000x1xf32>
    %div3A = vector.broadcast %max3A_289 : vector<1000x1xf32> to vector<1000x256xf32>
    %div3A_290 = arith.divf %add3A_286, %div3A : vector<1000x256xf32>
    %get3A_291 = arith.constant 0 : index
    %get3A_292 = arith.constant 0 : index
    %get3A_293 = vector.load %arg3[%get3A_291, %get3A_292] : memref<1000x256xf32, #tpu.memory_space<vmem>>, vector<1000x256xf32>
    %get3A_294 = arith.constant 0 : index
    %get3A_295 = arith.constant 0 : index
    %get3A_296 = vector.load %arg2[%get3A_294, %get3A_295] : memref<1000x256xf32, #tpu.memory_space<vmem>>, vector<1000x256xf32>
    %convert_element_type3A_297 = arith.truncf %get3A_296 : vector<1000x256xf32> to vector<1000x256xbf16>
    %get3A_298 = arith.constant 0 : index
    %get3A_299 = arith.constant 0 : index
    %get3A_300 = vector.load %arg13[%get3A_298, %get3A_299] : memref<256x768xbf16, #tpu.memory_space<vmem>>, vector<256x768xbf16>
    %dot_general3A_301 = arith.constant dense<0.000000e+00> : vector<1000x768xf32>
    %dot_general3A_302 = tpu.matmul %convert_element_type3A_297, %get3A_300, %dot_general3A_301 {dimension_numbers = #tpu.dot_dimension_numbers<[1], [0], [0], [1], [0, 0, 1, 1], [], []>, transpose_lhs_hint = false} : vector<1000x256xbf16>, vector<256x768xbf16>, vector<1000x768xf32> -> vector<1000x768xf32>
    %convert_element_type3A_303 = arith.truncf %div3A_290 : vector<1000x256xf32> to vector<1000x256xbf16>
    %get3A_304 = arith.constant 0 : index
    %get3A_305 = arith.constant 0 : index
    %get3A_306 = vector.load %arg14[%get3A_304, %get3A_305] : memref<256x768xbf16, #tpu.memory_space<vmem>>, vector<256x768xbf16>
    %dot_general3A_307 = arith.constant dense<0.000000e+00> : vector<1000x768xf32>
    %dot_general3A_308 = tpu.matmul %convert_element_type3A_303, %get3A_306, %dot_general3A_307 {dimension_numbers = #tpu.dot_dimension_numbers<[1], [0], [0], [1], [0, 0, 1, 1], [], []>, transpose_lhs_hint = false} : vector<1000x256xbf16>, vector<256x768xbf16>, vector<1000x768xf32> -> vector<1000x768xf32>
    %add3A_309 = arith.addf %dot_general3A_302, %dot_general3A_308 : vector<1000x768xf32>
    %get3A_310 = arith.constant 0 : index
    %get3A_311 = arith.constant 0 : index
    %get3A_312 = vector.load %arg4[%get3A_310, %get3A_311] : memref<1000x64xf32, #tpu.memory_space<vmem>>, vector<1000x64xf32>
    %convert_element_type3A_313 = arith.truncf %get3A_312 : vector<1000x64xf32> to vector<1000x64xbf16>
    %get3A_314 = arith.constant 0 : index
    %get3A_315 = arith.constant 0 : index
    %get3A_316 = vector.load %arg15[%get3A_314, %get3A_315] : memref<64x768xbf16, #tpu.memory_space<vmem>>, vector<64x768xbf16>
    %dot_general3A_317 = arith.constant dense<0.000000e+00> : vector<1000x768xf32>
    %dot_general3A_318 = tpu.matmul %convert_element_type3A_313, %get3A_316, %dot_general3A_317 {dimension_numbers = #tpu.dot_dimension_numbers<[1], [0], [0], [1], [0, 0, 1, 1], [], []>, transpose_lhs_hint = false} : vector<1000x64xbf16>, vector<64x768xbf16>, vector<1000x768xf32> -> vector<1000x768xf32>
    %add3A_319 = arith.addf %add3A_309, %dot_general3A_318 : vector<1000x768xf32>
    %get3A_320 = arith.constant 0 : index
    %get3A_321 = arith.constant 0 : index
    %get3A_322 = vector.load %arg7[%get3A_320, %get3A_321] : memref<1000x1xf32, #tpu.memory_space<vmem>>, vector<1000x1xf32>
    %get3A_323 = arith.constant 0 : index
    %get3A_324 = arith.constant 0 : index
    %get3A_325 = vector.load %arg16[%get3A_323, %get3A_324] : memref<1x768xf32, #tpu.memory_space<vmem>>, vector<1x768xf32>
    %mul3A_326 = vector.broadcast %get3A_322 : vector<1000x1xf32> to vector<1000x768xf32>
    %mul3A_327 = vector.broadcast %get3A_325 : vector<1x768xf32> to vector<1000x768xf32>
    %mul3A_328 = arith.mulf %mul3A_326, %mul3A_327 : vector<1000x768xf32>
    %add3A_329 = arith.addf %add3A_319, %mul3A_328 : vector<1000x768xf32>
    %get3A_330 = arith.constant 0 : index
    %get3A_331 = arith.constant 0 : index
    %get3A_332 = vector.load %arg17[%get3A_330, %get3A_331] : memref<1x768xf32, #tpu.memory_space<vmem>>, vector<1x768xf32>
    %add3A_333 = vector.broadcast %get3A_332 : vector<1x768xf32> to vector<1000x768xf32>
    %add3A_334 = arith.addf %add3A_329, %add3A_333 : vector<1000x768xf32>
    %convert_element_type3A_335 = arith.truncf %get3A_293 : vector<1000x256xf32> to vector<1000x256xbf16>
    %get3A_336 = arith.constant 0 : index
    %get3A_337 = arith.constant 0 : index
    %get3A_338 = vector.load %arg18[%get3A_336, %get3A_337] : memref<256x768xbf16, #tpu.memory_space<vmem>>, vector<256x768xbf16>
    %dot_general3A_339 = arith.constant dense<0.000000e+00> : vector<1000x768xf32>
    %dot_general3A_340 = tpu.matmul %convert_element_type3A_335, %get3A_338, %dot_general3A_339 {dimension_numbers = #tpu.dot_dimension_numbers<[1], [0], [0], [1], [0, 0, 1, 1], [], []>, transpose_lhs_hint = false} : vector<1000x256xbf16>, vector<256x768xbf16>, vector<1000x768xf32> -> vector<1000x768xf32>
    %get3A_341 = arith.constant 0 : index
    %get3A_342 = arith.constant 0 : index
    %get3A_343 = vector.load %arg19[%get3A_341, %get3A_342] : memref<1x768xf32, #tpu.memory_space<vmem>>, vector<1x768xf32>
    %add3A_344 = vector.broadcast %get3A_343 : vector<1x768xf32> to vector<1000x768xf32>
    %add3A_345 = arith.addf %dot_general3A_340, %add3A_344 : vector<1000x768xf32>
    %slice3A_346 = vector.extract_strided_slice %add3A_334 {offsets = [0, 0], sizes = [1000, 256], strides = [1, 1]} : vector<1000x768xf32> to vector<1000x256xf32>
    %slice3A_347 = vector.extract_strided_slice %add3A_345 {offsets = [0, 0], sizes = [1000, 256], strides = [1, 1]} : vector<1000x768xf32> to vector<1000x256xf32>
    %add3A_348 = arith.addf %slice3A_346, %slice3A_347 : vector<1000x256xf32>
    %logistic3A = arith.negf %add3A_348 : vector<1000x256xf32>
    %logistic3A_349 = math.exp %logistic3A : vector<1000x256xf32>
    %logistic3A_350 = arith.constant 1.000000e+00 : f32
    %logistic3A_351 = vector.broadcast %logistic3A_350 : f32 to vector<1000x256xf32>
    %logistic3A_352 = arith.addf %logistic3A_351, %logistic3A_349 : vector<1000x256xf32>
    %logistic3A_353 = arith.divf %logistic3A_351, %logistic3A_352 : vector<1000x256xf32>
    %slice3A_354 = vector.extract_strided_slice %add3A_334 {offsets = [0, 256], sizes = [1000, 256], strides = [1, 1]} : vector<1000x768xf32> to vector<1000x256xf32>
    %slice3A_355 = vector.extract_strided_slice %add3A_345 {offsets = [0, 256], sizes = [1000, 256], strides = [1, 1]} : vector<1000x768xf32> to vector<1000x256xf32>
    %add3A_356 = arith.addf %slice3A_354, %slice3A_355 : vector<1000x256xf32>
    %logistic3A_357 = arith.negf %add3A_356 : vector<1000x256xf32>
    %logistic3A_358 = math.exp %logistic3A_357 : vector<1000x256xf32>
    %logistic3A_359 = arith.constant 1.000000e+00 : f32
    %logistic3A_360 = vector.broadcast %logistic3A_359 : f32 to vector<1000x256xf32>
    %logistic3A_361 = arith.addf %logistic3A_360, %logistic3A_358 : vector<1000x256xf32>
    %logistic3A_362 = arith.divf %logistic3A_360, %logistic3A_361 : vector<1000x256xf32>
    %slice3A_363 = vector.extract_strided_slice %add3A_334 {offsets = [0, 512], sizes = [1000, 256], strides = [1, 1]} : vector<1000x768xf32> to vector<1000x256xf32>
    %slice3A_364 = vector.extract_strided_slice %add3A_345 {offsets = [0, 512], sizes = [1000, 256], strides = [1, 1]} : vector<1000x768xf32> to vector<1000x256xf32>
    %mul3A_365 = arith.mulf %logistic3A_353, %slice3A_364 : vector<1000x256xf32>
    %add3A_366 = arith.addf %slice3A_363, %mul3A_365 : vector<1000x256xf32>
    %tanh3A = math.tanh %add3A_366 : vector<1000x256xf32>
    %sub3A = arith.constant 1.000000e+00 : f32
    %sub3A_367 = vector.broadcast %sub3A : f32 to vector<1000x256xf32>
    %sub3A_368 = arith.subf %sub3A_367, %logistic3A_362 : vector<1000x256xf32>
    %mul3A_369 = arith.mulf %sub3A_368, %tanh3A : vector<1000x256xf32>
    %mul3A_370 = arith.mulf %logistic3A_362, %get3A_293 : vector<1000x256xf32>
    %add3A_371 = arith.addf %mul3A_369, %mul3A_370 : vector<1000x256xf32>
    %swap3A = arith.constant 0 : index
    %swap3A_372 = arith.constant 0 : index
    %swap3A_373 = vector.load %arg32[%swap3A, %swap3A_372] : memref<1000x256xf32, #tpu.memory_space<vmem>>, vector<1000x256xf32>
    tpu.vector_store %arg32[%swap3A, %swap3A_372], %add3A_371 {strides = array<i32>} : memref<1000x256xf32, #tpu.memory_space<vmem>>, vector<1000x256xf32>,
    %convert_element_type3A_374 = arith.truncf %add3A_371 : vector<1000x256xf32> to vector<1000x256xbf16>
    %get3A_375 = arith.constant 0 : index
    %get3A_376 = arith.constant 0 : index
    %get3A_377 = vector.load %arg20[%get3A_375, %get3A_376] : memref<256x512xbf16, #tpu.memory_space<vmem>>, vector<256x512xbf16>
    %dot_general3A_378 = arith.constant dense<0.000000e+00> : vector<1000x512xf32>
    %dot_general3A_379 = tpu.matmul %convert_element_type3A_374, %get3A_377, %dot_general3A_378 {dimension_numbers = #tpu.dot_dimension_numbers<[1], [0], [0], [1], [0, 0, 1, 1], [], []>, transpose_lhs_hint = false} : vector<1000x256xbf16>, vector<256x512xbf16>, vector<1000x512xf32> -> vector<1000x512xf32>
    %get3A_380 = arith.constant 0 : index
    %get3A_381 = arith.constant 0 : index
    %get3A_382 = vector.load %arg21[%get3A_380, %get3A_381] : memref<1x512xf32, #tpu.memory_space<vmem>>, vector<1x512xf32>
    %add3A_383 = vector.broadcast %get3A_382 : vector<1x512xf32> to vector<1000x512xf32>
    %add3A_384 = arith.addf %dot_general3A_379, %add3A_383 : vector<1000x512xf32>
    %max3A_385 = arith.constant 0.000000e+00 : f32
    %max3A_386 = vector.broadcast %max3A_385 : f32 to vector<1000x512xf32>
    %max3A_387 = arith.maximumf %add3A_384, %max3A_386 : vector<1000x512xf32>
    %convert_element_type3A_388 = arith.truncf %max3A_387 : vector<1000x512xf32> to vector<1000x512xbf16>
    %get3A_389 = arith.constant 0 : index
    %get3A_390 = arith.constant 0 : index
    %get3A_391 = vector.load %arg22[%get3A_389, %get3A_390] : memref<512x512xbf16, #tpu.memory_space<vmem>>, vector<512x512xbf16>
    %dot_general3A_392 = arith.constant dense<0.000000e+00> : vector<1000x512xf32>
    %dot_general3A_393 = tpu.matmul %convert_element_type3A_388, %get3A_391, %dot_general3A_392 {dimension_numbers = #tpu.dot_dimension_numbers<[1], [0], [0], [1], [0, 0, 1, 1], [], []>, transpose_lhs_hint = false} : vector<1000x512xbf16>, vector<512x512xbf16>, vector<1000x512xf32> -> vector<1000x512xf32>
    %get3A_394 = arith.constant 0 : index
    %get3A_395 = arith.constant 0 : index
    %get3A_396 = vector.load %arg23[%get3A_394, %get3A_395] : memref<1x512xf32, #tpu.memory_space<vmem>>, vector<1x512xf32>
    %add3A_397 = vector.broadcast %get3A_396 : vector<1x512xf32> to vector<1000x512xf32>
    %add3A_398 = arith.addf %dot_general3A_393, %add3A_397 : vector<1000x512xf32>
    %max3A_399 = arith.constant 0.000000e+00 : f32
    %max3A_400 = vector.broadcast %max3A_399 : f32 to vector<1000x512xf32>
    %max3A_401 = arith.maximumf %add3A_398, %max3A_400 : vector<1000x512xf32>
    %convert_element_type3A_402 = arith.truncf %max3A_401 : vector<1000x512xf32> to vector<1000x512xbf16>
    %get3A_403 = arith.constant 0 : index
    %get3A_404 = arith.constant 0 : index
    %get3A_405 = vector.load %arg24[%get3A_403, %get3A_404] : memref<512x256xbf16, #tpu.memory_space<vmem>>, vector<512x256xbf16>
    %dot_general3A_406 = arith.constant dense<0.000000e+00> : vector<1000x256xf32>
    %dot_general3A_407 = tpu.matmul %convert_element_type3A_402, %get3A_405, %dot_general3A_406 {dimension_numbers = #tpu.dot_dimension_numbers<[1], [0], [0], [1], [0, 0, 1, 1], [], []>, transpose_lhs_hint = false} : vector<1000x512xbf16>, vector<512x256xbf16>, vector<1000x256xf32> -> vector<1000x256xf32>
    %get3A_408 = arith.constant 0 : index
    %get3A_409 = arith.constant 0 : index
    %get3A_410 = vector.load %arg25[%get3A_408, %get3A_409] : memref<1x256xf32, #tpu.memory_space<vmem>>, vector<1x256xf32>
    %add3A_411 = vector.broadcast %get3A_410 : vector<1x256xf32> to vector<1000x256xf32>
    %add3A_412 = arith.addf %dot_general3A_407, %add3A_411 : vector<1000x256xf32>
    %swap3A_413 = arith.constant 0 : index
    %swap3A_414 = arith.constant 0 : index
    %swap3A_415 = vector.load %arg33[%swap3A_413, %swap3A_414] : memref<1000x256xf32, #tpu.memory_space<vmem>>, vector<1000x256xf32>
    tpu.vector_store %arg33[%swap3A_413, %swap3A_414], %add3A_412 {strides = array<i32>} : memref<1000x256xf32, #tpu.memory_space<vmem>>, vector<1000x256xf32>,
    %get3A_416 = arith.constant 0 : index
    %get3A_417 = arith.constant 0 : index
    %get3A_418 = vector.load %arg26[%get3A_416, %get3A_417] : memref<256x512xbf16, #tpu.memory_space<vmem>>, vector<256x512xbf16>
    %dot_general3A_419 = arith.constant dense<0.000000e+00> : vector<1000x512xf32>
    %dot_general3A_420 = tpu.matmul %convert_element_type3A_374, %get3A_418, %dot_general3A_419 {dimension_numbers = #tpu.dot_dimension_numbers<[1], [0], [0], [1], [0, 0, 1, 1], [], []>, transpose_lhs_hint = false} : vector<1000x256xbf16>, vector<256x512xbf16>, vector<1000x512xf32> -> vector<1000x512xf32>
    %get3A_421 = arith.constant 0 : index
    %get3A_422 = arith.constant 0 : index
    %get3A_423 = vector.load %arg27[%get3A_421, %get3A_422] : memref<1x512xf32, #tpu.memory_space<vmem>>, vector<1x512xf32>
    %add3A_424 = vector.broadcast %get3A_423 : vector<1x512xf32> to vector<1000x512xf32>
    %add3A_425 = arith.addf %dot_general3A_420, %add3A_424 : vector<1000x512xf32>
    %max3A_426 = arith.constant 0.000000e+00 : f32
    %max3A_427 = vector.broadcast %max3A_426 : f32 to vector<1000x512xf32>
    %max3A_428 = arith.maximumf %add3A_425, %max3A_427 : vector<1000x512xf32>
    %convert_element_type3A_429 = arith.truncf %max3A_428 : vector<1000x512xf32> to vector<1000x512xbf16>
    %get3A_430 = arith.constant 0 : index
    %get3A_431 = arith.constant 0 : index
    %get3A_432 = vector.load %arg28[%get3A_430, %get3A_431] : memref<512x512xbf16, #tpu.memory_space<vmem>>, vector<512x512xbf16>
    %dot_general3A_433 = arith.constant dense<0.000000e+00> : vector<1000x512xf32>
    %dot_general3A_434 = tpu.matmul %convert_element_type3A_429, %get3A_432, %dot_general3A_433 {dimension_numbers = #tpu.dot_dimension_numbers<[1], [0], [0], [1], [0, 0, 1, 1], [], []>, transpose_lhs_hint = false} : vector<1000x512xbf16>, vector<512x512xbf16>, vector<1000x512xf32> -> vector<1000x512xf32>
    %get3A_435 = arith.constant 0 : index
    %get3A_436 = arith.constant 0 : index
    %get3A_437 = vector.load %arg29[%get3A_435, %get3A_436] : memref<1x512xf32, #tpu.memory_space<vmem>>, vector<1x512xf32>
    %add3A_438 = vector.broadcast %get3A_437 : vector<1x512xf32> to vector<1000x512xf32>
    %add3A_439 = arith.addf %dot_general3A_434, %add3A_438 : vector<1000x512xf32>
    %max3A_440 = arith.constant 0.000000e+00 : f32
    %max3A_441 = vector.broadcast %max3A_440 : f32 to vector<1000x512xf32>
    %max3A_442 = arith.maximumf %add3A_439, %max3A_441 : vector<1000x512xf32>
    %convert_element_type3A_443 = arith.truncf %max3A_442 : vector<1000x512xf32> to vector<1000x512xbf16>
    %get3A_444 = arith.constant 0 : index
    %get3A_445 = arith.constant 0 : index
    %get3A_446 = vector.load %arg30[%get3A_444, %get3A_445] : memref<512x1024xbf16, #tpu.memory_space<vmem>>, vector<512x256xbf16>
    %dot_general3A_447 = arith.constant dense<0.000000e+00> : vector<1000x256xf32>
    %dot_general3A_448 = tpu.matmul %convert_element_type3A_443, %get3A_446, %dot_general3A_447 {dimension_numbers = #tpu.dot_dimension_numbers<[1], [0], [0], [1], [0, 0, 1, 1], [], []>, transpose_lhs_hint = false} : vector<1000x512xbf16>, vector<512x256xbf16>, vector<1000x256xf32> -> vector<1000x256xf32>
    %get3A_449 = arith.constant 0 : index
    %get3A_450 = arith.constant 0 : index
    %get3A_451 = vector.load %arg31[%get3A_449, %get3A_450] : memref<1x1024xf32, #tpu.memory_space<vmem>>, vector<1x256xf32>
    %add3A_452 = vector.broadcast %get3A_451 : vector<1x256xf32> to vector<1000x256xf32>
    %add3A_453 = arith.addf %dot_general3A_448, %add3A_452 : vector<1000x256xf32>
    %swap3A_454 = arith.constant 0 : index
    %swap3A_455 = arith.constant 0 : index
    %swap3A_456 = arith.constant 0 : index
    %swap3A_457 = vector.load %arg34[%swap3A_454, %swap3A_455, %swap3A_456] : memref<1000x4x256xf32, #tpu.memory_space<vmem>>, vector<1000x1x256xf32>
    %swap3A_458 = vector.shape_cast %swap3A_457 : vector<1000x1x256xf32> to vector<1000x256xf32>
    %swap3A_459 = vector.shape_cast %add3A_453 : vector<1000x256xf32> to vector<1000x1x256xf32>
    tpu.vector_store %arg34[%swap3A_454, %swap3A_455, %swap3A_456], %swap3A_459 {strides = array<i32>} : memref<1000x4x256xf32, #tpu.memory_space<vmem>>, vector<1000x1x256xf32>,
    %get3A_460 = arith.constant 0 : index
    %get3A_461 = arith.constant 256 : index
    %get3A_462 = vector.load %arg30[%get3A_460, %get3A_461] : memref<512x1024xbf16, #tpu.memory_space<vmem>>, vector<512x256xbf16>
    %dot_general3A_463 = arith.constant dense<0.000000e+00> : vector<1000x256xf32>
    %dot_general3A_464 = tpu.matmul %convert_element_type3A_443, %get3A_462, %dot_general3A_463 {dimension_numbers = #tpu.dot_dimension_numbers<[1], [0], [0], [1], [0, 0, 1, 1], [], []>, transpose_lhs_hint = false} : vector<1000x512xbf16>, vector<512x256xbf16>, vector<1000x256xf32> -> vector<1000x256xf32>
    %get3A_465 = arith.constant 0 : index
    %get3A_466 = arith.constant 256 : index
    %get3A_467 = vector.load %arg31[%get3A_465, %get3A_466] : memref<1x1024xf32, #tpu.memory_space<vmem>>, vector<1x256xf32>
    %add3A_468 = vector.broadcast %get3A_467 : vector<1x256xf32> to vector<1000x256xf32>
    %add3A_469 = arith.addf %dot_general3A_464, %add3A_468 : vector<1000x256xf32>
    %swap3A_470 = arith.constant 0 : index
    %swap3A_471 = arith.constant 1 : index
    %swap3A_472 = arith.constant 0 : index
    %swap3A_473 = vector.load %arg34[%swap3A_470, %swap3A_471, %swap3A_472] : memref<1000x4x256xf32, #tpu.memory_space<vmem>>, vector<1000x1x256xf32>
    %swap3A_474 = vector.shape_cast %swap3A_473 : vector<1000x1x256xf32> to vector<1000x256xf32>
    %swap3A_475 = vector.shape_cast %add3A_469 : vector<1000x256xf32> to vector<1000x1x256xf32>
    tpu.vector_store %arg34[%swap3A_470, %swap3A_471, %swap3A_472], %swap3A_475 {strides = array<i32>} : memref<1000x4x256xf32, #tpu.memory_space<vmem>>, vector<1000x1x256xf32>,
    %get3A_476 = arith.constant 0 : index
    %get3A_477 = arith.constant 512 : index
    %get3A_478 = vector.load %arg30[%get3A_476, %get3A_477] : memref<512x1024xbf16, #tpu.memory_space<vmem>>, vector<512x256xbf16>
    %dot_general3A_479 = arith.constant dense<0.000000e+00> : vector<1000x256xf32>
    %dot_general3A_480 = tpu.matmul %convert_element_type3A_443, %get3A_478, %dot_general3A_479 {dimension_numbers = #tpu.dot_dimension_numbers<[1], [0], [0], [1], [0, 0, 1, 1], [], []>, transpose_lhs_hint = false} : vector<1000x512xbf16>, vector<512x256xbf16>, vector<1000x256xf32> -> vector<1000x256xf32>
    %get3A_481 = arith.constant 0 : index
    %get3A_482 = arith.constant 512 : index
    %get3A_483 = vector.load %arg31[%get3A_481, %get3A_482] : memref<1x1024xf32, #tpu.memory_space<vmem>>, vector<1x256xf32>
    %add3A_484 = vector.broadcast %get3A_483 : vector<1x256xf32> to vector<1000x256xf32>
    %add3A_485 = arith.addf %dot_general3A_480, %add3A_484 : vector<1000x256xf32>
    %swap3A_486 = arith.constant 0 : index
    %swap3A_487 = arith.constant 2 : index
    %swap3A_488 = arith.constant 0 : index
    %swap3A_489 = vector.load %arg34[%swap3A_486, %swap3A_487, %swap3A_488] : memref<1000x4x256xf32, #tpu.memory_space<vmem>>, vector<1000x1x256xf32>
    %swap3A_490 = vector.shape_cast %swap3A_489 : vector<1000x1x256xf32> to vector<1000x256xf32>
    %swap3A_491 = vector.shape_cast %add3A_485 : vector<1000x256xf32> to vector<1000x1x256xf32>
    tpu.vector_store %arg34[%swap3A_486, %swap3A_487, %swap3A_488], %swap3A_491 {strides = array<i32>} : memref<1000x4x256xf32, #tpu.memory_space<vmem>>, vector<1000x1x256xf32>,
    %get3A_492 = arith.constant 0 : index
    %get3A_493 = arith.constant 768 : index
    %get3A_494 = vector.load %arg30[%get3A_492, %get3A_493] : memref<512x1024xbf16, #tpu.memory_space<vmem>>, vector<512x256xbf16>
    %dot_general3A_495 = arith.constant dense<0.000000e+00> : vector<1000x256xf32>
    %dot_general3A_496 = tpu.matmul %convert_element_type3A_443, %get3A_494, %dot_general3A_495 {dimension_numbers = #tpu.dot_dimension_numbers<[1], [0], [0], [1], [0, 0, 1, 1], [], []>, transpose_lhs_hint = false} : vector<1000x512xbf16>, vector<512x256xbf16>, vector<1000x256xf32> -> vector<1000x256xf32>
    %get3A_497 = arith.constant 0 : index
    %get3A_498 = arith.constant 768 : index
    %get3A_499 = vector.load %arg31[%get3A_497, %get3A_498] : memref<1x1024xf32, #tpu.memory_space<vmem>>, vector<1x256xf32>
    %add3A_500 = vector.broadcast %get3A_499 : vector<1x256xf32> to vector<1000x256xf32>
    %add3A_501 = arith.addf %dot_general3A_496, %add3A_500 : vector<1000x256xf32>
    %swap3A_502 = arith.constant 0 : index
    %swap3A_503 = arith.constant 3 : index
    %swap3A_504 = arith.constant 0 : index
    %swap3A_505 = vector.load %arg34[%swap3A_502, %swap3A_503, %swap3A_504] : memref<1000x4x256xf32, #tpu.memory_space<vmem>>, vector<1000x1x256xf32>
    %swap3A_506 = vector.shape_cast %swap3A_505 : vector<1000x1x256xf32> to vector<1000x256xf32>
    %swap3A_507 = vector.shape_cast %add3A_501 : vector<1000x256xf32> to vector<1000x1x256xf32>
    tpu.vector_store %arg34[%swap3A_502, %swap3A_503, %swap3A_504], %swap3A_507 {strides = array<i32>} : memref<1000x4x256xf32, #tpu.memory_space<vmem>>, vector<1000x1x256xf32>,
    return
  }
  func.func @transform_0(%arg0: i32) -> (i32, i32, i32) {
    %c0_i32 = arith.constant 0 : i32
    %c0_i32_0 = arith.constant 0 : i32
    %c0_i32_1 = arith.constant 0 : i32
    return %c0_i32, %arg0, %c0_i32_0 : i32, i32, i32
  }
  func.func @transform_1(%arg0: i32) -> (i32, i32) {
    %c0_i32 = arith.constant 0 : i32
    %c0_i32_0 = arith.constant 0 : i32
    return %arg0, %c0_i32 : i32, i32
  }
  func.func @transform_2(%arg0: i32) -> (i32, i32) {
    %c0_i32 = arith.constant 0 : i32
    %c0_i32_0 = arith.constant 0 : i32
    return %arg0, %c0_i32 : i32, i32
  }
  func.func @transform_3(%arg0: i32) -> (i32, i32) {
    %c0_i32 = arith.constant 0 : i32
    %c0_i32_0 = arith.constant 0 : i32
    return %arg0, %c0_i32 : i32, i32
  }
  func.func @transform_4(%arg0: i32) -> (i32, i32) {
    %jit3A = arith.constant 10 : i32
    %eq3A = arith.constant 0 : i32
    %eq3A_0 = arith.cmpi eq, %jit3A, %eq3A : i32
    %jit3A_1 = arith.constant 1 : i32
    %select_n3A = arith.select %eq3A_0, %jit3A_1, %jit3A : i32
    %rem3A = arith.remsi %arg0, %select_n3A : i32
    %ne3A = arith.constant 0 : i32
    %ne3A_2 = arith.cmpi ne, %rem3A, %ne3A : i32
    %lt3A = arith.constant 0 : i32
    %lt3A_3 = arith.cmpi slt, %rem3A, %lt3A : i32
    %lt3A_4 = arith.constant 0 : i32
    %lt3A_5 = arith.cmpi slt, %select_n3A, %lt3A_4 : i32
    %ne3A_6 = arith.xori %lt3A_3, %lt3A_5 : i1
    %and3A = arith.andi %ne3A_6, %ne3A_2 : i1
    %add3A = arith.addi %rem3A, %select_n3A : i32
    %select_n3A_7 = arith.select %and3A, %add3A, %rem3A : i32
    %c0_i32 = arith.constant 0 : i32
    %c0_i32_8 = arith.constant 0 : i32
    return %select_n3A_7, %c0_i32 : i32, i32
  }
  func.func @transform_5(%arg0: i32) -> (i32, i32) {
    %jit3A = arith.constant 10 : i32
    %eq3A = arith.constant 0 : i32
    %eq3A_0 = arith.cmpi eq, %jit3A, %eq3A : i32
    %jit3A_1 = arith.constant 1 : i32
    %select_n3A = arith.select %eq3A_0, %jit3A_1, %jit3A : i32
    %rem3A = arith.remsi %arg0, %select_n3A : i32
    %ne3A = arith.constant 0 : i32
    %ne3A_2 = arith.cmpi ne, %rem3A, %ne3A : i32
    %lt3A = arith.constant 0 : i32
    %lt3A_3 = arith.cmpi slt, %rem3A, %lt3A : i32
    %lt3A_4 = arith.constant 0 : i32
    %lt3A_5 = arith.cmpi slt, %select_n3A, %lt3A_4 : i32
    %ne3A_6 = arith.xori %lt3A_3, %lt3A_5 : i1
    %and3A = arith.andi %ne3A_6, %ne3A_2 : i1
    %add3A = arith.addi %rem3A, %select_n3A : i32
    %select_n3A_7 = arith.select %and3A, %add3A, %rem3A : i32
    %c0_i32 = arith.constant 0 : i32
    %c0_i32_8 = arith.constant 0 : i32
    return %select_n3A_7, %c0_i32 : i32, i32
  }
  func.func @transform_6(%arg0: i32) -> (i32, i32) {
    %c0_i32 = arith.constant 0 : i32
    %c0_i32_0 = arith.constant 0 : i32
    return %arg0, %c0_i32 : i32, i32
  }
  func.func @transform_7(%arg0: i32) -> (i32, i32) {
    %c0_i32 = arith.constant 0 : i32
    %c0_i32_0 = arith.constant 0 : i32
    %c0_i32_1 = arith.constant 0 : i32
    return %c0_i32, %c0_i32_0 : i32, i32
  }
  func.func @transform_8(%arg0: i32) -> (i32, i32) {
    %c0_i32 = arith.constant 0 : i32
    %c0_i32_0 = arith.constant 0 : i32
    %c0_i32_1 = arith.constant 0 : i32
    return %c0_i32, %c0_i32_0 : i32, i32
  }
  func.func @transform_9(%arg0: i32) -> (i32, i32) {
    %c0_i32 = arith.constant 0 : i32
    %c0_i32_0 = arith.constant 0 : i32
    %c0_i32_1 = arith.constant 0 : i32
    return %c0_i32, %c0_i32_0 : i32, i32
  }
  func.func @transform_10(%arg0: i32) -> (i32, i32) {
    %c0_i32 = arith.constant 0 : i32
    %c0_i32_0 = arith.constant 0 : i32
    %c0_i32_1 = arith.constant 0 : i32
    return %c0_i32, %c0_i32_0 : i32, i32
  }
  func.func @transform_11(%arg0: i32) -> (i32, i32) {
    %c0_i32 = arith.constant 0 : i32
    %c0_i32_0 = arith.constant 0 : i32
    %c0_i32_1 = arith.constant 0 : i32
    return %c0_i32, %c0_i32_0 : i32, i32
  }
  func.func @transform_12(%arg0: i32) -> (i32, i32) {
    %c0_i32 = arith.constant 0 : i32
    %c0_i32_0 = arith.constant 0 : i32
    %c0_i32_1 = arith.constant 0 : i32
    return %c0_i32, %c0_i32_0 : i32, i32
  }
  func.func @transform_13(%arg0: i32) -> (i32, i32) {
    %c0_i32 = arith.constant 0 : i32
    %c0_i32_0 = arith.constant 0 : i32
    %c0_i32_1 = arith.constant 0 : i32
    return %c0_i32, %c0_i32_0 : i32, i32
  }
  func.func @transform_14(%arg0: i32) -> (i32, i32) {
    %c0_i32 = arith.constant 0 : i32
    %c0_i32_0 = arith.constant 0 : i32
    %c0_i32_1 = arith.constant 0 : i32
    return %c0_i32, %c0_i32_0 : i32, i32
  }
  func.func @transform_15(%arg0: i32) -> (i32, i32) {
    %c0_i32 = arith.constant 0 : i32
    %c0_i32_0 = arith.constant 0 : i32
    %c0_i32_1 = arith.constant 0 : i32
    return %c0_i32, %c0_i32_0 : i32, i32
  }
  func.func @transform_16(%arg0: i32) -> (i32, i32) {
    %c0_i32 = arith.constant 0 : i32
    %c0_i32_0 = arith.constant 0 : i32
    %c0_i32_1 = arith.constant 0 : i32
    return %c0_i32, %c0_i32_0 : i32, i32
  }
  func.func @transform_17(%arg0: i32) -> (i32, i32) {
    %c0_i32 = arith.constant 0 : i32
    %c0_i32_0 = arith.constant 0 : i32
    %c0_i32_1 = arith.constant 0 : i32
    return %c0_i32, %c0_i32_0 : i32, i32
  }
  func.func @transform_18(%arg0: i32) -> (i32, i32) {
    %c0_i32 = arith.constant 0 : i32
    %c0_i32_0 = arith.constant 0 : i32
    %c0_i32_1 = arith.constant 0 : i32
    return %c0_i32, %c0_i32_0 : i32, i32
  }
  func.func @transform_19(%arg0: i32) -> (i32, i32) {
    %c0_i32 = arith.constant 0 : i32
    %c0_i32_0 = arith.constant 0 : i32
    %c0_i32_1 = arith.constant 0 : i32
    return %c0_i32, %c0_i32_0 : i32, i32
  }
  func.func @transform_20(%arg0: i32) -> (i32, i32) {
    %c0_i32 = arith.constant 0 : i32
    %c0_i32_0 = arith.constant 0 : i32
    %c0_i32_1 = arith.constant 0 : i32
    return %c0_i32, %c0_i32_0 : i32, i32
  }
  func.func @transform_21(%arg0: i32) -> (i32, i32) {
    %c0_i32 = arith.constant 0 : i32
    %c0_i32_0 = arith.constant 0 : i32
    %c0_i32_1 = arith.constant 0 : i32
    return %c0_i32, %c0_i32_0 : i32, i32
  }
  func.func @transform_22(%arg0: i32) -> (i32, i32) {
    %c0_i32 = arith.constant 0 : i32
    %c0_i32_0 = arith.constant 0 : i32
    %c0_i32_1 = arith.constant 0 : i32
    return %c0_i32, %c0_i32_0 : i32, i32
  }
  func.func @transform_23(%arg0: i32) -> (i32, i32) {
    %c0_i32 = arith.constant 0 : i32
    %c0_i32_0 = arith.constant 0 : i32
    %c0_i32_1 = arith.constant 0 : i32
    return %c0_i32, %c0_i32_0 : i32, i32
  }
  func.func @transform_24(%arg0: i32) -> (i32, i32) {
    %c0_i32 = arith.constant 0 : i32
    %c0_i32_0 = arith.constant 0 : i32
    %c0_i32_1 = arith.constant 0 : i32
    return %c0_i32, %c0_i32_0 : i32, i32
  }
  func.func @transform_25(%arg0: i32) -> (i32, i32) {
    %c0_i32 = arith.constant 0 : i32
    %c0_i32_0 = arith.constant 0 : i32
    %c0_i32_1 = arith.constant 0 : i32
    return %c0_i32, %c0_i32_0 : i32, i32
  }
  func.func @transform_26(%arg0: i32) -> (i32, i32) {
    %c0_i32 = arith.constant 0 : i32
    %c0_i32_0 = arith.constant 0 : i32
    %c0_i32_1 = arith.constant 0 : i32
    return %c0_i32, %c0_i32_0 : i32, i32
  }
  func.func @transform_27(%arg0: i32) -> (i32, i32) {
    %c0_i32 = arith.constant 0 : i32
    %c0_i32_0 = arith.constant 0 : i32
    %c0_i32_1 = arith.constant 0 : i32
    return %c0_i32, %c0_i32_0 : i32, i32
  }
  func.func @transform_28(%arg0: i32) -> (i32, i32) {
    %c0_i32 = arith.constant 0 : i32
    %c0_i32_0 = arith.constant 0 : i32
    %c0_i32_1 = arith.constant 0 : i32
    return %c0_i32, %c0_i32_0 : i32, i32
  }
  func.func @transform_29(%arg0: i32) -> (i32, i32) {
    %c0_i32 = arith.constant 0 : i32
    %c0_i32_0 = arith.constant 0 : i32
    %c0_i32_1 = arith.constant 0 : i32
    return %c0_i32, %c0_i32_0 : i32, i32
  }
  func.func @transform_30(%arg0: i32) -> (i32, i32) {
    %c0_i32 = arith.constant 0 : i32
    %c0_i32_0 = arith.constant 0 : i32
    %c0_i32_1 = arith.constant 0 : i32
    return %c0_i32, %c0_i32_0 : i32, i32
  }
  func.func @transform_31(%arg0: i32) -> (i32, i32) {
    %c0_i32 = arith.constant 0 : i32
    %c0_i32_0 = arith.constant 0 : i32
    return %arg0, %c0_i32 : i32, i32
  }
  func.func @transform_32(%arg0: i32) -> (i32, i32) {
    %c0_i32 = arith.constant 0 : i32
    %c0_i32_0 = arith.constant 0 : i32
    return %arg0, %c0_i32 : i32, i32
  }
  func.func @transform_33(%arg0: i32) -> (i32, i32, i32) {
    %c0_i32 = arith.constant 0 : i32
    %c0_i32_0 = arith.constant 0 : i32
    %c0_i32_1 = arith.constant 0 : i32
    return %arg0, %c0_i32, %c0_i32_0 : i32, i32, i32
  }
}

</mosaic_0001>

<sc_bundles>
// kernel: kernel.6.cloned.1.call-start
scs
__scs_entry_jumppad:
0x0: {  	(pc) =	sbr.rel $0x88, $3  }
0x1: {  	(tag) =	ssettag $0x0;
	lr =	simm.s32 $0x1  }
0x2: {  	[smem:$0x3F7F] =	sst lr;
	_ =	strace $0xD0000000  }
0x3: {  	_ = 	snop  }
0x4: {  	_ = 	snop  }
0x5: {  	_ = 	snop  }
0x6: {  	_ = 	snop  }
0x7: {  	_ = 	snop  }
__scs_overlays_trampoline_lowered:
0x8: {  	[smem:$0x3F8E] =	sst s0  }
0x9: {  	[smem:$0x3F8F] =	sst s1  }
0xa: {  	[smem:$0x3F90] =	sst s2  }
0xb: {  	[smem:$0x3F91] =	sst s3  }
0xc: {  	[smem:$0x3F92] =	sst s4  }
0xd: {  	[smem:$0x3F93] =	sst s5  }
0xe: {  	[smem:$0x3F94] =	sst s6  }
0xf: {  	[smem:$0x3F95] =	sst s7  }
0x10: {  	[smem:$0x3F96] =	sst s8  }
0x11: {  	[smem:$0x3F97] =	sst s9;
	s0 =	simm.s32 @!p0 $0x0  }
0x12: {  	s1 =	sld [smem:$0x3F7D];
	s0 =	simm.s32 @p0 $0x1  }
0x13: {  	[smem:$0x3F98] =	sst s0;
	s0 =	simm.s32 @!p1 $0x0  }
0x14: {  	s2 =	sld [smem:$0x3F7C];
	s0 =	simm.s32 @p1 $0x1  }
0x15: {  	[smem:$0x3F99] =	sst s0;
	s0 =	simm.s32 @!p2 $0x0  }
0x16: {  	s3 =	sld [smem:$0x3FDB];
	s0 =	simm.s32 @p2 $0x1  }
0x17: {  	s4 =	simm.s32 $0x1BF5;
	[smem:$0x3F9B] =	sst s0  }
0x18: {  	s0 =	sld [smem:$0x3F7E];
	_ =	swait.ge [sflag:s4], $0x0  }
0x19: {  	s7 =	sld [smem:$0x3F7F]  }
0x1a: {  	s8 =	sadd.s32 $0xFFFFE003, lr  }
0x1b: {  	s9 =	sadd.s32 $0xFFFFFEF7, lr;
	s5 =	simm.s32 $0xFFFFFFFF;
	p2 =	slt.u32 s8, $0xFFFFF086  }
0x1c: {  	p1 =	slt.u32 s9, $0xF7A;
	s5 =	simm.s32 @!p2 $0x0  }
0x1d: {  	s5 =	simm.s32 @p1 $0x1;
	p0 =	seq.s32 s7, s2  }
0x1e: {  	s7 =	smul.u32 @!p0 $0xF7A, s2;
	p2 =	seq.s32 @!p0 s5, $0x0  }
0x1f: {  	s9 =	smul.u32 $0xF7A, s1;
	s8 =	simm.s32 @!p0 $0x1BF5;
	p2 =	por !p2, p0  }
0x20: {  	[sflag:s8] =	ssyncset.s32 @!p0 $0xFFFFF086;
	s6 =	sadd.s32 @!p0 s3, s7;
	s7 =	simm.s32 @!p0 $0x108  }
0x21: {  	s3 =	sadd.s32 s3, s9;
	s6 =	sadd.s32 @!p0 $0x88, s6;
	s7 =	simm.s32 @p2 $0x1082  }
0x22: {  	[simem:s7], [sflag:s8] =	dma.local @!p0 [hbm:s6], $0xF7A  }
0x23: {  	s9 =	sor.u32 $0xD0000000, s2;
	s6 =	simm.s32 $0x108;
	_ =	swait.ge @!p0 [sflag:s8], $0x0  }
0x24: {  	s3 =	sadd.s32 $0x88, s3;
	s6 =	simm.s32 @!p1 $0x1082;
	[sflag:s4] =	ssyncset.s32 $0xFFFFF086  }
0x25: {  	[simem:s6], [sflag:s4] =	dma.local [hbm:s3], $0xF7A  }
0x26: {  	[smem:$0x3F7F] =	sst s1;
	(tag) =	ssettag s2;
	_ =	strace s9  }
0x27: {  	s1 =	sld [smem:$0x3F8F]  }
0x28: {  	s2 =	sld [smem:$0x3F90]  }
0x29: {  	s4 =	sld [smem:$0x3F92]  }
0x2a: {  	p0 =	seq.s32 s5, $0x0;
	s5 =	sld [smem:$0x3F93]  }
0x2b: {  	s6 =	sld [smem:$0x3F94]  }
0x2c: {  	s7 =	sld [smem:$0x3F95]  }
0x2d: {  	s3 =	simm.s32 $0x108;
	s8 =	sld [smem:$0x3F96]  }
0x2e: {  	s3 =	simm.s32 @!p0 $0x1082;
	s9 =	sld [smem:$0x3F97]  }
0x2f: {  	lr =	sadd.s32 s0, s3;
	s0 =	sld [smem:$0x3F8E]  }
0x30: {  	s3 =	sld [smem:$0x3F91]  }
0x31: {  	[smem:$0x3F9A] =	sst s10  }
0x32: {  	s10 =	sld [smem:$0x3F98];
	_ =	sdelay $0x3  }
0x33: {  	p0 =	seq.s32 s10, $0x1;
	s10 =	sld [smem:$0x3F9A];
	_ =	sdelay $0x3  }
0x34: {  	[smem:$0x3F9A] =	sst s10  }
0x35: {  	s10 =	sld [smem:$0x3F99];
	_ =	sdelay $0x3  }
0x36: {  	p1 =	seq.s32 s10, $0x1;
	s10 =	sld [smem:$0x3F9A];
	_ =	sdelay $0x3  }
0x37: {  	[smem:$0x3F9A] =	sst s10  }
0x38: {  	s10 =	sld [smem:$0x3F9B]  }
0x39: {  	_ = 	snop;
	(pc) =	sbr.ind lr, $3  }
0x3a: {  	_ = 	snop  }
0x3b: {  	_ = 	snop  }
0x3c: {  	p2 =	seq.s32 s10, $0x1;
	s10 =	sld [smem:$0x3F9A]  }
0x3d: {  	_ =	shalt  }
0x3e: {  	_ =	shalt  }
0x3f: {  	_ =	shalt  }
0x40: {  	_ =	shalt  }
0x41: {  	_ =	shalt  }
0x42: {  	_ =	shalt  }
0x43: {  	_ =	shalt  }
0x44: {  	_ =	shalt  }
0x45: {  	_ =	shalt  }
0x46: {  	_ =	shalt  }
0x47: {  	_ =	shalt  }
0x48: {  	_ =	shalt  }
0x49: {  	_ =	shalt  }
0x4a: {  	_ =	shalt  }
0x4b: {  	_ =	shalt  }
0x4c: {  	_ =	shalt  }
0x4d: {  	_ =	shalt  }
0x4e: {  	_ =	shalt  }
0x4f: {  	_ =	shalt  }
0x50: {  	_ =	shalt  }
0x51: {  	_ =	shalt  }
0x52: {  	_ =	shalt  }
0x53: {  	_ =	shalt  }
0x54: {  	_ =	shalt  }
0x55: {  	_ =	shalt  }
0x56: {  	_ =	shalt  }
0x57: {  	_ =	shalt  }
0x58: {  	_ =	shalt  }
0x59: {  	_ =	shalt  }
0x5a: {  	_ =	shalt  }
0x5b: {  	_ =	shalt  }
0x5c: {  	_ =	shalt  }
0x5d: {  	_ =	shalt  }
0x5e: {  	_ =	shalt  }
0x5f: {  	_ =	shalt  }
0x60: {  	_ =	shalt  }
0x61: {  	_ =	shalt  }
0x62: {  	_ =	shalt  }
0x63: {  	_ =	shalt  }
0x64: {  	_ =	shalt  }
0x65: {  	_ =	shalt  }
0x66: {  	_ =	shalt  }
0x67: {  	_ =	shalt  }
0x68: {  	_ =	shalt  }
0x69: {  	_ =	shalt  }
0x6a: {  	_ =	shalt  }
0x6b: {  	_ =	shalt  }
0x6c: {  	_ =	shalt  }
0x6d: {  	_ =	shalt  }
0x6e: {  	_ =	shalt  }
0x6f: {  	_ =	shalt  }
0x70: {  	_ =	shalt  }
0x71: {  	_ =	shalt  }
0x72: {  	_ =	shalt  }
0x73: {  	_ =	shalt  }
0x74: {  	_ =	shalt  }
0x75: {  	_ =	shalt  }
0x76: {  	_ =	shalt  }
0x77: {  	_ =	shalt  }
0x78: {  	_ =	shalt  }
0x79: {  	_ =	shalt  }
0x7a: {  	_ =	shalt  }
0x7b: {  	_ =	shalt  }
0x7c: {  	_ =	shalt  }
0x7d: {  	_ =	shalt  }
0x7e: {  	_ =	shalt  }
0x7f: {  	_ =	shalt  }
0x80: {  	_ =	shalt  }
0x81: {  	_ =	shalt  }
0x82: {  	_ =	shalt  }
0x83: {  	_ =	shalt  }
0x84: {  	_ =	shalt  }
0x85: {  	_ =	shalt  }
0x86: {  	_ =	shalt  }
0x87: {  	_ =	shalt  }
.Lfunc_end0:
.L_simem_size_0:
called_computation_lowered:
.L_overlay_start_0:
0x88: {  	s2 =	sld [smem:$0x3FD9]  }
0x89: {  	s3 =	sld [smem:$0x3FFE];
	_ =	sdelay $0x1  }
0x8a: {  	s1 =	srdreg.scid  }
0x8b: {  	s0 =	sand.u32 $0x1, s1  }
0x8c: {  	s14 =	sshll.u32 s0, $0xA;
	s2 =	sadd.s32 s3, s2  }
0x8d: {  	s2 =	sadd.s32 s2, s14  }
0x8e: {  	[smem:$0x3FA6] =	sst s2  }
0x8f: {  	_ = 	snop  }
0x90: {  	s2 =	sld [smem:$0x3FD0];
	_ =	sdelay $0x2  }
0x91: {  	s15 =	simm.s32 $0xA;
	s4 =	simm.s32 $0x10  }
0x92: {  	[smem:s4], [sflag:s15] =	dma.local [hbm:s2], $0x1  }
0x93: {  	_ =	swait.eq [sflag:s15], $0x1  }
0x94: {  	[sflag:s15] =	ssyncset.done $0x0  }
0x95: {  	s16 =	sld [smem:$0x10];
	[sflag:s15] =	ssyncadd.s32 $0xFFFFFFFF  }
0x96: {  	s17 =	sld [smem:$0x11];
	(tm) =	ssettm $0x1  }
0x97: {  	s18 =	sld [smem:$0x3FFB];
	_ =	sdelay $0x3  }
0x98: {  	_ =	strace s18  }
0x99: {  	s4 =	sld [smem:$0x3FFC];
	_ =	sdelay $0x3  }
0x9a: {  	_ =	strace s4  }
0x9b: {  	s4 =	sld [smem:$0x3FFD];
	_ =	sdelay $0x3  }
0x9c: {  	_ =	strace s4  }
0x9d: {  	_ =	strace $0x8FFFFFFF  }
0x9e: {  	s19 =	sld [smem:$0x3FDB];
	_ =	sdelay $0x1  }
0x9f: {  	s5 =	simm.s32 $_scs_section_size  }
0xa0: {  	s6 =	simm.s32 $_size__tile_overlayer_lowered;
	s7 =	simm.s32 $_tile_overlayer_lowered  }
0xa1: {  	s22 =	simm.s32 $0x1BFF;
	s21 =	sshll.u32 s7, $0x1;
	s4 =	sadd.s32 s5, s19  }
0xa2: {  	s8 =	simm.s32 $0x0;
	s20 =	sshll.u32 s6, $0x1;
	s6 =	sadd.s32 s21, s4  }
0xa3: {  	[timem:s8], [sflag:s22] =	dma.local [hbm:s6], s20  }
0xa4: {  	_ =	swait.ge [sflag:s22], s20  }
0xa5: {  	s5 =	ssub.s32 $0x0, s20;
	[sflag:s22] =	ssyncset.done $0x0  }
0xa6: {  	[sflag:s22] =	ssyncadd.s32 s5;
	_ =	sdelay $0x1  }
0xa7: {  	s23 =	simm.s32 $0x1B8B  }
0xa8: {  	_ =	swait.ge [sflag:s23], $0x1  }
0xa9: {  	[sflag:s23] =	ssyncset.done $0x0  }
0xaa: {  	s25 =	simm.s32 $0x1B8E;
	s24 =	sld [smem:$0x3FFE];
	[sflag:s23] =	ssyncadd.s32 $0xFFFFFFFF  }
0xab: {  	s26 =	simm.s32 $execute0_lowered;
	[smem:$0x3FD2] =	sst s25  }
0xac: {  	s6 =	sshll.u32 s26, $0x1;
	_ =	strace $0x80000046;
	[dreg:$0x1] =	wrdreg $0xFFFFFFFF  }
0xad: {  	s28 =	simm.s32 $_size_execute0_lowered;
	s4 =	sadd.s32 s4, s6;
	[dreg:$0x0] =	wrdreg $0x0  }
0xae: {  	s6 =	sshll.u32 s28, $0x1;
	[dreg:$0x2] =	wrdreg s4  }
0xaf: {  	[dreg:$0x3] =	wrdreg s6  }
0xb0: {  	[dreg:$0x4] =	wrdreg $0xC0  }
0xb1: {  	_ =	task [dreg:s8], $0x5FFFF  }
0xb2: {  	[dreg:$0x1] =	wrdreg $0xFFFFFFFF  }
0xb3: {  	[dreg:$0x0] =	wrdreg $0x60  }
0xb4: {  	[dreg:$0x2] =	wrdreg s17  }
0xb5: {  	[dreg:$0x3] =	wrdreg s16  }
0xb6: {  	[dreg:$0x4] =	wrdreg s24  }
0xb7: {  	[dreg:$0x5] =	wrdreg $0x9  }
0xb8: {  	_ =	task.clear_ibuf [dreg:s8], $0x6FFFF;
	_ =	strace $0x90000046  }
0xb9: {  	s29 =	simm.s32 $0x9;
	_ =	strace $0x80000048  }
0xba: {  	_ =	swait.ge [sflag:s29], $0x1  }
0xbb: {  	[sflag:s29] =	ssyncadd.s32 $0xFFFFFFFF  }
0xbc: {  	_ =	strace $0x90000048  }
0xbd: {  	_ =	sfence  }
0xbe: {  	s30 =	sld [smem:$0x0];
	_ =	sdelay $0x2  }
0xbf: {  	s31 =	sshll.u32 s1, $0xD;
	s1 =	sshrl.u32 s1, $0x2  }
0xc0: {  	s3 =	sand.u32 $0x4000, s31;
	s1 =	sadd.s32 s1, s30  }
0xc1: {  	s0 =	sor.u32 s3, s0;
	s1 =	sshll.u32 s1, $0x11  }
0xc2: {  	s0 =	sor.u32 s1, s0  }
0xc3: {  	s0 =	sadd.s32 $0x8F2B, s0  }
0xc4: {  	[sflag:s0] =	ssyncadd.remote.s32 $0x1  }
0xc5: {  	_ =	sfence.sel $0xFFFF  }
0xc6: {  	[dreg:$0x0] =	wrdreg $0xFFFFFFFF;
	(pc) =	sbr.abs _section_cstart, $3  }
0xc7: {  	[dreg:$0x1] =	wrdreg $0xFFFFFFFF  }
0xc8: {  	_ =	task.clear_ibuf [dreg:s8], $0x2FFFF;
	_ =	strace $0x9FFFFFFF  }
0xc9: {  	(tm) =	ssettm $0x7FFFFFFF  }
tec
execute0_lowered:
.L_overlay_start_1:
0x0: {  	(tag) =	ssettag $0x1  }
0x1: {  	s2 =	rddreg [dreg:$0x0]  }
0x2: {  	s0 =	rddreg [dreg:$0x1]  }
0x3: {  	s1 =	rddreg [dreg:$0x2]  }
0x4: {  	s7 =	stileid.u32;
	s4 =	srdreg.scid;
	s3 =	simm.s32 $0x0  }
0x5: {  	s12 =	simm.s32 $0x4800;
	s16 =	simm.s32 $0x6800;
	s20 =	simm.s32 $0x8800  }
0x6: {  	s29 =	simm.s32 $0xC800;
	s14 =	simm.s32 $0x1;
	s15 =	simm.s32 $0x2  }
0x7: {  	s17 =	simm.s32 $0x3;
	s18 =	simm.s32 $0x4;
	s19 =	simm.s32 $0x5  }
0x8: {  	s21 =	simm.s32 $0x6;
	s22 =	simm.s32 $0x7;
	s23 =	simm.s32 $0x8  }
0x9: {  	s28 =	simm.s32 $0xB;
	s30 =	simm.s32 $0xC;
	s5 =	smul.u32 $0xA0, s7  }
0xa: {  	s31 =	simm.s32 $0xD;
	s4 =	sand.u32 $0x1, s4;
	s7 =	smul.u32 $0x28000, s7  }
0xb: {  	s10 =	simm.s32 $0x0;
	[smem:$0x7FF] =	sst s3;
	s6 =	smul.u32 $0x50, s4  }
0xc: {  	_ =	strace $0x80000047;
	s8 =	ssub.s32 $0x2, s4;
	s4 =	smul.u32 $0x14000, s4  }
0xd: {  	s9 =	sshrl.u32 s8, $0x1;
	s1 =	sadd.s32 s7, s1;
	s5 =	sadd.s32 s6, s5  }
0xe: {  	s24 =	ssub.s32 s8, s9;
	s26 =	sadd.s32 s4, s1;
	s8 =	simm.s32 $0x2800  }
.Ltmp0:
0xf: {  	s1 =	simm.s32 $0xE800;
	s9 =	simm.s32 $0x10800;
	(pc) =	sbr.rel .LBB2_1-.Ltmp0, $4  }
0x10: {  	s4 =	simm.s32 $0xF;
	s5 =	sshll.u32 s5, $0x4;
	s25 =	smax.u32 s24, $0x1  }
0x11: {  	v2 =	vlaneseq.u32;
	s6 =	sadd.s32 $0x51600, s26;
	s24 =	simm.s32 $0xA800;
	s26 =	simm.s32 $0xA  }
0x12: {  	vm0 =	vmmov $0xffff;
	v1 =	vshrl.u32 v2, $0x3;
	s0 =	sadd.s32 s0, s5;
	[dreg:$0x5] =	wrdreg s25;
	s25 =	simm.s32 $0x9  }
0x13: {  	v0 =	vand.u32 $0x7, v2;
	v2 =	vor.u32 $0x8, v2;
	v1 =	vmul.u32 $0x8, v1;
	s5 =	simm.s32 $0x10;
	[dreg:$0x4] =	wrdreg s0;
	s0 =	simm.s32 $0xE  }
.LBB2_4:
0x14: {  	_ =	swait.ge [sflag:s25], $0x2000  }
0x15: {  	[sflag:s25] =	ssyncset.done $0x0  }
0x16: {  	[sflag:s25] =	ssyncadd.s32 $0xFFFFE000  }
0x17: {  	_ =	swait.ge [sflag:s26], $0x2000  }
0x18: {  	[sflag:s26] =	ssyncset.done $0x0  }
0x19: {  	[sflag:s26] =	ssyncadd.s32 $0xFFFFE000  }
0x1a: {  	_ =	swait.ge [sflag:s28], $0x2000  }
0x1b: {  	[sflag:s28] =	ssyncset.done $0x0  }
0x1c: {  	[sflag:s28] =	ssyncadd.s32 $0xFFFFE000  }
0x1d: {  	_ =	swait.ge [sflag:s30], $0x2000  }
0x1e: {  	[sflag:s30] =	ssyncset.done $0x0  }
0x1f: {  	[sflag:s30] =	ssyncadd.s32 $0xFFFFE000  }
0x20: {  	_ =	swait.ge [sflag:s31], $0x2000  }
0x21: {  	[sflag:s31] =	ssyncset.done $0x0  }
0x22: {  	[sflag:s31] =	ssyncadd.s32 $0xFFFFE000  }
0x23: {  	_ =	swait.ge [sflag:s0], $0x2000  }
0x24: {  	[sflag:s0] =	ssyncset.done $0x0  }
0x25: {  	[sflag:s0] =	ssyncadd.s32 $0xFFFFE000  }
0x26: {  	_ =	swait.ge [sflag:s4], $0x2000  }
0x27: {  	[sflag:s4] =	ssyncset.done $0x0  }
0x28: {  	[sflag:s4] =	ssyncadd.s32 $0xFFFFE000  }
0x29: {  	_ =	swait.ge [sflag:s5], $0x2000  }
0x2a: {  	s10 =	rddreg [dreg:$0x6]  }
0x2b: {  	s7 =	rddreg [dreg:$0x5];
	s10 =	sadd.s32 $0x1, s10  }
0x2c: {  	p0 =	sne.s32 s10, s7  }
.Ltmp1:
0x2d: {  	_ = 	snop;
	(pc) =	sbr.rel @!p0 .LBB2_5-.Ltmp1, $3  }
0x2e: {  	_ =	sdelay $0x1  }
0x2f: {  	[sflag:s5] =	ssyncset.done $0x0  }
0x30: {  	[sflag:s5] =	ssyncadd.s32 $0xFFFFE000  }
.LBB2_1:
0x31: {  	[dreg:$0x6] =	wrdreg s10  }
0x32: {  	s7 =	rddreg [dreg:$0x4];
	s13 =	simm.s32 $0x11  }
0x33: {  	[tilespmem:s3], [sflag:$0x11] =	stream.linear.gather [hbm4b:s7+s3], $0x2800, $0x38;
	[tilespmem:$0x12800] =	vst v63  }
0x34: {  	_ =	swait.ge [sflag:s13], $0x2800  }
0x35: {  	[sflag:s13] =	ssyncset.done $0x0  }
0x36: {  	[sflag:s13] =	ssyncadd.s32 $0xFFFFD800  }
0x37: {  	v3 =	vld [tilespmem:$0x0];
	_ =	sdelay $0x4  }
0x38: {  	v4 =	vshll.u32 v3, $0x1  }
0x39: {  	v3 =	vand.u32 $0x7, v3;
	v4 =	vand.u32 $0xFFFFFFF0, v4  }
0x3a: {  	v3 =	vor.u32 v3, v4  }
0x3b: {  	v4 =	vperm.xlane v3, v0;
	_ =	sdelay $0x1  }
0x3c: {  	v3 =	vperm.xlane v3, v2;
	v4 =	vadd.s32 v1, v4;
	_ =	sdelay $0x1  }
0x3d: {  	v3 =	vadd.s32 v1, v3;
	_ =	sdelay $0x2  }
0x3e: {  	[tilespmem:s8], [sflag:$0x1] =	stream.indirect_vreg.gather [hbm4b:s2+s3], $0x80, v4, vm0, $0xb8;
	[tilespmem:$0x12800] =	vst v63  }
0x3f: {  	s10 =	simm.s32 $0x3000  }
0x40: {  	[tilespmem:s10], [sflag:$0x1] =	stream.indirect_vreg.gather [hbm4b:s2+s3], $0x80, v3, vm0, $0xb8;
	[tilespmem:$0x12800] =	vst v63  }
0x41: {  	v3 =	vld [tilespmem:$0x10];
	_ =	sdelay $0x4  }
0x42: {  	v49 =	vshll.u32 v3, $0x1  }
0x43: {  	v3 =	vand.u32 $0x7, v3;
	v4 =	vand.u32 $0xFFFFFFF0, v49  }
0x44: {  	v3 =	vor.u32 v3, v4  }
0x45: {  	v4 =	vperm.xlane v3, v0;
	_ =	sdelay $0x1  }
0x46: {  	v3 =	vperm.xlane v3, v2;
	v4 =	vadd.s32 v1, v4;
	_ =	sdelay $0x1  }
0x47: {  	v3 =	vadd.s32 v1, v3;
	_ =	sdelay $0x1  }
0x48: {  	s11 =	simm.s32 $0x3800  }
0x49: {  	[tilespmem:s11], [sflag:$0x1] =	stream.indirect_vreg.gather [hbm4b:s2+s3], $0x80, v4, vm0, $0xb8;
	[tilespmem:$0x12800] =	vst v63  }
0x4a: {  	s13 =	simm.s32 $0x4000  }
0x4b: {  	[tilespmem:s13], [sflag:$0x1] =	stream.indirect_vreg.gather [hbm4b:s2+s3], $0x80, v3, vm0, $0xb8;
	[tilespmem:$0x12800] =	vst v63  }
0x4c: {  	v3 =	vld [tilespmem:$0x80];
	_ =	sdelay $0x4  }
0x4d: {  	v50 =	vshll.u32 v3, $0x1  }
0x4e: {  	v3 =	vand.u32 $0x7, v3;
	v4 =	vand.u32 $0xFFFFFFF0, v50  }
0x4f: {  	v3 =	vor.u32 v3, v4  }
0x50: {  	v4 =	vperm.xlane v3, v0;
	_ =	sdelay $0x1  }
0x51: {  	v3 =	vperm.xlane v3, v2;
	v4 =	vadd.s32 v1, v4;
	_ =	sdelay $0x1  }
0x52: {  	v3 =	vadd.s32 v1, v3;
	_ =	sdelay $0x2  }
0x53: {  	[tilespmem:s12], [sflag:$0x2] =	stream.indirect_vreg.gather [hbm4b:s2+s3], $0x80, v4, vm0, $0xb8;
	[tilespmem:$0x12800] =	vst v63  }
0x54: {  	s10 =	simm.s32 $0x5000  }
0x55: {  	[tilespmem:s10], [sflag:$0x2] =	stream.indirect_vreg.gather [hbm4b:s2+s3], $0x80, v3, vm0, $0xb8;
	[tilespmem:$0x12800] =	vst v63  }
0x56: {  	v3 =	vld [tilespmem:$0x90];
	_ =	sdelay $0x4  }
0x57: {  	v51 =	vshll.u32 v3, $0x1  }
0x58: {  	v3 =	vand.u32 $0x7, v3;
	v4 =	vand.u32 $0xFFFFFFF0, v51  }
0x59: {  	v3 =	vor.u32 v3, v4  }
0x5a: {  	v4 =	vperm.xlane v3, v0;
	_ =	sdelay $0x1  }
0x5b: {  	v3 =	vperm.xlane v3, v2;
	v4 =	vadd.s32 v1, v4;
	_ =	sdelay $0x1  }
0x5c: {  	v3 =	vadd.s32 v1, v3;
	_ =	sdelay $0x1  }
0x5d: {  	s11 =	simm.s32 $0x5800  }
0x5e: {  	[tilespmem:s11], [sflag:$0x2] =	stream.indirect_vreg.gather [hbm4b:s2+s3], $0x80, v4, vm0, $0xb8;
	[tilespmem:$0x12800] =	vst v63  }
0x5f: {  	s13 =	simm.s32 $0x6000  }
0x60: {  	[tilespmem:s13], [sflag:$0x2] =	stream.indirect_vreg.gather [hbm4b:s2+s3], $0x80, v3, vm0, $0xb8;
	[tilespmem:$0x12800] =	vst v63  }
0x61: {  	v3 =	vld [tilespmem:$0x100];
	_ =	sdelay $0x4  }
0x62: {  	v52 =	vshll.u32 v3, $0x1  }
0x63: {  	v3 =	vand.u32 $0x7, v3;
	v4 =	vand.u32 $0xFFFFFFF0, v52  }
0x64: {  	v3 =	vor.u32 v3, v4  }
0x65: {  	v4 =	vperm.xlane v3, v0;
	_ =	sdelay $0x1  }
0x66: {  	v3 =	vperm.xlane v3, v2;
	v4 =	vadd.s32 v1, v4;
	_ =	sdelay $0x1  }
0x67: {  	v3 =	vadd.s32 v1, v3;
	_ =	sdelay $0x2  }
0x68: {  	[tilespmem:s16], [sflag:$0x3] =	stream.indirect_vreg.gather [hbm4b:s2+s3], $0x80, v4, vm0, $0xb8;
	[tilespmem:$0x12800] =	vst v63  }
0x69: {  	s10 =	simm.s32 $0x7000  }
0x6a: {  	[tilespmem:s10], [sflag:$0x3] =	stream.indirect_vreg.gather [hbm4b:s2+s3], $0x80, v3, vm0, $0xb8;
	[tilespmem:$0x12800] =	vst v63  }
0x6b: {  	v3 =	vld [tilespmem:$0x110];
	_ =	sdelay $0x4  }
0x6c: {  	v53 =	vshll.u32 v3, $0x1  }
0x6d: {  	v3 =	vand.u32 $0x7, v3;
	v4 =	vand.u32 $0xFFFFFFF0, v53  }
0x6e: {  	v3 =	vor.u32 v3, v4  }
0x6f: {  	v4 =	vperm.xlane v3, v0;
	_ =	sdelay $0x1  }
0x70: {  	v3 =	vperm.xlane v3, v2;
	v4 =	vadd.s32 v1, v4;
	_ =	sdelay $0x1  }
0x71: {  	v3 =	vadd.s32 v1, v3;
	_ =	sdelay $0x1  }
0x72: {  	s11 =	simm.s32 $0x7800  }
0x73: {  	[tilespmem:s11], [sflag:$0x3] =	stream.indirect_vreg.gather [hbm4b:s2+s3], $0x80, v4, vm0, $0xb8;
	[tilespmem:$0x12800] =	vst v63  }
0x74: {  	s13 =	simm.s32 $0x8000  }
0x75: {  	[tilespmem:s13], [sflag:$0x3] =	stream.indirect_vreg.gather [hbm4b:s2+s3], $0x80, v3, vm0, $0xb8;
	[tilespmem:$0x12800] =	vst v63  }
0x76: {  	v3 =	vld [tilespmem:$0x180];
	_ =	sdelay $0x4  }
0x77: {  	v54 =	vshll.u32 v3, $0x1  }
0x78: {  	v3 =	vand.u32 $0x7, v3;
	v4 =	vand.u32 $0xFFFFFFF0, v54  }
0x79: {  	v3 =	vor.u32 v3, v4  }
0x7a: {  	v4 =	vperm.xlane v3, v0;
	_ =	sdelay $0x1  }
0x7b: {  	v3 =	vperm.xlane v3, v2;
	v4 =	vadd.s32 v1, v4;
	_ =	sdelay $0x1  }
0x7c: {  	v3 =	vadd.s32 v1, v3;
	_ =	sdelay $0x2  }
0x7d: {  	[tilespmem:s20], [sflag:$0x4] =	stream.indirect_vreg.gather [hbm4b:s2+s3], $0x80, v4, vm0, $0xb8;
	[tilespmem:$0x12800] =	vst v63  }
0x7e: {  	s10 =	simm.s32 $0x9000  }
0x7f: {  	[tilespmem:s10], [sflag:$0x4] =	stream.indirect_vreg.gather [hbm4b:s2+s3], $0x80, v3, vm0, $0xb8;
	[tilespmem:$0x12800] =	vst v63  }
0x80: {  	v3 =	vld [tilespmem:$0x190];
	_ =	sdelay $0x4  }
0x81: {  	v55 =	vshll.u32 v3, $0x1  }
0x82: {  	v3 =	vand.u32 $0x7, v3;
	v4 =	vand.u32 $0xFFFFFFF0, v55  }
0x83: {  	v3 =	vor.u32 v3, v4  }
0x84: {  	v4 =	vperm.xlane v3, v0;
	_ =	sdelay $0x1  }
0x85: {  	v3 =	vperm.xlane v3, v2;
	v4 =	vadd.s32 v1, v4;
	_ =	sdelay $0x1  }
0x86: {  	v3 =	vadd.s32 v1, v3;
	_ =	sdelay $0x1  }
0x87: {  	s11 =	simm.s32 $0x9800  }
0x88: {  	[tilespmem:s11], [sflag:$0x4] =	stream.indirect_vreg.gather [hbm4b:s2+s3], $0x80, v4, vm0, $0xb8;
	[tilespmem:$0x12800] =	vst v63  }
0x89: {  	s13 =	simm.s32 $0xA000  }
0x8a: {  	[tilespmem:s13], [sflag:$0x4] =	stream.indirect_vreg.gather [hbm4b:s2+s3], $0x80, v3, vm0, $0xb8;
	[tilespmem:$0x12800] =	vst v63  }
0x8b: {  	v3 =	vld [tilespmem:$0x200];
	_ =	sdelay $0x4  }
0x8c: {  	v56 =	vshll.u32 v3, $0x1  }
0x8d: {  	v3 =	vand.u32 $0x7, v3;
	v4 =	vand.u32 $0xFFFFFFF0, v56  }
0x8e: {  	v3 =	vor.u32 v3, v4  }
0x8f: {  	v4 =	vperm.xlane v3, v0;
	_ =	sdelay $0x1  }
0x90: {  	v3 =	vperm.xlane v3, v2;
	v4 =	vadd.s32 v1, v4;
	_ =	sdelay $0x1  }
0x91: {  	v3 =	vadd.s32 v1, v3;
	_ =	sdelay $0x2  }
0x92: {  	[tilespmem:s24], [sflag:$0x5] =	stream.indirect_vreg.gather [hbm4b:s2+s3], $0x80, v4, vm0, $0xb8;
	[tilespmem:$0x12800] =	vst v63  }
0x93: {  	s10 =	simm.s32 $0xB000  }
0x94: {  	[tilespmem:s10], [sflag:$0x5] =	stream.indirect_vreg.gather [hbm4b:s2+s3], $0x80, v3, vm0, $0xb8;
	[tilespmem:$0x12800] =	vst v63  }
0x95: {  	v3 =	vld [tilespmem:$0x210];
	_ =	sdelay $0x4  }
0x96: {  	v57 =	vshll.u32 v3, $0x1  }
0x97: {  	v3 =	vand.u32 $0x7, v3;
	v4 =	vand.u32 $0xFFFFFFF0, v57  }
0x98: {  	v3 =	vor.u32 v3, v4  }
0x99: {  	v4 =	vperm.xlane v3, v0;
	_ =	sdelay $0x1  }
0x9a: {  	v3 =	vperm.xlane v3, v2;
	v4 =	vadd.s32 v1, v4;
	_ =	sdelay $0x1  }
0x9b: {  	v3 =	vadd.s32 v1, v3;
	_ =	sdelay $0x1  }
0x9c: {  	s11 =	simm.s32 $0xB800  }
0x9d: {  	[tilespmem:s11], [sflag:$0x5] =	stream.indirect_vreg.gather [hbm4b:s2+s3], $0x80, v4, vm0, $0xb8;
	[tilespmem:$0x12800] =	vst v63  }
0x9e: {  	s13 =	simm.s32 $0xC000  }
0x9f: {  	[tilespmem:s13], [sflag:$0x5] =	stream.indirect_vreg.gather [hbm4b:s2+s3], $0x80, v3, vm0, $0xb8;
	[tilespmem:$0x12800] =	vst v63  }
0xa0: {  	v3 =	vld [tilespmem:$0x280];
	_ =	sdelay $0x4  }
0xa1: {  	v58 =	vshll.u32 v3, $0x1  }
0xa2: {  	v3 =	vand.u32 $0x7, v3;
	v4 =	vand.u32 $0xFFFFFFF0, v58  }
0xa3: {  	v3 =	vor.u32 v3, v4  }
0xa4: {  	v4 =	vperm.xlane v3, v0;
	_ =	sdelay $0x1  }
0xa5: {  	v3 =	vperm.xlane v3, v2;
	v4 =	vadd.s32 v1, v4;
	_ =	sdelay $0x1  }
0xa6: {  	v3 =	vadd.s32 v1, v3;
	_ =	sdelay $0x2  }
0xa7: {  	[tilespmem:s29], [sflag:$0x6] =	stream.indirect_vreg.gather [hbm4b:s2+s3], $0x80, v4, vm0, $0xb8;
	[tilespmem:$0x12800] =	vst v63  }
0xa8: {  	s10 =	simm.s32 $0xD000  }
0xa9: {  	[tilespmem:s10], [sflag:$0x6] =	stream.indirect_vreg.gather [hbm4b:s2+s3], $0x80, v3, vm0, $0xb8;
	[tilespmem:$0x12800] =	vst v63  }
0xaa: {  	v3 =	vld [tilespmem:$0x290];
	_ =	sdelay $0x4  }
0xab: {  	v59 =	vshll.u32 v3, $0x1  }
0xac: {  	v3 =	vand.u32 $0x7, v3;
	v4 =	vand.u32 $0xFFFFFFF0, v59  }
0xad: {  	v3 =	vor.u32 v3, v4  }
0xae: {  	v4 =	vperm.xlane v3, v0;
	_ =	sdelay $0x1  }
0xaf: {  	v3 =	vperm.xlane v3, v2;
	v4 =	vadd.s32 v1, v4;
	_ =	sdelay $0x1  }
0xb0: {  	v3 =	vadd.s32 v1, v3;
	_ =	sdelay $0x1  }
0xb1: {  	s11 =	simm.s32 $0xD800  }
0xb2: {  	[tilespmem:s11], [sflag:$0x6] =	stream.indirect_vreg.gather [hbm4b:s2+s3], $0x80, v4, vm0, $0xb8;
	[tilespmem:$0x12800] =	vst v63  }
0xb3: {  	s13 =	simm.s32 $0xE000  }
0xb4: {  	[tilespmem:s13], [sflag:$0x6] =	stream.indirect_vreg.gather [hbm4b:s2+s3], $0x80, v3, vm0, $0xb8;
	[tilespmem:$0x12800] =	vst v63  }
0xb5: {  	v3 =	vld [tilespmem:$0x300];
	_ =	sdelay $0x4  }
0xb6: {  	v60 =	vshll.u32 v3, $0x1  }
0xb7: {  	v3 =	vand.u32 $0x7, v3;
	v4 =	vand.u32 $0xFFFFFFF0, v60  }
0xb8: {  	v3 =	vor.u32 v3, v4  }
0xb9: {  	v4 =	vperm.xlane v3, v0;
	_ =	sdelay $0x1  }
0xba: {  	v3 =	vperm.xlane v3, v2;
	v4 =	vadd.s32 v1, v4;
	_ =	sdelay $0x1  }
0xbb: {  	v3 =	vadd.s32 v1, v3;
	_ =	sdelay $0x2  }
0xbc: {  	[tilespmem:s1], [sflag:$0x7] =	stream.indirect_vreg.gather [hbm4b:s2+s3], $0x80, v4, vm0, $0xb8;
	[tilespmem:$0x12800] =	vst v63  }
0xbd: {  	s10 =	simm.s32 $0xF000  }
0xbe: {  	[tilespmem:s10], [sflag:$0x7] =	stream.indirect_vreg.gather [hbm4b:s2+s3], $0x80, v3, vm0, $0xb8;
	[tilespmem:$0x12800] =	vst v63  }
0xbf: {  	v3 =	vld [tilespmem:$0x310];
	_ =	sdelay $0x4  }
0xc0: {  	v61 =	vshll.u32 v3, $0x1  }
0xc1: {  	v3 =	vand.u32 $0x7, v3;
	v4 =	vand.u32 $0xFFFFFFF0, v61  }
0xc2: {  	v3 =	vor.u32 v3, v4  }
0xc3: {  	v4 =	vperm.xlane v3, v0;
	_ =	sdelay $0x1  }
0xc4: {  	v3 =	vperm.xlane v3, v2;
	v4 =	vadd.s32 v1, v4;
	_ =	sdelay $0x1  }
0xc5: {  	v3 =	vadd.s32 v1, v3;
	_ =	sdelay $0x1  }
0xc6: {  	s11 =	simm.s32 $0xF800  }
0xc7: {  	[tilespmem:s11], [sflag:$0x7] =	stream.indirect_vreg.gather [hbm4b:s2+s3], $0x80, v4, vm0, $0xb8;
	[tilespmem:$0x12800] =	vst v63  }
0xc8: {  	s13 =	simm.s32 $0x10000  }
0xc9: {  	[tilespmem:s13], [sflag:$0x7] =	stream.indirect_vreg.gather [hbm4b:s2+s3], $0x80, v3, vm0, $0xb8;
	[tilespmem:$0x12800] =	vst v63  }
0xca: {  	v3 =	vld [tilespmem:$0x380];
	_ =	sdelay $0x4  }
0xcb: {  	v62 =	vshll.u32 v3, $0x1  }
0xcc: {  	v3 =	vand.u32 $0x7, v3;
	v4 =	vand.u32 $0xFFFFFFF0, v62  }
0xcd: {  	v3 =	vor.u32 v3, v4  }
0xce: {  	v4 =	vperm.xlane v3, v0;
	_ =	sdelay $0x1  }
0xcf: {  	v3 =	vperm.xlane v3, v2;
	v4 =	vadd.s32 v1, v4;
	_ =	sdelay $0x1  }
0xd0: {  	v3 =	vadd.s32 v1, v3;
	_ =	sdelay $0x2  }
0xd1: {  	[tilespmem:s9], [sflag:$0x8] =	stream.indirect_vreg.gather [hbm4b:s2+s3], $0x80, v4, vm0, $0xb8;
	[tilespmem:$0x12800] =	vst v63  }
0xd2: {  	s10 =	simm.s32 $0x11000  }
0xd3: {  	[tilespmem:s10], [sflag:$0x8] =	stream.indirect_vreg.gather [hbm4b:s2+s3], $0x80, v3, vm0, $0xb8;
	[tilespmem:$0x12800] =	vst v63  }
0xd4: {  	v3 =	vld [tilespmem:$0x390];
	_ =	sdelay $0x4  }
0xd5: {  	v63 =	vshll.u32 v3, $0x1  }
0xd6: {  	v3 =	vand.u32 $0x7, v3;
	v4 =	vand.u32 $0xFFFFFFF0, v63  }
0xd7: {  	v3 =	vor.u32 v3, v4  }
0xd8: {  	v4 =	vperm.xlane v3, v0;
	_ =	sdelay $0x1  }
0xd9: {  	v3 =	vperm.xlane v3, v2;
	v4 =	vadd.s32 v1, v4;
	_ =	sdelay $0x1  }
0xda: {  	v3 =	vadd.s32 v1, v3;
	_ =	sdelay $0x1  }
0xdb: {  	s11 =	simm.s32 $0x11800  }
0xdc: {  	[tilespmem:s11], [sflag:$0x8] =	stream.indirect_vreg.gather [hbm4b:s2+s3], $0x80, v4, vm0, $0xb8;
	[tilespmem:$0x12800] =	vst v63  }
0xdd: {  	s7 =	simm.s32 $0x790;
	s13 =	simm.s32 $0x12000;
	s10 =	simm.s32 $0x0  }
0xde: {  	[tilespmem:s13], [sflag:$0x8] =	stream.indirect_vreg.gather [hbm4b:s2+s3], $0x80, v3, vm0, $0xb8;
	[tilespmem:$0x12800] =	vst v63  }
.LBB2_2:
0xdf: {  	_ =	swait.ge [sflag:s14], $0x2000  }
0xe0: {  	[sflag:s14] =	ssyncset.done $0x0  }
0xe1: {  	s11 =	sadd.s32 s10, s6;
	[sflag:s14] =	ssyncadd.s32 $0xFFFFE000  }
0xe2: {  	[hbm4b:s11+s3] =	stream.linear.scatter [tilespmem:s8], [sflag:$0x9], $0x2000, $0x38;
	[tilespmem:$0x12800] =	vst v63  }
0xe3: {  	_ =	swait.ge [sflag:s15], $0x2000  }
0xe4: {  	[sflag:s15] =	ssyncset.done $0x0  }
0xe5: {  	s13 =	sadd.s32 $0x400, s11;
	[sflag:s15] =	ssyncadd.s32 $0xFFFFE000  }
0xe6: {  	[hbm4b:s13+s3] =	stream.linear.scatter [tilespmem:s12], [sflag:$0xA], $0x2000, $0x38;
	[tilespmem:$0x12800] =	vst v63  }
0xe7: {  	_ =	swait.ge [sflag:s17], $0x2000  }
0xe8: {  	[sflag:s17] =	ssyncset.done $0x0  }
0xe9: {  	s13 =	sadd.s32 $0x800, s11;
	[sflag:s17] =	ssyncadd.s32 $0xFFFFE000  }
0xea: {  	[hbm4b:s13+s3] =	stream.linear.scatter [tilespmem:s16], [sflag:$0xB], $0x2000, $0x38;
	[tilespmem:$0x12800] =	vst v63  }
0xeb: {  	_ =	swait.ge [sflag:s18], $0x2000  }
0xec: {  	[sflag:s18] =	ssyncset.done $0x0  }
0xed: {  	s13 =	sadd.s32 $0xC00, s11;
	[sflag:s18] =	ssyncadd.s32 $0xFFFFE000  }
0xee: {  	[hbm4b:s13+s3] =	stream.linear.scatter [tilespmem:s20], [sflag:$0xC], $0x2000, $0x38;
	[tilespmem:$0x12800] =	vst v63  }
0xef: {  	_ =	swait.ge [sflag:s19], $0x2000  }
0xf0: {  	[sflag:s19] =	ssyncset.done $0x0  }
0xf1: {  	s13 =	sadd.s32 $0x1000, s11;
	[sflag:s19] =	ssyncadd.s32 $0xFFFFE000  }
0xf2: {  	[hbm4b:s13+s3] =	stream.linear.scatter [tilespmem:s24], [sflag:$0xD], $0x2000, $0x38;
	[tilespmem:$0x12800] =	vst v63  }
0xf3: {  	_ =	swait.ge [sflag:s21], $0x2000  }
0xf4: {  	[sflag:s21] =	ssyncset.done $0x0  }
0xf5: {  	s13 =	sadd.s32 $0x1400, s11;
	[sflag:s21] =	ssyncadd.s32 $0xFFFFE000  }
0xf6: {  	[hbm4b:s13+s3] =	stream.linear.scatter [tilespmem:s29], [sflag:$0xE], $0x2000, $0x38;
	[tilespmem:$0x12800] =	vst v63  }
0xf7: {  	_ =	swait.ge [sflag:s22], $0x2000  }
0xf8: {  	[sflag:s22] =	ssyncset.done $0x0  }
0xf9: {  	p0 =	seq.s32 s10, $0x12000;
	s13 =	sadd.s32 $0x1800, s11;
	[sflag:s22] =	ssyncadd.s32 $0xFFFFE000  }
0xfa: {  	[hbm4b:s13+s3] =	stream.linear.scatter [tilespmem:s1], [sflag:$0xF], $0x2000, $0x38;
	[tilespmem:$0x12800] =	vst v63  }
.Ltmp2:
0xfb: {  	_ = 	snop;
	(pc) =	sbr.rel @p0 .LBB2_4-.Ltmp2, $4  }
0xfc: {  	_ =	swait.ge [sflag:s23], $0x2000  }
0xfd: {  	[sflag:s23] =	ssyncset.done $0x0  }
0xfe: {  	s11 =	sadd.s32 $0x1C00, s11;
	[sflag:s23] =	ssyncadd.s32 $0xFFFFE000  }
0xff: {  	[hbm4b:s11+s3] =	stream.linear.scatter [tilespmem:s9], [sflag:$0x10], $0x2000, $0x38;
	[tilespmem:$0x12800] =	vst v63  }
0x100: {  	_ =	swait.ge [sflag:s25], $0x2000  }
0x101: {  	[sflag:s25] =	ssyncset.done $0x0  }
0x102: {  	[sflag:s25] =	ssyncadd.s32 $0xFFFFE000  }
0x103: {  	v3 =	vld [tilespmem:s7+$0xFFFFFC70];
	_ =	sdelay $0x4  }
0x104: {  	v4 =	vshll.u32 v3, $0x1  }
0x105: {  	v3 =	vand.u32 $0x7, v3;
	v4 =	vand.u32 $0xFFFFFFF0, v4  }
0x106: {  	v3 =	vor.u32 v3, v4  }
0x107: {  	v4 =	vperm.xlane v3, v0;
	_ =	sdelay $0x1  }
0x108: {  	v3 =	vperm.xlane v3, v2;
	v4 =	vadd.s32 v1, v4;
	_ =	sdelay $0x1  }
0x109: {  	v3 =	vadd.s32 v1, v3;
	_ =	sdelay $0x2  }
0x10a: {  	[tilespmem:s8], [sflag:$0x1] =	stream.indirect_vreg.gather [hbm4b:s2+s3], $0x80, v4, vm0, $0xb8;
	[tilespmem:$0x12800] =	vst v63  }
0x10b: {  	s11 =	simm.s32 $0x3000  }
0x10c: {  	[tilespmem:s11], [sflag:$0x1] =	stream.indirect_vreg.gather [hbm4b:s2+s3], $0x80, v3, vm0, $0xb8;
	[tilespmem:$0x12800] =	vst v63  }
0x10d: {  	v3 =	vld [tilespmem:s7+$0xFFFFFC80];
	_ =	sdelay $0x4  }
0x10e: {  	v49 =	vshll.u32 v3, $0x1  }
0x10f: {  	v3 =	vand.u32 $0x7, v3;
	v4 =	vand.u32 $0xFFFFFFF0, v49  }
0x110: {  	v3 =	vor.u32 v3, v4  }
0x111: {  	v4 =	vperm.xlane v3, v0;
	_ =	sdelay $0x1  }
0x112: {  	v3 =	vperm.xlane v3, v2;
	v4 =	vadd.s32 v1, v4;
	_ =	sdelay $0x1  }
0x113: {  	v3 =	vadd.s32 v1, v3;
	_ =	sdelay $0x1  }
0x114: {  	s13 =	simm.s32 $0x3800  }
0x115: {  	[tilespmem:s13], [sflag:$0x1] =	stream.indirect_vreg.gather [hbm4b:s2+s3], $0x80, v4, vm0, $0xb8;
	[tilespmem:$0x12800] =	vst v63  }
0x116: {  	s13 =	simm.s32 $0x4000  }
0x117: {  	[tilespmem:s13], [sflag:$0x1] =	stream.indirect_vreg.gather [hbm4b:s2+s3], $0x80, v3, vm0, $0xb8;
	[tilespmem:$0x12800] =	vst v63  }
0x118: {  	_ =	swait.ge [sflag:s26], $0x2000  }
0x119: {  	[sflag:s26] =	ssyncset.done $0x0  }
0x11a: {  	[sflag:s26] =	ssyncadd.s32 $0xFFFFE000  }
0x11b: {  	v3 =	vld [tilespmem:s7+$0xFFFFFCF0];
	_ =	sdelay $0x4  }
0x11c: {  	v50 =	vshll.u32 v3, $0x1  }
0x11d: {  	v3 =	vand.u32 $0x7, v3;
	v4 =	vand.u32 $0xFFFFFFF0, v50  }
0x11e: {  	v3 =	vor.u32 v3, v4  }
0x11f: {  	v4 =	vperm.xlane v3, v0;
	_ =	sdelay $0x1  }
0x120: {  	v3 =	vperm.xlane v3, v2;
	v4 =	vadd.s32 v1, v4;
	_ =	sdelay $0x1  }
0x121: {  	v3 =	vadd.s32 v1, v3;
	_ =	sdelay $0x2  }
0x122: {  	[tilespmem:s12], [sflag:$0x2] =	stream.indirect_vreg.gather [hbm4b:s2+s3], $0x80, v4, vm0, $0xb8;
	[tilespmem:$0x12800] =	vst v63  }
0x123: {  	s13 =	simm.s32 $0x5000  }
0x124: {  	[tilespmem:s13], [sflag:$0x2] =	stream.indirect_vreg.gather [hbm4b:s2+s3], $0x80, v3, vm0, $0xb8;
	[tilespmem:$0x12800] =	vst v63  }
0x125: {  	v3 =	vld [tilespmem:s7+$0xFFFFFD00];
	_ =	sdelay $0x4  }
0x126: {  	v51 =	vshll.u32 v3, $0x1  }
0x127: {  	v3 =	vand.u32 $0x7, v3;
	v4 =	vand.u32 $0xFFFFFFF0, v51  }
0x128: {  	v3 =	vor.u32 v3, v4  }
0x129: {  	v4 =	vperm.xlane v3, v0;
	_ =	sdelay $0x1  }
0x12a: {  	v3 =	vperm.xlane v3, v2;
	v4 =	vadd.s32 v1, v4;
	_ =	sdelay $0x1  }
0x12b: {  	v3 =	vadd.s32 v1, v3;
	_ =	sdelay $0x1  }
0x12c: {  	s13 =	simm.s32 $0x5800  }
0x12d: {  	[tilespmem:s13], [sflag:$0x2] =	stream.indirect_vreg.gather [hbm4b:s2+s3], $0x80, v4, vm0, $0xb8;
	[tilespmem:$0x12800] =	vst v63  }
0x12e: {  	s13 =	simm.s32 $0x6000  }
0x12f: {  	[tilespmem:s13], [sflag:$0x2] =	stream.indirect_vreg.gather [hbm4b:s2+s3], $0x80, v3, vm0, $0xb8;
	[tilespmem:$0x12800] =	vst v63  }
0x130: {  	_ =	swait.ge [sflag:s28], $0x2000  }
0x131: {  	[sflag:s28] =	ssyncset.done $0x0  }
0x132: {  	[sflag:s28] =	ssyncadd.s32 $0xFFFFE000  }
0x133: {  	v3 =	vld [tilespmem:s7+$0xFFFFFD70];
	_ =	sdelay $0x4  }
0x134: {  	v52 =	vshll.u32 v3, $0x1  }
0x135: {  	v3 =	vand.u32 $0x7, v3;
	v4 =	vand.u32 $0xFFFFFFF0, v52  }
0x136: {  	v3 =	vor.u32 v3, v4  }
0x137: {  	v4 =	vperm.xlane v3, v0;
	_ =	sdelay $0x1  }
0x138: {  	v3 =	vperm.xlane v3, v2;
	v4 =	vadd.s32 v1, v4;
	_ =	sdelay $0x1  }
0x139: {  	v3 =	vadd.s32 v1, v3;
	_ =	sdelay $0x2  }
0x13a: {  	[tilespmem:s16], [sflag:$0x3] =	stream.indirect_vreg.gather [hbm4b:s2+s3], $0x80, v4, vm0, $0xb8;
	[tilespmem:$0x12800] =	vst v63  }
0x13b: {  	s13 =	simm.s32 $0x7000  }
0x13c: {  	[tilespmem:s13], [sflag:$0x3] =	stream.indirect_vreg.gather [hbm4b:s2+s3], $0x80, v3, vm0, $0xb8;
	[tilespmem:$0x12800] =	vst v63  }
0x13d: {  	v3 =	vld [tilespmem:s7+$0xFFFFFD80];
	_ =	sdelay $0x4  }
0x13e: {  	v53 =	vshll.u32 v3, $0x1  }
0x13f: {  	v3 =	vand.u32 $0x7, v3;
	v4 =	vand.u32 $0xFFFFFFF0, v53  }
0x140: {  	v3 =	vor.u32 v3, v4  }
0x141: {  	v4 =	vperm.xlane v3, v0;
	_ =	sdelay $0x1  }
0x142: {  	v3 =	vperm.xlane v3, v2;
	v4 =	vadd.s32 v1, v4;
	_ =	sdelay $0x1  }
0x143: {  	v3 =	vadd.s32 v1, v3;
	_ =	sdelay $0x1  }
0x144: {  	s13 =	simm.s32 $0x7800  }
0x145: {  	[tilespmem:s13], [sflag:$0x3] =	stream.indirect_vreg.gather [hbm4b:s2+s3], $0x80, v4, vm0, $0xb8;
	[tilespmem:$0x12800] =	vst v63  }
0x146: {  	s13 =	simm.s32 $0x8000  }
0x147: {  	[tilespmem:s13], [sflag:$0x3] =	stream.indirect_vreg.gather [hbm4b:s2+s3], $0x80, v3, vm0, $0xb8;
	[tilespmem:$0x12800] =	vst v63  }
0x148: {  	_ =	swait.ge [sflag:s30], $0x2000  }
0x149: {  	[sflag:s30] =	ssyncset.done $0x0  }
0x14a: {  	[sflag:s30] =	ssyncadd.s32 $0xFFFFE000  }
0x14b: {  	v3 =	vld [tilespmem:s7+$0xFFFFFDF0];
	_ =	sdelay $0x4  }
0x14c: {  	v54 =	vshll.u32 v3, $0x1  }
0x14d: {  	v3 =	vand.u32 $0x7, v3;
	v4 =	vand.u32 $0xFFFFFFF0, v54  }
0x14e: {  	v3 =	vor.u32 v3, v4  }
0x14f: {  	v4 =	vperm.xlane v3, v0;
	_ =	sdelay $0x1  }
0x150: {  	v3 =	vperm.xlane v3, v2;
	v4 =	vadd.s32 v1, v4;
	_ =	sdelay $0x1  }
0x151: {  	v3 =	vadd.s32 v1, v3;
	_ =	sdelay $0x2  }
0x152: {  	[tilespmem:s20], [sflag:$0x4] =	stream.indirect_vreg.gather [hbm4b:s2+s3], $0x80, v4, vm0, $0xb8;
	[tilespmem:$0x12800] =	vst v63  }
0x153: {  	s13 =	simm.s32 $0x9000  }
0x154: {  	[tilespmem:s13], [sflag:$0x4] =	stream.indirect_vreg.gather [hbm4b:s2+s3], $0x80, v3, vm0, $0xb8;
	[tilespmem:$0x12800] =	vst v63  }
0x155: {  	v3 =	vld [tilespmem:s7+$0xFFFFFE00];
	_ =	sdelay $0x4  }
0x156: {  	v55 =	vshll.u32 v3, $0x1  }
0x157: {  	v3 =	vand.u32 $0x7, v3;
	v4 =	vand.u32 $0xFFFFFFF0, v55  }
0x158: {  	v3 =	vor.u32 v3, v4  }
0x159: {  	v4 =	vperm.xlane v3, v0;
	_ =	sdelay $0x1  }
0x15a: {  	v3 =	vperm.xlane v3, v2;
	v4 =	vadd.s32 v1, v4;
	_ =	sdelay $0x1  }
0x15b: {  	v3 =	vadd.s32 v1, v3;
	_ =	sdelay $0x1  }
0x15c: {  	s13 =	simm.s32 $0x9800  }
0x15d: {  	[tilespmem:s13], [sflag:$0x4] =	stream.indirect_vreg.gather [hbm4b:s2+s3], $0x80, v4, vm0, $0xb8;
	[tilespmem:$0x12800] =	vst v63  }
0x15e: {  	s13 =	simm.s32 $0xA000  }
0x15f: {  	[tilespmem:s13], [sflag:$0x4] =	stream.indirect_vreg.gather [hbm4b:s2+s3], $0x80, v3, vm0, $0xb8;
	[tilespmem:$0x12800] =	vst v63  }
0x160: {  	_ =	swait.ge [sflag:s31], $0x2000  }
0x161: {  	[sflag:s31] =	ssyncset.done $0x0  }
0x162: {  	[sflag:s31] =	ssyncadd.s32 $0xFFFFE000  }
0x163: {  	v3 =	vld [tilespmem:s7+$0xFFFFFE70];
	_ =	sdelay $0x4  }
0x164: {  	v56 =	vshll.u32 v3, $0x1  }
0x165: {  	v3 =	vand.u32 $0x7, v3;
	v4 =	vand.u32 $0xFFFFFFF0, v56  }
0x166: {  	v3 =	vor.u32 v3, v4  }
0x167: {  	v4 =	vperm.xlane v3, v0;
	_ =	sdelay $0x1  }
0x168: {  	v3 =	vperm.xlane v3, v2;
	v4 =	vadd.s32 v1, v4;
	_ =	sdelay $0x1  }
0x169: {  	v3 =	vadd.s32 v1, v3;
	_ =	sdelay $0x2  }
0x16a: {  	[tilespmem:s24], [sflag:$0x5] =	stream.indirect_vreg.gather [hbm4b:s2+s3], $0x80, v4, vm0, $0xb8;
	[tilespmem:$0x12800] =	vst v63  }
0x16b: {  	s13 =	simm.s32 $0xB000  }
0x16c: {  	[tilespmem:s13], [sflag:$0x5] =	stream.indirect_vreg.gather [hbm4b:s2+s3], $0x80, v3, vm0, $0xb8;
	[tilespmem:$0x12800] =	vst v63  }
0x16d: {  	v3 =	vld [tilespmem:s7+$0xFFFFFE80];
	_ =	sdelay $0x4  }
0x16e: {  	v57 =	vshll.u32 v3, $0x1  }
0x16f: {  	v3 =	vand.u32 $0x7, v3;
	v4 =	vand.u32 $0xFFFFFFF0, v57  }
0x170: {  	v3 =	vor.u32 v3, v4  }
0x171: {  	v4 =	vperm.xlane v3, v0;
	_ =	sdelay $0x1  }
0x172: {  	v3 =	vperm.xlane v3, v2;
	v4 =	vadd.s32 v1, v4;
	_ =	sdelay $0x1  }
0x173: {  	v3 =	vadd.s32 v1, v3;
	_ =	sdelay $0x1  }
0x174: {  	s13 =	simm.s32 $0xB800  }
0x175: {  	[tilespmem:s13], [sflag:$0x5] =	stream.indirect_vreg.gather [hbm4b:s2+s3], $0x80, v4, vm0, $0xb8;
	[tilespmem:$0x12800] =	vst v63  }
0x176: {  	s13 =	simm.s32 $0xC000  }
0x177: {  	[tilespmem:s13], [sflag:$0x5] =	stream.indirect_vreg.gather [hbm4b:s2+s3], $0x80, v3, vm0, $0xb8;
	[tilespmem:$0x12800] =	vst v63  }
0x178: {  	_ =	swait.ge [sflag:s0], $0x2000  }
0x179: {  	[sflag:s0] =	ssyncset.done $0x0  }
0x17a: {  	[sflag:s0] =	ssyncadd.s32 $0xFFFFE000  }
0x17b: {  	v3 =	vld [tilespmem:s7+$0xFFFFFEF0];
	_ =	sdelay $0x4  }
0x17c: {  	v58 =	vshll.u32 v3, $0x1  }
0x17d: {  	v3 =	vand.u32 $0x7, v3;
	v4 =	vand.u32 $0xFFFFFFF0, v58  }
0x17e: {  	v3 =	vor.u32 v3, v4  }
0x17f: {  	v4 =	vperm.xlane v3, v0;
	_ =	sdelay $0x1  }
0x180: {  	v3 =	vperm.xlane v3, v2;
	v4 =	vadd.s32 v1, v4;
	_ =	sdelay $0x1  }
0x181: {  	v3 =	vadd.s32 v1, v3;
	_ =	sdelay $0x2  }
0x182: {  	[tilespmem:s29], [sflag:$0x6] =	stream.indirect_vreg.gather [hbm4b:s2+s3], $0x80, v4, vm0, $0xb8;
	[tilespmem:$0x12800] =	vst v63  }
0x183: {  	s13 =	simm.s32 $0xD000  }
0x184: {  	[tilespmem:s13], [sflag:$0x6] =	stream.indirect_vreg.gather [hbm4b:s2+s3], $0x80, v3, vm0, $0xb8;
	[tilespmem:$0x12800] =	vst v63  }
0x185: {  	v3 =	vld [tilespmem:s7+$0xFFFFFF00];
	_ =	sdelay $0x4  }
0x186: {  	v59 =	vshll.u32 v3, $0x1  }
0x187: {  	v3 =	vand.u32 $0x7, v3;
	v4 =	vand.u32 $0xFFFFFFF0, v59  }
0x188: {  	v3 =	vor.u32 v3, v4  }
0x189: {  	v4 =	vperm.xlane v3, v0;
	_ =	sdelay $0x1  }
0x18a: {  	v3 =	vperm.xlane v3, v2;
	v4 =	vadd.s32 v1, v4;
	_ =	sdelay $0x1  }
0x18b: {  	v3 =	vadd.s32 v1, v3;
	_ =	sdelay $0x1  }
0x18c: {  	s13 =	simm.s32 $0xD800  }
0x18d: {  	[tilespmem:s13], [sflag:$0x6] =	stream.indirect_vreg.gather [hbm4b:s2+s3], $0x80, v4, vm0, $0xb8;
	[tilespmem:$0x12800] =	vst v63  }
0x18e: {  	s13 =	simm.s32 $0xE000  }
0x18f: {  	[tilespmem:s13], [sflag:$0x6] =	stream.indirect_vreg.gather [hbm4b:s2+s3], $0x80, v3, vm0, $0xb8;
	[tilespmem:$0x12800] =	vst v63  }
0x190: {  	_ =	swait.ge [sflag:s4], $0x2000  }
0x191: {  	[sflag:s4] =	ssyncset.done $0x0  }
0x192: {  	[sflag:s4] =	ssyncadd.s32 $0xFFFFE000  }
0x193: {  	v3 =	vld [tilespmem:s7+$0xFFFFFF70];
	_ =	sdelay $0x4  }
0x194: {  	v60 =	vshll.u32 v3, $0x1  }
0x195: {  	v3 =	vand.u32 $0x7, v3;
	v4 =	vand.u32 $0xFFFFFFF0, v60  }
0x196: {  	v3 =	vor.u32 v3, v4  }
0x197: {  	v4 =	vperm.xlane v3, v0;
	_ =	sdelay $0x1  }
0x198: {  	v3 =	vperm.xlane v3, v2;
	v4 =	vadd.s32 v1, v4;
	_ =	sdelay $0x1  }
0x199: {  	v3 =	vadd.s32 v1, v3;
	_ =	sdelay $0x2  }
0x19a: {  	[tilespmem:s1], [sflag:$0x7] =	stream.indirect_vreg.gather [hbm4b:s2+s3], $0x80, v4, vm0, $0xb8;
	[tilespmem:$0x12800] =	vst v63  }
0x19b: {  	s13 =	simm.s32 $0xF000  }
0x19c: {  	[tilespmem:s13], [sflag:$0x7] =	stream.indirect_vreg.gather [hbm4b:s2+s3], $0x80, v3, vm0, $0xb8;
	[tilespmem:$0x12800] =	vst v63  }
0x19d: {  	v3 =	vld [tilespmem:s7+$0xFFFFFF80];
	_ =	sdelay $0x4  }
0x19e: {  	v61 =	vshll.u32 v3, $0x1  }
0x19f: {  	v3 =	vand.u32 $0x7, v3;
	v4 =	vand.u32 $0xFFFFFFF0, v61  }
0x1a0: {  	v3 =	vor.u32 v3, v4  }
0x1a1: {  	v4 =	vperm.xlane v3, v0;
	_ =	sdelay $0x1  }
0x1a2: {  	v3 =	vperm.xlane v3, v2;
	v4 =	vadd.s32 v1, v4;
	_ =	sdelay $0x1  }
0x1a3: {  	v3 =	vadd.s32 v1, v3;
	_ =	sdelay $0x1  }
0x1a4: {  	s13 =	simm.s32 $0xF800  }
0x1a5: {  	[tilespmem:s13], [sflag:$0x7] =	stream.indirect_vreg.gather [hbm4b:s2+s3], $0x80, v4, vm0, $0xb8;
	[tilespmem:$0x12800] =	vst v63  }
0x1a6: {  	s13 =	simm.s32 $0x10000  }
0x1a7: {  	[tilespmem:s13], [sflag:$0x7] =	stream.indirect_vreg.gather [hbm4b:s2+s3], $0x80, v3, vm0, $0xb8;
	[tilespmem:$0x12800] =	vst v63  }
0x1a8: {  	_ =	swait.ge [sflag:s5], $0x2000  }
0x1a9: {  	[sflag:s5] =	ssyncset.done $0x0  }
0x1aa: {  	[sflag:s5] =	ssyncadd.s32 $0xFFFFE000  }
0x1ab: {  	v3 =	vld [tilespmem:s7+$0xFFFFFFF0];
	_ =	sdelay $0x4  }
0x1ac: {  	v62 =	vshll.u32 v3, $0x1  }
0x1ad: {  	v3 =	vand.u32 $0x7, v3;
	v4 =	vand.u32 $0xFFFFFFF0, v62  }
0x1ae: {  	v3 =	vor.u32 v3, v4  }
0x1af: {  	v4 =	vperm.xlane v3, v0;
	_ =	sdelay $0x1  }
0x1b0: {  	v3 =	vperm.xlane v3, v2;
	v4 =	vadd.s32 v1, v4;
	_ =	sdelay $0x1  }
0x1b1: {  	v3 =	vadd.s32 v1, v3;
	_ =	sdelay $0x2  }
0x1b2: {  	[tilespmem:s9], [sflag:$0x8] =	stream.indirect_vreg.gather [hbm4b:s2+s3], $0x80, v4, vm0, $0xb8;
	[tilespmem:$0x12800] =	vst v63  }
0x1b3: {  	s13 =	simm.s32 $0x11000  }
0x1b4: {  	[tilespmem:s13], [sflag:$0x8] =	stream.indirect_vreg.gather [hbm4b:s2+s3], $0x80, v3, vm0, $0xb8;
	[tilespmem:$0x12800] =	vst v63  }
0x1b5: {  	v3 =	vld [tilespmem:s7+$0x0];
	_ =	sdelay $0x4  }
0x1b6: {  	v63 =	vshll.u32 v3, $0x1  }
0x1b7: {  	v3 =	vand.u32 $0x7, v3;
	v4 =	vand.u32 $0xFFFFFFF0, v63  }
0x1b8: {  	v3 =	vor.u32 v3, v4  }
0x1b9: {  	v4 =	vperm.xlane v3, v0;
	_ =	sdelay $0x1  }
0x1ba: {  	v3 =	vperm.xlane v3, v2;
	v4 =	vadd.s32 v1, v4;
	_ =	sdelay $0x1  }
0x1bb: {  	v3 =	vadd.s32 v1, v3  }
.Ltmp3:
0x1bc: {  	_ = 	snop;
	(pc) =	sbr.rel .LBB2_2-.Ltmp3, $4  }
0x1bd: {  	s13 =	simm.s32 $0x11800  }
0x1be: {  	[tilespmem:s13], [sflag:$0x8] =	stream.indirect_vreg.gather [hbm4b:s2+s3], $0x80, v4, vm0, $0xb8;
	[tilespmem:$0x12800] =	vst v63  }
0x1bf: {  	s10 =	sadd.s32 $0x2000, s10;
	s7 =	sadd.s32 $0x400, s7;
	s13 =	simm.s32 $0x12000  }
0x1c0: {  	[tilespmem:s13], [sflag:$0x8] =	stream.indirect_vreg.gather [hbm4b:s2+s3], $0x80, v3, vm0, $0xb8;
	[tilespmem:$0x12800] =	vst v63  }
.LBB2_5:
0x1c1: {  	_ =	sfence.sel $0x180000  }
0x1c2: {  	[bflag:$0x0] =	sbarrier.arrive $0xFFFF  }
0x1c3: {  	_ =	strace $0x90000047  }
0x1c4: {  	s0 =	stileid.u32;
	[bflag:$0x2] =	sbarrier.arrive $0xFFFF  }
0x1c5: {  	p0 =	sne.s32 s0, $0x0;
	s0 =	rddreg [dreg:$0x3]  }
0x1c6: {  	s0 =	sadd.s32 @!p0 $0x100000, s0  }
0x1c7: {  	[sflag:s0] =	ssyncadd.tile.s32 @!p0 $0x1;
	_ =	shalt  }
.Lfunc_end2:
_tile_overlayer_lowered:
.L_overlay_start_2:
0x1c8: {  	(tag) =	ssettag $0x2  }
0x1c9: {  	s0 =	rddreg [dreg:$0x0];
	s2 =	stileid.u32  }
0x1ca: {  	s1 =	rddreg [dreg:$0x1];
	p0 =	sne.s32 s2, $0x0  }
0x1cb: {  	s3 =	rddreg [dreg:$0x2];
	[bflag:$0x3] =	sbarrier.arrive $0xFFFF;
	s2 =	simm.s32 @!p0 $0x1C11  }
0x1cc: {  	[timem:s3], [sflag:s2] =	dma.local @!p0 [hbm:s0], s1  }
0x1cd: {  	s0 =	simm.s32 @!p0 $0x11  }
0x1ce: {  	_ =	swait.ge @!p0 [sflag:s0], s1  }
0x1cf: {  	s1 =	ssub.s32 @!p0 $0x0, s1;
	[sflag:s0] =	ssyncset.done @!p0 $0x0  }
0x1d0: {  	[sflag:s0] =	ssyncadd.s32 @!p0 s1  }
0x1d1: {  	[bflag:$0x3] =	sbarrier.arrive $0xFFFF  }
0x1d2: {  	_ =	shalt  }

</sc_bundles>
